<compile_context>
chip_gen: v7x
topology: tpu7x:2x2x1
jax: 0.10.2.dev20260603
libtpu: 0.0.44.dev20260713+nightly
codegen_flags: <defaults>
</compile_context>

<pallas_src>
import jax
import jax.numpy as jnp
from jax import lax
from jax.experimental import pallas as pl
from jax.experimental.pallas import tpu as pltpu
from jax.experimental.pallas import tpu_sc as plsc

N_TOKENS = 32768
B_SEGS = 16
N_WORKERS = 16
CHUNK = N_TOKENS // N_WORKERS
LANES = 16
UNROLL = 2
PAD = UNROLL * LANES


def _merge(am, ai, bm, bi):
    better = (bm > am) | ((bm == am) & (bi < ai))
    return jnp.where(better, bm, am), jnp.where(better, bi, ai)


def _tree_merge(pairs):
    while len(pairs) > 1:
        nxt = []
        for i in range(0, len(pairs) - 1, 2):
            am, ai = pairs[i]
            bm, bi = pairs[i + 1]
            nxt.append(_merge(am, ai, bm, bi))
        if len(pairs) % 2:
            nxt.append(pairs[-1])
        pairs = nxt
    return pairs[0]


def _jagged_argmax_body(values_hbm, ps_hbm, out_hbm,
                        vals_v, ps_v, pub_v, mrg_v, ans_v,
                        cmtab_v, citab_v, sh_pub, vals_sem, ps_sem):
    cid = lax.axis_index("c")
    sid = lax.axis_index("s")

    @pl.when(cid == 0)
    def _():
        lo = sid * CHUNK
        vals_cp = pltpu.async_copy(values_hbm.at[pl.ds(lo, CHUNK)],
                                   vals_v.at[pl.ds(0, CHUNK)], vals_sem)
        ps_cp = pltpu.async_copy(ps_hbm, ps_v, ps_sem)
        ps_cp.wait()

        lane = lax.iota(jnp.int32, LANES)
        ninf = jnp.full((LANES,), -jnp.inf, jnp.float32)
        sent = jnp.full((LANES,), N_TOKENS, jnp.int32)

        ps_vec = ps_v[...]
        vals_cp.wait()
        for k in range(B_SEGS):
            start = ps_vec[k - 1] if k > 0 else jnp.int32(0)
            end = ps_vec[k]
            a = jnp.maximum(start, lo)
            b = jnp.minimum(end, lo + CHUNK)
            va = lax.shift_right_logical(a, 4)
            vb = lax.shift_right_logical(b + (LANES - 1), 4)

            @pl.loop(va, vb, init_carry=(ninf, sent), step=UNROLL)
            def scan(j, carry, a=a, b=b, lo=lo):
                cm, ci = carry
                for u in range(UNROLL):
                    off = (j + u) * LANES
                    v = vals_v[pl.ds(off - lo, LANES)]
                    pos = off + lane
                    valid = (pos >= a) & (pos < b)
                    vm = jnp.where(valid, v, ninf)
                    upd = vm > cm
                    cm = jnp.where(upd, vm, cm)
                    ci = jnp.where(upd, pos, ci)
                return cm, ci

            cm, ci = scan
            cmtab_v[pl.ds(k * LANES, LANES)] = cm
            citab_v[pl.ds(k * LANES, LANES)] = ci

        cols = []
        for l in range(LANES):
            tm = plsc.load_gather(cmtab_v, [lane * LANES + l])
            ti = plsc.load_gather(citab_v, [lane * LANES + l])
            cols.append((tm, ti))
        pm, pi = _tree_merge(cols)

        pub_v[pl.ds(0, LANES)] = pm
        pub_v[pl.ds(LANES, LANES)] = plsc.bitcast(pi, jnp.float32)
        pltpu.sync_copy(pub_v, sh_pub.at[pl.ds(sid * 2 * LANES, 2 * LANES)])
        plsc.subcore_barrier()

        @pl.when(sid == 0)
        def _():
            pltpu.sync_copy(sh_pub, mrg_v)
            rows = []
            for w in range(N_WORKERS):
                wm = mrg_v[pl.ds(w * 2 * LANES, LANES)]
                wi = plsc.bitcast(mrg_v[pl.ds(w * 2 * LANES + LANES, LANES)],
                                  jnp.int32)
                rows.append((wm, wi))
            cm, ci = _tree_merge(rows)
            ans_v[...] = jnp.where(ci >= N_TOKENS, -1, ci)
            pltpu.sync_copy(ans_v, out_hbm)


@jax.jit
def kernel(values, prefix_sum):
    ps32 = prefix_sum.astype(jnp.int32)
    mesh = plsc.VectorSubcoreMesh(
        core_axis_name="c", subcore_axis_name="s", num_cores=1, num_subcores=16
    )
    out = pl.kernel(
        _jagged_argmax_body,
        out_type=jax.ShapeDtypeStruct((B_SEGS,), jnp.int32),
        mesh=mesh,
        compiler_params=pltpu.CompilerParams(needs_layout_passes=False),
        scratch_types=[
            pltpu.VMEM((CHUNK + PAD,), jnp.float32),
            pltpu.VMEM((B_SEGS,), jnp.int32),
            pltpu.VMEM((2 * LANES,), jnp.float32),
            pltpu.VMEM((N_WORKERS * 2 * LANES,), jnp.float32),
            pltpu.VMEM((B_SEGS,), jnp.int32),
            pltpu.VMEM((B_SEGS * LANES,), jnp.float32),
            pltpu.VMEM((B_SEGS * LANES,), jnp.int32),
            pltpu.VMEM_SHARED((N_WORKERS * 2 * LANES,), jnp.float32),
            pltpu.SemaphoreType.DMA,
            pltpu.SemaphoreType.DMA,
        ],
    )(values, ps32)
    return out.astype(prefix_sum.dtype)

# --- scband reference (transcript-rebuilt; emitter-appended) ---
"""Pipeline reference for scband-jagged-argmax-module-49314814492716 (READ-ONLY COPY).

The authoritative reference and input builder live on the scoring server;
editing this copy changes nothing except your own understanding.
"""

import jax, jax.numpy as jnp
import numpy as np

TOTAL_TOKENS = 32768
BATCH = 16


def setup_inputs(seed: int = 0) -> dict:
    key = jax.random.key(seed)
    k1, k2 = jax.random.split(key)
    values = jax.random.normal(k1, (TOTAL_TOKENS,), dtype=jnp.float32)
    prefix_sum = jnp.sort(
        jax.random.randint(k2, (BATCH,), 0, TOTAL_TOKENS).astype(jnp.int64)
    )
    return {"values": values, "prefix_sum": prefix_sum}


def reference(values, prefix_sum):
    # JaggedArgmax: segment i spans [prefix_sum[i-1], prefix_sum[i]) (start of
    # segment 0 is 0). Returns the GLOBAL flat index of the max element of each
    # segment (-1 for empty segments).
    N = values.shape[0]
    B = prefix_sum.shape[0]
    pos = jnp.arange(N, dtype=jnp.int64)
    # seg_ids[j] = number of prefix_sum entries <= j  (side='right')
    seg_ids = jnp.searchsorted(prefix_sum, pos, side='right')
    seg_ids_c = jnp.clip(seg_ids, 0, B - 1)
    valid = seg_ids < B  # tokens past prefix_sum[-1] belong to no segment
    # per-segment max value
    seg_max = jax.ops.segment_max(
        jnp.where(valid, values, -jnp.inf), seg_ids_c, num_segments=B
    )
    # candidate global indices: positions attaining the segment max
    is_max = (values == seg_max[seg_ids_c]) & valid
    cand = jnp.where(is_max, pos, jnp.int64(N))
    out = jax.ops.segment_min(cand, seg_ids_c, num_segments=B)
    # empty segments (or no candidate) -> -1
    out = jnp.where(out >= N, jnp.int64(-1), out)
    return out

if __name__ == "__main__":
    import jax
    _d = setup_inputs()
    print(jax.jit(kernel)(*tuple(_d.values())))

</pallas_src>

<mosaic_0001>
#map = affine_map<(d0, d1) -> (0)>
module attributes {stable_mosaic.version = 14 : i64} {
  func.func @_jagged_argmax_body(%arg0: i32, %arg1: i32, %arg2: memref<32768xf32, #tpu.memory_space<hbm>>, %arg3: memref<16xi32, #tpu.memory_space<hbm>>, %arg4: memref<16xi32, #tpu.memory_space<hbm>>, %arg5: memref<2080xf32, #tpu.memory_space<vmem>>, %arg6: memref<16xi32, #tpu.memory_space<vmem>>, %arg7: memref<32xf32, #tpu.memory_space<vmem>>, %arg8: memref<512xf32, #tpu.memory_space<vmem>>, %arg9: memref<16xi32, #tpu.memory_space<vmem>>, %arg10: memref<256xf32, #tpu.memory_space<vmem>>, %arg11: memref<256xi32, #tpu.memory_space<vmem>>, %arg12: memref<512xf32, #tpu.memory_space<vmem_shared>>, %arg13: memref<!tpu.dma_semaphore, #tpu.memory_space<semaphore_mem>>, %arg14: memref<!tpu.dma_semaphore, #tpu.memory_space<semaphore_mem>>) attributes {dimension_semantics = [#tpu.dimension_semantics<core_parallel>, #tpu.dimension_semantics<subcore_parallel>], iteration_bounds = array<i64: 1, 16>, scalar_prefetch = 0 : i64, scratch_operands = 10 : i64, tpu.core_type = #tpu.core_type<sc_vector_subcore>, window_params = [{transform_indices = #map}, {transform_indices = #map}, {transform_indices = #map}]} {
    %eq3A = arith.constant 0 : i32
    %eq3A_0 = arith.cmpi eq, %arg0, %eq3A : i32
    %convert_element_type3A = arith.extui %eq3A_0 : i1 to i32
    %cond3A = arith.constant 0 : i32
    %cond3A_1 = arith.cmpi ne, %convert_element_type3A, %cond3A : i32
    scf.if %cond3A_1 {
      %mul3A = arith.constant 2048 : i32
      %mul3A_2 = arith.muli %arg1, %mul3A : i32
      %dma_start3A = arith.constant 0 : i32
      %dma_start3A_3 = tpu.memref_slice %arg5[%dma_start3A] : memref<2080xf32, #tpu.memory_space<vmem>> -> memref<2048xf32, #tpu.memory_space<vmem>>
      %dma_start3A_4 = tpu.memref_slice %arg2[%mul3A_2] : memref<32768xf32, #tpu.memory_space<hbm>> -> memref<2048xf32, #tpu.memory_space<hbm>>
      %dma_start3A_5 = arith.constant 0 : i32
      %dma_start3A_6 = tpu.memref_slice %arg5[%dma_start3A_5] : memref<2080xf32, #tpu.memory_space<vmem>> -> memref<2048xf32, #tpu.memory_space<vmem>>
      %dma_start3A_7 = tpu.memref_slice %arg2[%mul3A_2] : memref<32768xf32, #tpu.memory_space<hbm>> -> memref<2048xf32, #tpu.memory_space<hbm>>
      tpu.enqueue_dma source(%dma_start3A_7 : memref<2048xf32, #tpu.memory_space<hbm>>) target(%dma_start3A_6 : memref<2048xf32, #tpu.memory_space<vmem>>) target_semaphore(%arg13 : memref<!tpu.dma_semaphore, #tpu.memory_space<semaphore_mem>>)
      tpu.enqueue_dma source(%arg3 : memref<16xi32, #tpu.memory_space<hbm>>) target(%arg6 : memref<16xi32, #tpu.memory_space<vmem>>) target_semaphore(%arg14 : memref<!tpu.dma_semaphore, #tpu.memory_space<semaphore_mem>>)
      tpu.wait_dma2 semaphore(%arg14 : memref<!tpu.dma_semaphore, #tpu.memory_space<semaphore_mem>>) src(%arg3 : memref<16xi32, #tpu.memory_space<hbm>>) dst(%arg6 : memref<16xi32, #tpu.memory_space<vmem>>)
      %iota3A = tpu.iota {dimensions = array<i32: 0>} : vector<16xi32>
      %broadcast_in_dim3A = arith.constant 0xFF800000 : f32
      %broadcast_in_dim3A_8 = vector.broadcast %broadcast_in_dim3A : f32 to vector<16xf32>
      %broadcast_in_dim3A_9 = arith.constant 32768 : i32
      %broadcast_in_dim3A_10 = vector.broadcast %broadcast_in_dim3A_9 : i32 to vector<16xi32>
      %get3A = arith.constant 0 : index
      %get3A_11 = tpu.vector_load %arg6[%get3A] {strides = array<i32>} : memref<16xi32, #tpu.memory_space<vmem>>, vector<16xi32>,
      %dma_wait3A = arith.constant 0 : i32
      %dma_wait3A_12 = tpu.memref_slice %arg5[%dma_wait3A] : memref<2080xf32, #tpu.memory_space<vmem>> -> memref<2048xf32, #tpu.memory_space<vmem>>
      %dma_wait3A_13 = tpu.memref_slice %arg2[%mul3A_2] : memref<32768xf32, #tpu.memory_space<hbm>> -> memref<2048xf32, #tpu.memory_space<hbm>>
      %dma_wait3A_14 = arith.constant 0 : i32
      %dma_wait3A_15 = tpu.memref_slice %arg5[%dma_wait3A_14] : memref<2080xf32, #tpu.memory_space<vmem>> -> memref<2048xf32, #tpu.memory_space<vmem>>
      %dma_wait3A_16 = tpu.memref_slice %arg2[%mul3A_2] : memref<32768xf32, #tpu.memory_space<hbm>> -> memref<2048xf32, #tpu.memory_space<hbm>>
      tpu.wait_dma2 semaphore(%arg13 : memref<!tpu.dma_semaphore, #tpu.memory_space<semaphore_mem>>) src(%dma_wait3A_16 : memref<2048xf32, #tpu.memory_space<hbm>>) dst(%dma_wait3A_15 : memref<2048xf32, #tpu.memory_space<vmem>>)
      %slice3A = vector.extract_strided_slice %get3A_11 {offsets = [0], sizes = [1], strides = [1]} : vector<16xi32> to vector<1xi32>
      %squeeze3A = vector.extract %slice3A[0] : i32 from vector<1xi32>
      %max3A = arith.constant 0 : i32
      %max3A_17 = arith.maxsi %max3A, %mul3A_2 : i32
      %add3A = arith.constant 2048 : i32
      %add3A_18 = arith.addi %mul3A_2, %add3A : i32
      %min3A = arith.minsi %squeeze3A, %add3A_18 : i32
      %shift_right_logical3A = arith.constant 4 : i32
      %shift_right_logical3A_19 = arith.shrui %max3A_17, %shift_right_logical3A : i32
      %add3A_20 = arith.constant 15 : i32
      %add3A_21 = arith.addi %min3A, %add3A_20 : i32
      %shift_right_logical3A_22 = arith.constant 4 : i32
      %shift_right_logical3A_23 = arith.shrui %add3A_21, %shift_right_logical3A_22 : i32
      %sub3A = arith.subi %shift_right_logical3A_23, %shift_right_logical3A_19 : i32
      %sub3A_24 = arith.constant 2 : i32
      %sub3A_25 = arith.constant 1 : i32
      %sub3A_26 = arith.subi %sub3A_24, %sub3A_25 : i32
      %add3A_27 = arith.addi %sub3A, %sub3A_26 : i32
      %div3A = arith.constant 2 : i32
      %div3A_28 = arith.divsi %add3A_27, %div3A : i32
      %while3A = arith.constant 2 : i32
      %while3A_29 = arith.constant 0 : i32
      %while3A_30 = arith.subi %div3A_28, %while3A_29 : i32
      %while3A_31 = arith.addi %while3A_29, %while3A_30 : i32
      %while3A_32 = arith.constant 1 : i32
      %while3A_33 = arith.divsi %while3A_30, %while3A_32 : i32
      %while3A_34 = arith.muli %while3A_33, %while3A_32 : i32
      %while3A_35 = arith.addi %while3A_29, %while3A_34 : i32
      %while3A_36 = arith.constant 1 : i32
      %while3A_37:2 = scf.for %while3A_934 = %while3A_29 to %while3A_35 step %while3A_36 iter_args(%while3A_935 = %broadcast_in_dim3A_8, %while3A_936 = %broadcast_in_dim3A_10) -> (vector<16xf32>, vector<16xi32>)  : i32 {
        %mul3A_937 = arith.muli %while3A_934, %while3A : i32
        %add3A_938 = arith.addi %shift_right_logical3A_19, %mul3A_937 : i32
        %add3A_939 = arith.constant 0 : i32
        %add3A_940 = arith.addi %add3A_938, %add3A_939 : i32
        %mul3A_941 = arith.constant 16 : i32
        %mul3A_942 = arith.muli %add3A_940, %mul3A_941 : i32
        %sub3A_943 = arith.subi %mul3A_942, %mul3A_2 : i32
        %get3A_944 = arith.index_cast %sub3A_943 : i32 to index
        %get3A_945 = tpu.vector_load %arg5[%get3A_944] {strides = array<i32>} : memref<2080xf32, #tpu.memory_space<vmem>>, vector<16xf32>,
        %add3A_946 = vector.broadcast %mul3A_942 : i32 to vector<16xi32>
        %add3A_947 = arith.addi %add3A_946, %iota3A : vector<16xi32>
        %ge3A = vector.broadcast %max3A_17 : i32 to vector<16xi32>
        %ge3A_948 = arith.cmpi sge, %add3A_947, %ge3A : vector<16xi32>
        %lt3A_949 = vector.broadcast %min3A : i32 to vector<16xi32>
        %lt3A_950 = arith.cmpi slt, %add3A_947, %lt3A_949 : vector<16xi32>
        %and3A_951 = arith.andi %ge3A_948, %lt3A_950 : vector<16xi1>
        %select_n3A_952 = arith.select %and3A_951, %get3A_945, %broadcast_in_dim3A_8 : vector<16xi1>, vector<16xf32>
        %gt3A_953 = arith.cmpf ogt, %select_n3A_952, %while3A_935 : vector<16xf32>
        %select_n3A_954 = arith.select %gt3A_953, %select_n3A_952, %while3A_935 : vector<16xi1>, vector<16xf32>
        %select_n3A_955 = arith.select %gt3A_953, %add3A_947, %while3A_936 : vector<16xi1>, vector<16xi32>
        %add3A_956 = arith.constant 1 : i32
        %add3A_957 = arith.addi %add3A_938, %add3A_956 : i32
        %mul3A_958 = arith.constant 16 : i32
        %mul3A_959 = arith.muli %add3A_957, %mul3A_958 : i32
        %sub3A_960 = arith.subi %mul3A_959, %mul3A_2 : i32
        %get3A_961 = arith.index_cast %sub3A_960 : i32 to index
        %get3A_962 = tpu.vector_load %arg5[%get3A_961] {strides = array<i32>} : memref<2080xf32, #tpu.memory_space<vmem>>, vector<16xf32>,
        %add3A_963 = vector.broadcast %mul3A_959 : i32 to vector<16xi32>
        %add3A_964 = arith.addi %add3A_963, %iota3A : vector<16xi32>
        %ge3A_965 = vector.broadcast %max3A_17 : i32 to vector<16xi32>
        %ge3A_966 = arith.cmpi sge, %add3A_964, %ge3A_965 : vector<16xi32>
        %lt3A_967 = vector.broadcast %min3A : i32 to vector<16xi32>
        %lt3A_968 = arith.cmpi slt, %add3A_964, %lt3A_967 : vector<16xi32>
        %and3A_969 = arith.andi %ge3A_966, %lt3A_968 : vector<16xi1>
        %select_n3A_970 = arith.select %and3A_969, %get3A_962, %broadcast_in_dim3A_8 : vector<16xi1>, vector<16xf32>
        %gt3A_971 = arith.cmpf ogt, %select_n3A_970, %select_n3A_954 : vector<16xf32>
        %select_n3A_972 = arith.select %gt3A_971, %select_n3A_970, %select_n3A_954 : vector<16xi1>, vector<16xf32>
        %select_n3A_973 = arith.select %gt3A_971, %add3A_964, %select_n3A_955 : vector<16xi1>, vector<16xi32>
        scf.yield %select_n3A_972, %select_n3A_973 : vector<16xf32>, vector<16xi32>
      }
      %while3A_38 = arith.constant 1 : i32
      %while3A_39:2 = scf.for %while3A_934 = %while3A_35 to %while3A_31 step %while3A_38 iter_args(%while3A_935 = %while3A_37#0, %while3A_936 = %while3A_37#1) -> (vector<16xf32>, vector<16xi32>)  : i32 {
        %mul3A_937 = arith.muli %while3A_934, %while3A : i32
        %add3A_938 = arith.addi %shift_right_logical3A_19, %mul3A_937 : i32
        %add3A_939 = arith.constant 0 : i32
        %add3A_940 = arith.addi %add3A_938, %add3A_939 : i32
        %mul3A_941 = arith.constant 16 : i32
        %mul3A_942 = arith.muli %add3A_940, %mul3A_941 : i32
        %sub3A_943 = arith.subi %mul3A_942, %mul3A_2 : i32
        %get3A_944 = arith.index_cast %sub3A_943 : i32 to index
        %get3A_945 = tpu.vector_load %arg5[%get3A_944] {strides = array<i32>} : memref<2080xf32, #tpu.memory_space<vmem>>, vector<16xf32>,
        %add3A_946 = vector.broadcast %mul3A_942 : i32 to vector<16xi32>
        %add3A_947 = arith.addi %add3A_946, %iota3A : vector<16xi32>
        %ge3A = vector.broadcast %max3A_17 : i32 to vector<16xi32>
        %ge3A_948 = arith.cmpi sge, %add3A_947, %ge3A : vector<16xi32>
        %lt3A_949 = vector.broadcast %min3A : i32 to vector<16xi32>
        %lt3A_950 = arith.cmpi slt, %add3A_947, %lt3A_949 : vector<16xi32>
        %and3A_951 = arith.andi %ge3A_948, %lt3A_950 : vector<16xi1>
        %select_n3A_952 = arith.select %and3A_951, %get3A_945, %broadcast_in_dim3A_8 : vector<16xi1>, vector<16xf32>
        %gt3A_953 = arith.cmpf ogt, %select_n3A_952, %while3A_935 : vector<16xf32>
        %select_n3A_954 = arith.select %gt3A_953, %select_n3A_952, %while3A_935 : vector<16xi1>, vector<16xf32>
        %select_n3A_955 = arith.select %gt3A_953, %add3A_947, %while3A_936 : vector<16xi1>, vector<16xi32>
        %add3A_956 = arith.constant 1 : i32
        %add3A_957 = arith.addi %add3A_938, %add3A_956 : i32
        %mul3A_958 = arith.constant 16 : i32
        %mul3A_959 = arith.muli %add3A_957, %mul3A_958 : i32
        %sub3A_960 = arith.subi %mul3A_959, %mul3A_2 : i32
        %get3A_961 = arith.index_cast %sub3A_960 : i32 to index
        %get3A_962 = tpu.vector_load %arg5[%get3A_961] {strides = array<i32>} : memref<2080xf32, #tpu.memory_space<vmem>>, vector<16xf32>,
        %add3A_963 = vector.broadcast %mul3A_959 : i32 to vector<16xi32>
        %add3A_964 = arith.addi %add3A_963, %iota3A : vector<16xi32>
        %ge3A_965 = vector.broadcast %max3A_17 : i32 to vector<16xi32>
        %ge3A_966 = arith.cmpi sge, %add3A_964, %ge3A_965 : vector<16xi32>
        %lt3A_967 = vector.broadcast %min3A : i32 to vector<16xi32>
        %lt3A_968 = arith.cmpi slt, %add3A_964, %lt3A_967 : vector<16xi32>
        %and3A_969 = arith.andi %ge3A_966, %lt3A_968 : vector<16xi1>
        %select_n3A_970 = arith.select %and3A_969, %get3A_962, %broadcast_in_dim3A_8 : vector<16xi1>, vector<16xf32>
        %gt3A_971 = arith.cmpf ogt, %select_n3A_970, %select_n3A_954 : vector<16xf32>
        %select_n3A_972 = arith.select %gt3A_971, %select_n3A_970, %select_n3A_954 : vector<16xi1>, vector<16xf32>
        %select_n3A_973 = arith.select %gt3A_971, %add3A_964, %select_n3A_955 : vector<16xi1>, vector<16xi32>
        scf.yield %select_n3A_972, %select_n3A_973 : vector<16xf32>, vector<16xi32>
      }
      %swap3A = arith.constant 0 : index
      %swap3A_40 = tpu.vector_load %arg10[%swap3A] {strides = array<i32>} : memref<256xf32, #tpu.memory_space<vmem>>, vector<16xf32>,
      tpu.vector_store %arg10[%swap3A], %while3A_39#0 {strides = array<i32>} : memref<256xf32, #tpu.memory_space<vmem>>, vector<16xf32>,
      %swap3A_41 = arith.constant 0 : index
      %swap3A_42 = tpu.vector_load %arg11[%swap3A_41] {strides = array<i32>} : memref<256xi32, #tpu.memory_space<vmem>>, vector<16xi32>,
      tpu.vector_store %arg11[%swap3A_41], %while3A_39#1 {strides = array<i32>} : memref<256xi32, #tpu.memory_space<vmem>>, vector<16xi32>,
      %slice3A_43 = vector.extract_strided_slice %get3A_11 {offsets = [0], sizes = [1], strides = [1]} : vector<16xi32> to vector<1xi32>
      %squeeze3A_44 = vector.extract %slice3A_43[0] : i32 from vector<1xi32>
      %slice3A_45 = vector.extract_strided_slice %get3A_11 {offsets = [1], sizes = [1], strides = [1]} : vector<16xi32> to vector<1xi32>
      %squeeze3A_46 = vector.extract %slice3A_45[0] : i32 from vector<1xi32>
      %max3A_47 = arith.maxsi %squeeze3A_44, %mul3A_2 : i32
      %add3A_48 = arith.constant 2048 : i32
      %add3A_49 = arith.addi %mul3A_2, %add3A_48 : i32
      %min3A_50 = arith.minsi %squeeze3A_46, %add3A_49 : i32
      %shift_right_logical3A_51 = arith.constant 4 : i32
      %shift_right_logical3A_52 = arith.shrui %max3A_47, %shift_right_logical3A_51 : i32
      %add3A_53 = arith.constant 15 : i32
      %add3A_54 = arith.addi %min3A_50, %add3A_53 : i32
      %shift_right_logical3A_55 = arith.constant 4 : i32
      %shift_right_logical3A_56 = arith.shrui %add3A_54, %shift_right_logical3A_55 : i32
      %sub3A_57 = arith.subi %shift_right_logical3A_56, %shift_right_logical3A_52 : i32
      %sub3A_58 = arith.constant 2 : i32
      %sub3A_59 = arith.constant 1 : i32
      %sub3A_60 = arith.subi %sub3A_58, %sub3A_59 : i32
      %add3A_61 = arith.addi %sub3A_57, %sub3A_60 : i32
      %div3A_62 = arith.constant 2 : i32
      %div3A_63 = arith.divsi %add3A_61, %div3A_62 : i32
      %while3A_64 = arith.constant 2 : i32
      %while3A_65 = arith.constant 0 : i32
      %while3A_66 = arith.subi %div3A_63, %while3A_65 : i32
      %while3A_67 = arith.addi %while3A_65, %while3A_66 : i32
      %while3A_68 = arith.constant 1 : i32
      %while3A_69 = arith.divsi %while3A_66, %while3A_68 : i32
      %while3A_70 = arith.muli %while3A_69, %while3A_68 : i32
      %while3A_71 = arith.addi %while3A_65, %while3A_70 : i32
      %while3A_72 = arith.constant 1 : i32
      %while3A_73:2 = scf.for %while3A_934 = %while3A_65 to %while3A_71 step %while3A_72 iter_args(%while3A_935 = %broadcast_in_dim3A_8, %while3A_936 = %broadcast_in_dim3A_10) -> (vector<16xf32>, vector<16xi32>)  : i32 {
        %mul3A_937 = arith.muli %while3A_934, %while3A_64 : i32
        %add3A_938 = arith.addi %shift_right_logical3A_52, %mul3A_937 : i32
        %add3A_939 = arith.constant 0 : i32
        %add3A_940 = arith.addi %add3A_938, %add3A_939 : i32
        %mul3A_941 = arith.constant 16 : i32
        %mul3A_942 = arith.muli %add3A_940, %mul3A_941 : i32
        %sub3A_943 = arith.subi %mul3A_942, %mul3A_2 : i32
        %get3A_944 = arith.index_cast %sub3A_943 : i32 to index
        %get3A_945 = tpu.vector_load %arg5[%get3A_944] {strides = array<i32>} : memref<2080xf32, #tpu.memory_space<vmem>>, vector<16xf32>,
        %add3A_946 = vector.broadcast %mul3A_942 : i32 to vector<16xi32>
        %add3A_947 = arith.addi %add3A_946, %iota3A : vector<16xi32>
        %ge3A = vector.broadcast %max3A_47 : i32 to vector<16xi32>
        %ge3A_948 = arith.cmpi sge, %add3A_947, %ge3A : vector<16xi32>
        %lt3A_949 = vector.broadcast %min3A_50 : i32 to vector<16xi32>
        %lt3A_950 = arith.cmpi slt, %add3A_947, %lt3A_949 : vector<16xi32>
        %and3A_951 = arith.andi %ge3A_948, %lt3A_950 : vector<16xi1>
        %select_n3A_952 = arith.select %and3A_951, %get3A_945, %broadcast_in_dim3A_8 : vector<16xi1>, vector<16xf32>
        %gt3A_953 = arith.cmpf ogt, %select_n3A_952, %while3A_935 : vector<16xf32>
        %select_n3A_954 = arith.select %gt3A_953, %select_n3A_952, %while3A_935 : vector<16xi1>, vector<16xf32>
        %select_n3A_955 = arith.select %gt3A_953, %add3A_947, %while3A_936 : vector<16xi1>, vector<16xi32>
        %add3A_956 = arith.constant 1 : i32
        %add3A_957 = arith.addi %add3A_938, %add3A_956 : i32
        %mul3A_958 = arith.constant 16 : i32
        %mul3A_959 = arith.muli %add3A_957, %mul3A_958 : i32
        %sub3A_960 = arith.subi %mul3A_959, %mul3A_2 : i32
        %get3A_961 = arith.index_cast %sub3A_960 : i32 to index
        %get3A_962 = tpu.vector_load %arg5[%get3A_961] {strides = array<i32>} : memref<2080xf32, #tpu.memory_space<vmem>>, vector<16xf32>,
        %add3A_963 = vector.broadcast %mul3A_959 : i32 to vector<16xi32>
        %add3A_964 = arith.addi %add3A_963, %iota3A : vector<16xi32>
        %ge3A_965 = vector.broadcast %max3A_47 : i32 to vector<16xi32>
        %ge3A_966 = arith.cmpi sge, %add3A_964, %ge3A_965 : vector<16xi32>
        %lt3A_967 = vector.broadcast %min3A_50 : i32 to vector<16xi32>
        %lt3A_968 = arith.cmpi slt, %add3A_964, %lt3A_967 : vector<16xi32>
        %and3A_969 = arith.andi %ge3A_966, %lt3A_968 : vector<16xi1>
        %select_n3A_970 = arith.select %and3A_969, %get3A_962, %broadcast_in_dim3A_8 : vector<16xi1>, vector<16xf32>
        %gt3A_971 = arith.cmpf ogt, %select_n3A_970, %select_n3A_954 : vector<16xf32>
        %select_n3A_972 = arith.select %gt3A_971, %select_n3A_970, %select_n3A_954 : vector<16xi1>, vector<16xf32>
        %select_n3A_973 = arith.select %gt3A_971, %add3A_964, %select_n3A_955 : vector<16xi1>, vector<16xi32>
        scf.yield %select_n3A_972, %select_n3A_973 : vector<16xf32>, vector<16xi32>
      }
      %while3A_74 = arith.constant 1 : i32
      %while3A_75:2 = scf.for %while3A_934 = %while3A_71 to %while3A_67 step %while3A_74 iter_args(%while3A_935 = %while3A_73#0, %while3A_936 = %while3A_73#1) -> (vector<16xf32>, vector<16xi32>)  : i32 {
        %mul3A_937 = arith.muli %while3A_934, %while3A_64 : i32
        %add3A_938 = arith.addi %shift_right_logical3A_52, %mul3A_937 : i32
        %add3A_939 = arith.constant 0 : i32
        %add3A_940 = arith.addi %add3A_938, %add3A_939 : i32
        %mul3A_941 = arith.constant 16 : i32
        %mul3A_942 = arith.muli %add3A_940, %mul3A_941 : i32
        %sub3A_943 = arith.subi %mul3A_942, %mul3A_2 : i32
        %get3A_944 = arith.index_cast %sub3A_943 : i32 to index
        %get3A_945 = tpu.vector_load %arg5[%get3A_944] {strides = array<i32>} : memref<2080xf32, #tpu.memory_space<vmem>>, vector<16xf32>,
        %add3A_946 = vector.broadcast %mul3A_942 : i32 to vector<16xi32>
        %add3A_947 = arith.addi %add3A_946, %iota3A : vector<16xi32>
        %ge3A = vector.broadcast %max3A_47 : i32 to vector<16xi32>
        %ge3A_948 = arith.cmpi sge, %add3A_947, %ge3A : vector<16xi32>
        %lt3A_949 = vector.broadcast %min3A_50 : i32 to vector<16xi32>
        %lt3A_950 = arith.cmpi slt, %add3A_947, %lt3A_949 : vector<16xi32>
        %and3A_951 = arith.andi %ge3A_948, %lt3A_950 : vector<16xi1>
        %select_n3A_952 = arith.select %and3A_951, %get3A_945, %broadcast_in_dim3A_8 : vector<16xi1>, vector<16xf32>
        %gt3A_953 = arith.cmpf ogt, %select_n3A_952, %while3A_935 : vector<16xf32>
        %select_n3A_954 = arith.select %gt3A_953, %select_n3A_952, %while3A_935 : vector<16xi1>, vector<16xf32>
        %select_n3A_955 = arith.select %gt3A_953, %add3A_947, %while3A_936 : vector<16xi1>, vector<16xi32>
        %add3A_956 = arith.constant 1 : i32
        %add3A_957 = arith.addi %add3A_938, %add3A_956 : i32
        %mul3A_958 = arith.constant 16 : i32
        %mul3A_959 = arith.muli %add3A_957, %mul3A_958 : i32
        %sub3A_960 = arith.subi %mul3A_959, %mul3A_2 : i32
        %get3A_961 = arith.index_cast %sub3A_960 : i32 to index
        %get3A_962 = tpu.vector_load %arg5[%get3A_961] {strides = array<i32>} : memref<2080xf32, #tpu.memory_space<vmem>>, vector<16xf32>,
        %add3A_963 = vector.broadcast %mul3A_959 : i32 to vector<16xi32>
        %add3A_964 = arith.addi %add3A_963, %iota3A : vector<16xi32>
        %ge3A_965 = vector.broadcast %max3A_47 : i32 to vector<16xi32>
        %ge3A_966 = arith.cmpi sge, %add3A_964, %ge3A_965 : vector<16xi32>
        %lt3A_967 = vector.broadcast %min3A_50 : i32 to vector<16xi32>
        %lt3A_968 = arith.cmpi slt, %add3A_964, %lt3A_967 : vector<16xi32>
        %and3A_969 = arith.andi %ge3A_966, %lt3A_968 : vector<16xi1>
        %select_n3A_970 = arith.select %and3A_969, %get3A_962, %broadcast_in_dim3A_8 : vector<16xi1>, vector<16xf32>
        %gt3A_971 = arith.cmpf ogt, %select_n3A_970, %select_n3A_954 : vector<16xf32>
        %select_n3A_972 = arith.select %gt3A_971, %select_n3A_970, %select_n3A_954 : vector<16xi1>, vector<16xf32>
        %select_n3A_973 = arith.select %gt3A_971, %add3A_964, %select_n3A_955 : vector<16xi1>, vector<16xi32>
        scf.yield %select_n3A_972, %select_n3A_973 : vector<16xf32>, vector<16xi32>
      }
      %swap3A_76 = arith.constant 16 : index
      %swap3A_77 = tpu.vector_load %arg10[%swap3A_76] {strides = array<i32>} : memref<256xf32, #tpu.memory_space<vmem>>, vector<16xf32>,
      tpu.vector_store %arg10[%swap3A_76], %while3A_75#0 {strides = array<i32>} : memref<256xf32, #tpu.memory_space<vmem>>, vector<16xf32>,
      %swap3A_78 = arith.constant 16 : index
      %swap3A_79 = tpu.vector_load %arg11[%swap3A_78] {strides = array<i32>} : memref<256xi32, #tpu.memory_space<vmem>>, vector<16xi32>,
      tpu.vector_store %arg11[%swap3A_78], %while3A_75#1 {strides = array<i32>} : memref<256xi32, #tpu.memory_space<vmem>>, vector<16xi32>,
      %slice3A_80 = vector.extract_strided_slice %get3A_11 {offsets = [1], sizes = [1], strides = [1]} : vector<16xi32> to vector<1xi32>
      %squeeze3A_81 = vector.extract %slice3A_80[0] : i32 from vector<1xi32>
      %slice3A_82 = vector.extract_strided_slice %get3A_11 {offsets = [2], sizes = [1], strides = [1]} : vector<16xi32> to vector<1xi32>
      %squeeze3A_83 = vector.extract %slice3A_82[0] : i32 from vector<1xi32>
      %max3A_84 = arith.maxsi %squeeze3A_81, %mul3A_2 : i32
      %add3A_85 = arith.constant 2048 : i32
      %add3A_86 = arith.addi %mul3A_2, %add3A_85 : i32
      %min3A_87 = arith.minsi %squeeze3A_83, %add3A_86 : i32
      %shift_right_logical3A_88 = arith.constant 4 : i32
      %shift_right_logical3A_89 = arith.shrui %max3A_84, %shift_right_logical3A_88 : i32
      %add3A_90 = arith.constant 15 : i32
      %add3A_91 = arith.addi %min3A_87, %add3A_90 : i32
      %shift_right_logical3A_92 = arith.constant 4 : i32
      %shift_right_logical3A_93 = arith.shrui %add3A_91, %shift_right_logical3A_92 : i32
      %sub3A_94 = arith.subi %shift_right_logical3A_93, %shift_right_logical3A_89 : i32
      %sub3A_95 = arith.constant 2 : i32
      %sub3A_96 = arith.constant 1 : i32
      %sub3A_97 = arith.subi %sub3A_95, %sub3A_96 : i32
      %add3A_98 = arith.addi %sub3A_94, %sub3A_97 : i32
      %div3A_99 = arith.constant 2 : i32
      %div3A_100 = arith.divsi %add3A_98, %div3A_99 : i32
      %while3A_101 = arith.constant 2 : i32
      %while3A_102 = arith.constant 0 : i32
      %while3A_103 = arith.subi %div3A_100, %while3A_102 : i32
      %while3A_104 = arith.addi %while3A_102, %while3A_103 : i32
      %while3A_105 = arith.constant 1 : i32
      %while3A_106 = arith.divsi %while3A_103, %while3A_105 : i32
      %while3A_107 = arith.muli %while3A_106, %while3A_105 : i32
      %while3A_108 = arith.addi %while3A_102, %while3A_107 : i32
      %while3A_109 = arith.constant 1 : i32
      %while3A_110:2 = scf.for %while3A_934 = %while3A_102 to %while3A_108 step %while3A_109 iter_args(%while3A_935 = %broadcast_in_dim3A_8, %while3A_936 = %broadcast_in_dim3A_10) -> (vector<16xf32>, vector<16xi32>)  : i32 {
        %mul3A_937 = arith.muli %while3A_934, %while3A_101 : i32
        %add3A_938 = arith.addi %shift_right_logical3A_89, %mul3A_937 : i32
        %add3A_939 = arith.constant 0 : i32
        %add3A_940 = arith.addi %add3A_938, %add3A_939 : i32
        %mul3A_941 = arith.constant 16 : i32
        %mul3A_942 = arith.muli %add3A_940, %mul3A_941 : i32
        %sub3A_943 = arith.subi %mul3A_942, %mul3A_2 : i32
        %get3A_944 = arith.index_cast %sub3A_943 : i32 to index
        %get3A_945 = tpu.vector_load %arg5[%get3A_944] {strides = array<i32>} : memref<2080xf32, #tpu.memory_space<vmem>>, vector<16xf32>,
        %add3A_946 = vector.broadcast %mul3A_942 : i32 to vector<16xi32>
        %add3A_947 = arith.addi %add3A_946, %iota3A : vector<16xi32>
        %ge3A = vector.broadcast %max3A_84 : i32 to vector<16xi32>
        %ge3A_948 = arith.cmpi sge, %add3A_947, %ge3A : vector<16xi32>
        %lt3A_949 = vector.broadcast %min3A_87 : i32 to vector<16xi32>
        %lt3A_950 = arith.cmpi slt, %add3A_947, %lt3A_949 : vector<16xi32>
        %and3A_951 = arith.andi %ge3A_948, %lt3A_950 : vector<16xi1>
        %select_n3A_952 = arith.select %and3A_951, %get3A_945, %broadcast_in_dim3A_8 : vector<16xi1>, vector<16xf32>
        %gt3A_953 = arith.cmpf ogt, %select_n3A_952, %while3A_935 : vector<16xf32>
        %select_n3A_954 = arith.select %gt3A_953, %select_n3A_952, %while3A_935 : vector<16xi1>, vector<16xf32>
        %select_n3A_955 = arith.select %gt3A_953, %add3A_947, %while3A_936 : vector<16xi1>, vector<16xi32>
        %add3A_956 = arith.constant 1 : i32
        %add3A_957 = arith.addi %add3A_938, %add3A_956 : i32
        %mul3A_958 = arith.constant 16 : i32
        %mul3A_959 = arith.muli %add3A_957, %mul3A_958 : i32
        %sub3A_960 = arith.subi %mul3A_959, %mul3A_2 : i32
        %get3A_961 = arith.index_cast %sub3A_960 : i32 to index
        %get3A_962 = tpu.vector_load %arg5[%get3A_961] {strides = array<i32>} : memref<2080xf32, #tpu.memory_space<vmem>>, vector<16xf32>,
        %add3A_963 = vector.broadcast %mul3A_959 : i32 to vector<16xi32>
        %add3A_964 = arith.addi %add3A_963, %iota3A : vector<16xi32>
        %ge3A_965 = vector.broadcast %max3A_84 : i32 to vector<16xi32>
        %ge3A_966 = arith.cmpi sge, %add3A_964, %ge3A_965 : vector<16xi32>
        %lt3A_967 = vector.broadcast %min3A_87 : i32 to vector<16xi32>
        %lt3A_968 = arith.cmpi slt, %add3A_964, %lt3A_967 : vector<16xi32>
        %and3A_969 = arith.andi %ge3A_966, %lt3A_968 : vector<16xi1>
        %select_n3A_970 = arith.select %and3A_969, %get3A_962, %broadcast_in_dim3A_8 : vector<16xi1>, vector<16xf32>
        %gt3A_971 = arith.cmpf ogt, %select_n3A_970, %select_n3A_954 : vector<16xf32>
        %select_n3A_972 = arith.select %gt3A_971, %select_n3A_970, %select_n3A_954 : vector<16xi1>, vector<16xf32>
        %select_n3A_973 = arith.select %gt3A_971, %add3A_964, %select_n3A_955 : vector<16xi1>, vector<16xi32>
        scf.yield %select_n3A_972, %select_n3A_973 : vector<16xf32>, vector<16xi32>
      }
      %while3A_111 = arith.constant 1 : i32
      %while3A_112:2 = scf.for %while3A_934 = %while3A_108 to %while3A_104 step %while3A_111 iter_args(%while3A_935 = %while3A_110#0, %while3A_936 = %while3A_110#1) -> (vector<16xf32>, vector<16xi32>)  : i32 {
        %mul3A_937 = arith.muli %while3A_934, %while3A_101 : i32
        %add3A_938 = arith.addi %shift_right_logical3A_89, %mul3A_937 : i32
        %add3A_939 = arith.constant 0 : i32
        %add3A_940 = arith.addi %add3A_938, %add3A_939 : i32
        %mul3A_941 = arith.constant 16 : i32
        %mul3A_942 = arith.muli %add3A_940, %mul3A_941 : i32
        %sub3A_943 = arith.subi %mul3A_942, %mul3A_2 : i32
        %get3A_944 = arith.index_cast %sub3A_943 : i32 to index
        %get3A_945 = tpu.vector_load %arg5[%get3A_944] {strides = array<i32>} : memref<2080xf32, #tpu.memory_space<vmem>>, vector<16xf32>,
        %add3A_946 = vector.broadcast %mul3A_942 : i32 to vector<16xi32>
        %add3A_947 = arith.addi %add3A_946, %iota3A : vector<16xi32>
        %ge3A = vector.broadcast %max3A_84 : i32 to vector<16xi32>
        %ge3A_948 = arith.cmpi sge, %add3A_947, %ge3A : vector<16xi32>
        %lt3A_949 = vector.broadcast %min3A_87 : i32 to vector<16xi32>
        %lt3A_950 = arith.cmpi slt, %add3A_947, %lt3A_949 : vector<16xi32>
        %and3A_951 = arith.andi %ge3A_948, %lt3A_950 : vector<16xi1>
        %select_n3A_952 = arith.select %and3A_951, %get3A_945, %broadcast_in_dim3A_8 : vector<16xi1>, vector<16xf32>
        %gt3A_953 = arith.cmpf ogt, %select_n3A_952, %while3A_935 : vector<16xf32>
        %select_n3A_954 = arith.select %gt3A_953, %select_n3A_952, %while3A_935 : vector<16xi1>, vector<16xf32>
        %select_n3A_955 = arith.select %gt3A_953, %add3A_947, %while3A_936 : vector<16xi1>, vector<16xi32>
        %add3A_956 = arith.constant 1 : i32
        %add3A_957 = arith.addi %add3A_938, %add3A_956 : i32
        %mul3A_958 = arith.constant 16 : i32
        %mul3A_959 = arith.muli %add3A_957, %mul3A_958 : i32
        %sub3A_960 = arith.subi %mul3A_959, %mul3A_2 : i32
        %get3A_961 = arith.index_cast %sub3A_960 : i32 to index
        %get3A_962 = tpu.vector_load %arg5[%get3A_961] {strides = array<i32>} : memref<2080xf32, #tpu.memory_space<vmem>>, vector<16xf32>,
        %add3A_963 = vector.broadcast %mul3A_959 : i32 to vector<16xi32>
        %add3A_964 = arith.addi %add3A_963, %iota3A : vector<16xi32>
        %ge3A_965 = vector.broadcast %max3A_84 : i32 to vector<16xi32>
        %ge3A_966 = arith.cmpi sge, %add3A_964, %ge3A_965 : vector<16xi32>
        %lt3A_967 = vector.broadcast %min3A_87 : i32 to vector<16xi32>
        %lt3A_968 = arith.cmpi slt, %add3A_964, %lt3A_967 : vector<16xi32>
        %and3A_969 = arith.andi %ge3A_966, %lt3A_968 : vector<16xi1>
        %select_n3A_970 = arith.select %and3A_969, %get3A_962, %broadcast_in_dim3A_8 : vector<16xi1>, vector<16xf32>
        %gt3A_971 = arith.cmpf ogt, %select_n3A_970, %select_n3A_954 : vector<16xf32>
        %select_n3A_972 = arith.select %gt3A_971, %select_n3A_970, %select_n3A_954 : vector<16xi1>, vector<16xf32>
        %select_n3A_973 = arith.select %gt3A_971, %add3A_964, %select_n3A_955 : vector<16xi1>, vector<16xi32>
        scf.yield %select_n3A_972, %select_n3A_973 : vector<16xf32>, vector<16xi32>
      }
      %swap3A_113 = arith.constant 32 : index
      %swap3A_114 = tpu.vector_load %arg10[%swap3A_113] {strides = array<i32>} : memref<256xf32, #tpu.memory_space<vmem>>, vector<16xf32>,
      tpu.vector_store %arg10[%swap3A_113], %while3A_112#0 {strides = array<i32>} : memref<256xf32, #tpu.memory_space<vmem>>, vector<16xf32>,
      %swap3A_115 = arith.constant 32 : index
      %swap3A_116 = tpu.vector_load %arg11[%swap3A_115] {strides = array<i32>} : memref<256xi32, #tpu.memory_space<vmem>>, vector<16xi32>,
      tpu.vector_store %arg11[%swap3A_115], %while3A_112#1 {strides = array<i32>} : memref<256xi32, #tpu.memory_space<vmem>>, vector<16xi32>,
      %slice3A_117 = vector.extract_strided_slice %get3A_11 {offsets = [2], sizes = [1], strides = [1]} : vector<16xi32> to vector<1xi32>
      %squeeze3A_118 = vector.extract %slice3A_117[0] : i32 from vector<1xi32>
      %slice3A_119 = vector.extract_strided_slice %get3A_11 {offsets = [3], sizes = [1], strides = [1]} : vector<16xi32> to vector<1xi32>
      %squeeze3A_120 = vector.extract %slice3A_119[0] : i32 from vector<1xi32>
      %max3A_121 = arith.maxsi %squeeze3A_118, %mul3A_2 : i32
      %add3A_122 = arith.constant 2048 : i32
      %add3A_123 = arith.addi %mul3A_2, %add3A_122 : i32
      %min3A_124 = arith.minsi %squeeze3A_120, %add3A_123 : i32
      %shift_right_logical3A_125 = arith.constant 4 : i32
      %shift_right_logical3A_126 = arith.shrui %max3A_121, %shift_right_logical3A_125 : i32
      %add3A_127 = arith.constant 15 : i32
      %add3A_128 = arith.addi %min3A_124, %add3A_127 : i32
      %shift_right_logical3A_129 = arith.constant 4 : i32
      %shift_right_logical3A_130 = arith.shrui %add3A_128, %shift_right_logical3A_129 : i32
      %sub3A_131 = arith.subi %shift_right_logical3A_130, %shift_right_logical3A_126 : i32
      %sub3A_132 = arith.constant 2 : i32
      %sub3A_133 = arith.constant 1 : i32
      %sub3A_134 = arith.subi %sub3A_132, %sub3A_133 : i32
      %add3A_135 = arith.addi %sub3A_131, %sub3A_134 : i32
      %div3A_136 = arith.constant 2 : i32
      %div3A_137 = arith.divsi %add3A_135, %div3A_136 : i32
      %while3A_138 = arith.constant 2 : i32
      %while3A_139 = arith.constant 0 : i32
      %while3A_140 = arith.subi %div3A_137, %while3A_139 : i32
      %while3A_141 = arith.addi %while3A_139, %while3A_140 : i32
      %while3A_142 = arith.constant 1 : i32
      %while3A_143 = arith.divsi %while3A_140, %while3A_142 : i32
      %while3A_144 = arith.muli %while3A_143, %while3A_142 : i32
      %while3A_145 = arith.addi %while3A_139, %while3A_144 : i32
      %while3A_146 = arith.constant 1 : i32
      %while3A_147:2 = scf.for %while3A_934 = %while3A_139 to %while3A_145 step %while3A_146 iter_args(%while3A_935 = %broadcast_in_dim3A_8, %while3A_936 = %broadcast_in_dim3A_10) -> (vector<16xf32>, vector<16xi32>)  : i32 {
        %mul3A_937 = arith.muli %while3A_934, %while3A_138 : i32
        %add3A_938 = arith.addi %shift_right_logical3A_126, %mul3A_937 : i32
        %add3A_939 = arith.constant 0 : i32
        %add3A_940 = arith.addi %add3A_938, %add3A_939 : i32
        %mul3A_941 = arith.constant 16 : i32
        %mul3A_942 = arith.muli %add3A_940, %mul3A_941 : i32
        %sub3A_943 = arith.subi %mul3A_942, %mul3A_2 : i32
        %get3A_944 = arith.index_cast %sub3A_943 : i32 to index
        %get3A_945 = tpu.vector_load %arg5[%get3A_944] {strides = array<i32>} : memref<2080xf32, #tpu.memory_space<vmem>>, vector<16xf32>,
        %add3A_946 = vector.broadcast %mul3A_942 : i32 to vector<16xi32>
        %add3A_947 = arith.addi %add3A_946, %iota3A : vector<16xi32>
        %ge3A = vector.broadcast %max3A_121 : i32 to vector<16xi32>
        %ge3A_948 = arith.cmpi sge, %add3A_947, %ge3A : vector<16xi32>
        %lt3A_949 = vector.broadcast %min3A_124 : i32 to vector<16xi32>
        %lt3A_950 = arith.cmpi slt, %add3A_947, %lt3A_949 : vector<16xi32>
        %and3A_951 = arith.andi %ge3A_948, %lt3A_950 : vector<16xi1>
        %select_n3A_952 = arith.select %and3A_951, %get3A_945, %broadcast_in_dim3A_8 : vector<16xi1>, vector<16xf32>
        %gt3A_953 = arith.cmpf ogt, %select_n3A_952, %while3A_935 : vector<16xf32>
        %select_n3A_954 = arith.select %gt3A_953, %select_n3A_952, %while3A_935 : vector<16xi1>, vector<16xf32>
        %select_n3A_955 = arith.select %gt3A_953, %add3A_947, %while3A_936 : vector<16xi1>, vector<16xi32>
        %add3A_956 = arith.constant 1 : i32
        %add3A_957 = arith.addi %add3A_938, %add3A_956 : i32
        %mul3A_958 = arith.constant 16 : i32
        %mul3A_959 = arith.muli %add3A_957, %mul3A_958 : i32
        %sub3A_960 = arith.subi %mul3A_959, %mul3A_2 : i32
        %get3A_961 = arith.index_cast %sub3A_960 : i32 to index
        %get3A_962 = tpu.vector_load %arg5[%get3A_961] {strides = array<i32>} : memref<2080xf32, #tpu.memory_space<vmem>>, vector<16xf32>,
        %add3A_963 = vector.broadcast %mul3A_959 : i32 to vector<16xi32>
        %add3A_964 = arith.addi %add3A_963, %iota3A : vector<16xi32>
        %ge3A_965 = vector.broadcast %max3A_121 : i32 to vector<16xi32>
        %ge3A_966 = arith.cmpi sge, %add3A_964, %ge3A_965 : vector<16xi32>
        %lt3A_967 = vector.broadcast %min3A_124 : i32 to vector<16xi32>
        %lt3A_968 = arith.cmpi slt, %add3A_964, %lt3A_967 : vector<16xi32>
        %and3A_969 = arith.andi %ge3A_966, %lt3A_968 : vector<16xi1>
        %select_n3A_970 = arith.select %and3A_969, %get3A_962, %broadcast_in_dim3A_8 : vector<16xi1>, vector<16xf32>
        %gt3A_971 = arith.cmpf ogt, %select_n3A_970, %select_n3A_954 : vector<16xf32>
        %select_n3A_972 = arith.select %gt3A_971, %select_n3A_970, %select_n3A_954 : vector<16xi1>, vector<16xf32>
        %select_n3A_973 = arith.select %gt3A_971, %add3A_964, %select_n3A_955 : vector<16xi1>, vector<16xi32>
        scf.yield %select_n3A_972, %select_n3A_973 : vector<16xf32>, vector<16xi32>
      }
      %while3A_148 = arith.constant 1 : i32
      %while3A_149:2 = scf.for %while3A_934 = %while3A_145 to %while3A_141 step %while3A_148 iter_args(%while3A_935 = %while3A_147#0, %while3A_936 = %while3A_147#1) -> (vector<16xf32>, vector<16xi32>)  : i32 {
        %mul3A_937 = arith.muli %while3A_934, %while3A_138 : i32
        %add3A_938 = arith.addi %shift_right_logical3A_126, %mul3A_937 : i32
        %add3A_939 = arith.constant 0 : i32
        %add3A_940 = arith.addi %add3A_938, %add3A_939 : i32
        %mul3A_941 = arith.constant 16 : i32
        %mul3A_942 = arith.muli %add3A_940, %mul3A_941 : i32
        %sub3A_943 = arith.subi %mul3A_942, %mul3A_2 : i32
        %get3A_944 = arith.index_cast %sub3A_943 : i32 to index
        %get3A_945 = tpu.vector_load %arg5[%get3A_944] {strides = array<i32>} : memref<2080xf32, #tpu.memory_space<vmem>>, vector<16xf32>,
        %add3A_946 = vector.broadcast %mul3A_942 : i32 to vector<16xi32>
        %add3A_947 = arith.addi %add3A_946, %iota3A : vector<16xi32>
        %ge3A = vector.broadcast %max3A_121 : i32 to vector<16xi32>
        %ge3A_948 = arith.cmpi sge, %add3A_947, %ge3A : vector<16xi32>
        %lt3A_949 = vector.broadcast %min3A_124 : i32 to vector<16xi32>
        %lt3A_950 = arith.cmpi slt, %add3A_947, %lt3A_949 : vector<16xi32>
        %and3A_951 = arith.andi %ge3A_948, %lt3A_950 : vector<16xi1>
        %select_n3A_952 = arith.select %and3A_951, %get3A_945, %broadcast_in_dim3A_8 : vector<16xi1>, vector<16xf32>
        %gt3A_953 = arith.cmpf ogt, %select_n3A_952, %while3A_935 : vector<16xf32>
        %select_n3A_954 = arith.select %gt3A_953, %select_n3A_952, %while3A_935 : vector<16xi1>, vector<16xf32>
        %select_n3A_955 = arith.select %gt3A_953, %add3A_947, %while3A_936 : vector<16xi1>, vector<16xi32>
        %add3A_956 = arith.constant 1 : i32
        %add3A_957 = arith.addi %add3A_938, %add3A_956 : i32
        %mul3A_958 = arith.constant 16 : i32
        %mul3A_959 = arith.muli %add3A_957, %mul3A_958 : i32
        %sub3A_960 = arith.subi %mul3A_959, %mul3A_2 : i32
        %get3A_961 = arith.index_cast %sub3A_960 : i32 to index
        %get3A_962 = tpu.vector_load %arg5[%get3A_961] {strides = array<i32>} : memref<2080xf32, #tpu.memory_space<vmem>>, vector<16xf32>,
        %add3A_963 = vector.broadcast %mul3A_959 : i32 to vector<16xi32>
        %add3A_964 = arith.addi %add3A_963, %iota3A : vector<16xi32>
        %ge3A_965 = vector.broadcast %max3A_121 : i32 to vector<16xi32>
        %ge3A_966 = arith.cmpi sge, %add3A_964, %ge3A_965 : vector<16xi32>
        %lt3A_967 = vector.broadcast %min3A_124 : i32 to vector<16xi32>
        %lt3A_968 = arith.cmpi slt, %add3A_964, %lt3A_967 : vector<16xi32>
        %and3A_969 = arith.andi %ge3A_966, %lt3A_968 : vector<16xi1>
        %select_n3A_970 = arith.select %and3A_969, %get3A_962, %broadcast_in_dim3A_8 : vector<16xi1>, vector<16xf32>
        %gt3A_971 = arith.cmpf ogt, %select_n3A_970, %select_n3A_954 : vector<16xf32>
        %select_n3A_972 = arith.select %gt3A_971, %select_n3A_970, %select_n3A_954 : vector<16xi1>, vector<16xf32>
        %select_n3A_973 = arith.select %gt3A_971, %add3A_964, %select_n3A_955 : vector<16xi1>, vector<16xi32>
        scf.yield %select_n3A_972, %select_n3A_973 : vector<16xf32>, vector<16xi32>
      }
      %swap3A_150 = arith.constant 48 : index
      %swap3A_151 = tpu.vector_load %arg10[%swap3A_150] {strides = array<i32>} : memref<256xf32, #tpu.memory_space<vmem>>, vector<16xf32>,
      tpu.vector_store %arg10[%swap3A_150], %while3A_149#0 {strides = array<i32>} : memref<256xf32, #tpu.memory_space<vmem>>, vector<16xf32>,
      %swap3A_152 = arith.constant 48 : index
      %swap3A_153 = tpu.vector_load %arg11[%swap3A_152] {strides = array<i32>} : memref<256xi32, #tpu.memory_space<vmem>>, vector<16xi32>,
      tpu.vector_store %arg11[%swap3A_152], %while3A_149#1 {strides = array<i32>} : memref<256xi32, #tpu.memory_space<vmem>>, vector<16xi32>,
      %slice3A_154 = vector.extract_strided_slice %get3A_11 {offsets = [3], sizes = [1], strides = [1]} : vector<16xi32> to vector<1xi32>
      %squeeze3A_155 = vector.extract %slice3A_154[0] : i32 from vector<1xi32>
      %slice3A_156 = vector.extract_strided_slice %get3A_11 {offsets = [4], sizes = [1], strides = [1]} : vector<16xi32> to vector<1xi32>
      %squeeze3A_157 = vector.extract %slice3A_156[0] : i32 from vector<1xi32>
      %max3A_158 = arith.maxsi %squeeze3A_155, %mul3A_2 : i32
      %add3A_159 = arith.constant 2048 : i32
      %add3A_160 = arith.addi %mul3A_2, %add3A_159 : i32
      %min3A_161 = arith.minsi %squeeze3A_157, %add3A_160 : i32
      %shift_right_logical3A_162 = arith.constant 4 : i32
      %shift_right_logical3A_163 = arith.shrui %max3A_158, %shift_right_logical3A_162 : i32
      %add3A_164 = arith.constant 15 : i32
      %add3A_165 = arith.addi %min3A_161, %add3A_164 : i32
      %shift_right_logical3A_166 = arith.constant 4 : i32
      %shift_right_logical3A_167 = arith.shrui %add3A_165, %shift_right_logical3A_166 : i32
      %sub3A_168 = arith.subi %shift_right_logical3A_167, %shift_right_logical3A_163 : i32
      %sub3A_169 = arith.constant 2 : i32
      %sub3A_170 = arith.constant 1 : i32
      %sub3A_171 = arith.subi %sub3A_169, %sub3A_170 : i32
      %add3A_172 = arith.addi %sub3A_168, %sub3A_171 : i32
      %div3A_173 = arith.constant 2 : i32
      %div3A_174 = arith.divsi %add3A_172, %div3A_173 : i32
      %while3A_175 = arith.constant 2 : i32
      %while3A_176 = arith.constant 0 : i32
      %while3A_177 = arith.subi %div3A_174, %while3A_176 : i32
      %while3A_178 = arith.addi %while3A_176, %while3A_177 : i32
      %while3A_179 = arith.constant 1 : i32
      %while3A_180 = arith.divsi %while3A_177, %while3A_179 : i32
      %while3A_181 = arith.muli %while3A_180, %while3A_179 : i32
      %while3A_182 = arith.addi %while3A_176, %while3A_181 : i32
      %while3A_183 = arith.constant 1 : i32
      %while3A_184:2 = scf.for %while3A_934 = %while3A_176 to %while3A_182 step %while3A_183 iter_args(%while3A_935 = %broadcast_in_dim3A_8, %while3A_936 = %broadcast_in_dim3A_10) -> (vector<16xf32>, vector<16xi32>)  : i32 {
        %mul3A_937 = arith.muli %while3A_934, %while3A_175 : i32
        %add3A_938 = arith.addi %shift_right_logical3A_163, %mul3A_937 : i32
        %add3A_939 = arith.constant 0 : i32
        %add3A_940 = arith.addi %add3A_938, %add3A_939 : i32
        %mul3A_941 = arith.constant 16 : i32
        %mul3A_942 = arith.muli %add3A_940, %mul3A_941 : i32
        %sub3A_943 = arith.subi %mul3A_942, %mul3A_2 : i32
        %get3A_944 = arith.index_cast %sub3A_943 : i32 to index
        %get3A_945 = tpu.vector_load %arg5[%get3A_944] {strides = array<i32>} : memref<2080xf32, #tpu.memory_space<vmem>>, vector<16xf32>,
        %add3A_946 = vector.broadcast %mul3A_942 : i32 to vector<16xi32>
        %add3A_947 = arith.addi %add3A_946, %iota3A : vector<16xi32>
        %ge3A = vector.broadcast %max3A_158 : i32 to vector<16xi32>
        %ge3A_948 = arith.cmpi sge, %add3A_947, %ge3A : vector<16xi32>
        %lt3A_949 = vector.broadcast %min3A_161 : i32 to vector<16xi32>
        %lt3A_950 = arith.cmpi slt, %add3A_947, %lt3A_949 : vector<16xi32>
        %and3A_951 = arith.andi %ge3A_948, %lt3A_950 : vector<16xi1>
        %select_n3A_952 = arith.select %and3A_951, %get3A_945, %broadcast_in_dim3A_8 : vector<16xi1>, vector<16xf32>
        %gt3A_953 = arith.cmpf ogt, %select_n3A_952, %while3A_935 : vector<16xf32>
        %select_n3A_954 = arith.select %gt3A_953, %select_n3A_952, %while3A_935 : vector<16xi1>, vector<16xf32>
        %select_n3A_955 = arith.select %gt3A_953, %add3A_947, %while3A_936 : vector<16xi1>, vector<16xi32>
        %add3A_956 = arith.constant 1 : i32
        %add3A_957 = arith.addi %add3A_938, %add3A_956 : i32
        %mul3A_958 = arith.constant 16 : i32
        %mul3A_959 = arith.muli %add3A_957, %mul3A_958 : i32
        %sub3A_960 = arith.subi %mul3A_959, %mul3A_2 : i32
        %get3A_961 = arith.index_cast %sub3A_960 : i32 to index
        %get3A_962 = tpu.vector_load %arg5[%get3A_961] {strides = array<i32>} : memref<2080xf32, #tpu.memory_space<vmem>>, vector<16xf32>,
        %add3A_963 = vector.broadcast %mul3A_959 : i32 to vector<16xi32>
        %add3A_964 = arith.addi %add3A_963, %iota3A : vector<16xi32>
        %ge3A_965 = vector.broadcast %max3A_158 : i32 to vector<16xi32>
        %ge3A_966 = arith.cmpi sge, %add3A_964, %ge3A_965 : vector<16xi32>
        %lt3A_967 = vector.broadcast %min3A_161 : i32 to vector<16xi32>
        %lt3A_968 = arith.cmpi slt, %add3A_964, %lt3A_967 : vector<16xi32>
        %and3A_969 = arith.andi %ge3A_966, %lt3A_968 : vector<16xi1>
        %select_n3A_970 = arith.select %and3A_969, %get3A_962, %broadcast_in_dim3A_8 : vector<16xi1>, vector<16xf32>
        %gt3A_971 = arith.cmpf ogt, %select_n3A_970, %select_n3A_954 : vector<16xf32>
        %select_n3A_972 = arith.select %gt3A_971, %select_n3A_970, %select_n3A_954 : vector<16xi1>, vector<16xf32>
        %select_n3A_973 = arith.select %gt3A_971, %add3A_964, %select_n3A_955 : vector<16xi1>, vector<16xi32>
        scf.yield %select_n3A_972, %select_n3A_973 : vector<16xf32>, vector<16xi32>
      }
      %while3A_185 = arith.constant 1 : i32
      %while3A_186:2 = scf.for %while3A_934 = %while3A_182 to %while3A_178 step %while3A_185 iter_args(%while3A_935 = %while3A_184#0, %while3A_936 = %while3A_184#1) -> (vector<16xf32>, vector<16xi32>)  : i32 {
        %mul3A_937 = arith.muli %while3A_934, %while3A_175 : i32
        %add3A_938 = arith.addi %shift_right_logical3A_163, %mul3A_937 : i32
        %add3A_939 = arith.constant 0 : i32
        %add3A_940 = arith.addi %add3A_938, %add3A_939 : i32
        %mul3A_941 = arith.constant 16 : i32
        %mul3A_942 = arith.muli %add3A_940, %mul3A_941 : i32
        %sub3A_943 = arith.subi %mul3A_942, %mul3A_2 : i32
        %get3A_944 = arith.index_cast %sub3A_943 : i32 to index
        %get3A_945 = tpu.vector_load %arg5[%get3A_944] {strides = array<i32>} : memref<2080xf32, #tpu.memory_space<vmem>>, vector<16xf32>,
        %add3A_946 = vector.broadcast %mul3A_942 : i32 to vector<16xi32>
        %add3A_947 = arith.addi %add3A_946, %iota3A : vector<16xi32>
        %ge3A = vector.broadcast %max3A_158 : i32 to vector<16xi32>
        %ge3A_948 = arith.cmpi sge, %add3A_947, %ge3A : vector<16xi32>
        %lt3A_949 = vector.broadcast %min3A_161 : i32 to vector<16xi32>
        %lt3A_950 = arith.cmpi slt, %add3A_947, %lt3A_949 : vector<16xi32>
        %and3A_951 = arith.andi %ge3A_948, %lt3A_950 : vector<16xi1>
        %select_n3A_952 = arith.select %and3A_951, %get3A_945, %broadcast_in_dim3A_8 : vector<16xi1>, vector<16xf32>
        %gt3A_953 = arith.cmpf ogt, %select_n3A_952, %while3A_935 : vector<16xf32>
        %select_n3A_954 = arith.select %gt3A_953, %select_n3A_952, %while3A_935 : vector<16xi1>, vector<16xf32>
        %select_n3A_955 = arith.select %gt3A_953, %add3A_947, %while3A_936 : vector<16xi1>, vector<16xi32>
        %add3A_956 = arith.constant 1 : i32
        %add3A_957 = arith.addi %add3A_938, %add3A_956 : i32
        %mul3A_958 = arith.constant 16 : i32
        %mul3A_959 = arith.muli %add3A_957, %mul3A_958 : i32
        %sub3A_960 = arith.subi %mul3A_959, %mul3A_2 : i32
        %get3A_961 = arith.index_cast %sub3A_960 : i32 to index
        %get3A_962 = tpu.vector_load %arg5[%get3A_961] {strides = array<i32>} : memref<2080xf32, #tpu.memory_space<vmem>>, vector<16xf32>,
        %add3A_963 = vector.broadcast %mul3A_959 : i32 to vector<16xi32>
        %add3A_964 = arith.addi %add3A_963, %iota3A : vector<16xi32>
        %ge3A_965 = vector.broadcast %max3A_158 : i32 to vector<16xi32>
        %ge3A_966 = arith.cmpi sge, %add3A_964, %ge3A_965 : vector<16xi32>
        %lt3A_967 = vector.broadcast %min3A_161 : i32 to vector<16xi32>
        %lt3A_968 = arith.cmpi slt, %add3A_964, %lt3A_967 : vector<16xi32>
        %and3A_969 = arith.andi %ge3A_966, %lt3A_968 : vector<16xi1>
        %select_n3A_970 = arith.select %and3A_969, %get3A_962, %broadcast_in_dim3A_8 : vector<16xi1>, vector<16xf32>
        %gt3A_971 = arith.cmpf ogt, %select_n3A_970, %select_n3A_954 : vector<16xf32>
        %select_n3A_972 = arith.select %gt3A_971, %select_n3A_970, %select_n3A_954 : vector<16xi1>, vector<16xf32>
        %select_n3A_973 = arith.select %gt3A_971, %add3A_964, %select_n3A_955 : vector<16xi1>, vector<16xi32>
        scf.yield %select_n3A_972, %select_n3A_973 : vector<16xf32>, vector<16xi32>
      }
      %swap3A_187 = arith.constant 64 : index
      %swap3A_188 = tpu.vector_load %arg10[%swap3A_187] {strides = array<i32>} : memref<256xf32, #tpu.memory_space<vmem>>, vector<16xf32>,
      tpu.vector_store %arg10[%swap3A_187], %while3A_186#0 {strides = array<i32>} : memref<256xf32, #tpu.memory_space<vmem>>, vector<16xf32>,
      %swap3A_189 = arith.constant 64 : index
      %swap3A_190 = tpu.vector_load %arg11[%swap3A_189] {strides = array<i32>} : memref<256xi32, #tpu.memory_space<vmem>>, vector<16xi32>,
      tpu.vector_store %arg11[%swap3A_189], %while3A_186#1 {strides = array<i32>} : memref<256xi32, #tpu.memory_space<vmem>>, vector<16xi32>,
      %slice3A_191 = vector.extract_strided_slice %get3A_11 {offsets = [4], sizes = [1], strides = [1]} : vector<16xi32> to vector<1xi32>
      %squeeze3A_192 = vector.extract %slice3A_191[0] : i32 from vector<1xi32>
      %slice3A_193 = vector.extract_strided_slice %get3A_11 {offsets = [5], sizes = [1], strides = [1]} : vector<16xi32> to vector<1xi32>
      %squeeze3A_194 = vector.extract %slice3A_193[0] : i32 from vector<1xi32>
      %max3A_195 = arith.maxsi %squeeze3A_192, %mul3A_2 : i32
      %add3A_196 = arith.constant 2048 : i32
      %add3A_197 = arith.addi %mul3A_2, %add3A_196 : i32
      %min3A_198 = arith.minsi %squeeze3A_194, %add3A_197 : i32
      %shift_right_logical3A_199 = arith.constant 4 : i32
      %shift_right_logical3A_200 = arith.shrui %max3A_195, %shift_right_logical3A_199 : i32
      %add3A_201 = arith.constant 15 : i32
      %add3A_202 = arith.addi %min3A_198, %add3A_201 : i32
      %shift_right_logical3A_203 = arith.constant 4 : i32
      %shift_right_logical3A_204 = arith.shrui %add3A_202, %shift_right_logical3A_203 : i32
      %sub3A_205 = arith.subi %shift_right_logical3A_204, %shift_right_logical3A_200 : i32
      %sub3A_206 = arith.constant 2 : i32
      %sub3A_207 = arith.constant 1 : i32
      %sub3A_208 = arith.subi %sub3A_206, %sub3A_207 : i32
      %add3A_209 = arith.addi %sub3A_205, %sub3A_208 : i32
      %div3A_210 = arith.constant 2 : i32
      %div3A_211 = arith.divsi %add3A_209, %div3A_210 : i32
      %while3A_212 = arith.constant 2 : i32
      %while3A_213 = arith.constant 0 : i32
      %while3A_214 = arith.subi %div3A_211, %while3A_213 : i32
      %while3A_215 = arith.addi %while3A_213, %while3A_214 : i32
      %while3A_216 = arith.constant 1 : i32
      %while3A_217 = arith.divsi %while3A_214, %while3A_216 : i32
      %while3A_218 = arith.muli %while3A_217, %while3A_216 : i32
      %while3A_219 = arith.addi %while3A_213, %while3A_218 : i32
      %while3A_220 = arith.constant 1 : i32
      %while3A_221:2 = scf.for %while3A_934 = %while3A_213 to %while3A_219 step %while3A_220 iter_args(%while3A_935 = %broadcast_in_dim3A_8, %while3A_936 = %broadcast_in_dim3A_10) -> (vector<16xf32>, vector<16xi32>)  : i32 {
        %mul3A_937 = arith.muli %while3A_934, %while3A_212 : i32
        %add3A_938 = arith.addi %shift_right_logical3A_200, %mul3A_937 : i32
        %add3A_939 = arith.constant 0 : i32
        %add3A_940 = arith.addi %add3A_938, %add3A_939 : i32
        %mul3A_941 = arith.constant 16 : i32
        %mul3A_942 = arith.muli %add3A_940, %mul3A_941 : i32
        %sub3A_943 = arith.subi %mul3A_942, %mul3A_2 : i32
        %get3A_944 = arith.index_cast %sub3A_943 : i32 to index
        %get3A_945 = tpu.vector_load %arg5[%get3A_944] {strides = array<i32>} : memref<2080xf32, #tpu.memory_space<vmem>>, vector<16xf32>,
        %add3A_946 = vector.broadcast %mul3A_942 : i32 to vector<16xi32>
        %add3A_947 = arith.addi %add3A_946, %iota3A : vector<16xi32>
        %ge3A = vector.broadcast %max3A_195 : i32 to vector<16xi32>
        %ge3A_948 = arith.cmpi sge, %add3A_947, %ge3A : vector<16xi32>
        %lt3A_949 = vector.broadcast %min3A_198 : i32 to vector<16xi32>
        %lt3A_950 = arith.cmpi slt, %add3A_947, %lt3A_949 : vector<16xi32>
        %and3A_951 = arith.andi %ge3A_948, %lt3A_950 : vector<16xi1>
        %select_n3A_952 = arith.select %and3A_951, %get3A_945, %broadcast_in_dim3A_8 : vector<16xi1>, vector<16xf32>
        %gt3A_953 = arith.cmpf ogt, %select_n3A_952, %while3A_935 : vector<16xf32>
        %select_n3A_954 = arith.select %gt3A_953, %select_n3A_952, %while3A_935 : vector<16xi1>, vector<16xf32>
        %select_n3A_955 = arith.select %gt3A_953, %add3A_947, %while3A_936 : vector<16xi1>, vector<16xi32>
        %add3A_956 = arith.constant 1 : i32
        %add3A_957 = arith.addi %add3A_938, %add3A_956 : i32
        %mul3A_958 = arith.constant 16 : i32
        %mul3A_959 = arith.muli %add3A_957, %mul3A_958 : i32
        %sub3A_960 = arith.subi %mul3A_959, %mul3A_2 : i32
        %get3A_961 = arith.index_cast %sub3A_960 : i32 to index
        %get3A_962 = tpu.vector_load %arg5[%get3A_961] {strides = array<i32>} : memref<2080xf32, #tpu.memory_space<vmem>>, vector<16xf32>,
        %add3A_963 = vector.broadcast %mul3A_959 : i32 to vector<16xi32>
        %add3A_964 = arith.addi %add3A_963, %iota3A : vector<16xi32>
        %ge3A_965 = vector.broadcast %max3A_195 : i32 to vector<16xi32>
        %ge3A_966 = arith.cmpi sge, %add3A_964, %ge3A_965 : vector<16xi32>
        %lt3A_967 = vector.broadcast %min3A_198 : i32 to vector<16xi32>
        %lt3A_968 = arith.cmpi slt, %add3A_964, %lt3A_967 : vector<16xi32>
        %and3A_969 = arith.andi %ge3A_966, %lt3A_968 : vector<16xi1>
        %select_n3A_970 = arith.select %and3A_969, %get3A_962, %broadcast_in_dim3A_8 : vector<16xi1>, vector<16xf32>
        %gt3A_971 = arith.cmpf ogt, %select_n3A_970, %select_n3A_954 : vector<16xf32>
        %select_n3A_972 = arith.select %gt3A_971, %select_n3A_970, %select_n3A_954 : vector<16xi1>, vector<16xf32>
        %select_n3A_973 = arith.select %gt3A_971, %add3A_964, %select_n3A_955 : vector<16xi1>, vector<16xi32>
        scf.yield %select_n3A_972, %select_n3A_973 : vector<16xf32>, vector<16xi32>
      }
      %while3A_222 = arith.constant 1 : i32
      %while3A_223:2 = scf.for %while3A_934 = %while3A_219 to %while3A_215 step %while3A_222 iter_args(%while3A_935 = %while3A_221#0, %while3A_936 = %while3A_221#1) -> (vector<16xf32>, vector<16xi32>)  : i32 {
        %mul3A_937 = arith.muli %while3A_934, %while3A_212 : i32
        %add3A_938 = arith.addi %shift_right_logical3A_200, %mul3A_937 : i32
        %add3A_939 = arith.constant 0 : i32
        %add3A_940 = arith.addi %add3A_938, %add3A_939 : i32
        %mul3A_941 = arith.constant 16 : i32
        %mul3A_942 = arith.muli %add3A_940, %mul3A_941 : i32
        %sub3A_943 = arith.subi %mul3A_942, %mul3A_2 : i32
        %get3A_944 = arith.index_cast %sub3A_943 : i32 to index
        %get3A_945 = tpu.vector_load %arg5[%get3A_944] {strides = array<i32>} : memref<2080xf32, #tpu.memory_space<vmem>>, vector<16xf32>,
        %add3A_946 = vector.broadcast %mul3A_942 : i32 to vector<16xi32>
        %add3A_947 = arith.addi %add3A_946, %iota3A : vector<16xi32>
        %ge3A = vector.broadcast %max3A_195 : i32 to vector<16xi32>
        %ge3A_948 = arith.cmpi sge, %add3A_947, %ge3A : vector<16xi32>
        %lt3A_949 = vector.broadcast %min3A_198 : i32 to vector<16xi32>
        %lt3A_950 = arith.cmpi slt, %add3A_947, %lt3A_949 : vector<16xi32>
        %and3A_951 = arith.andi %ge3A_948, %lt3A_950 : vector<16xi1>
        %select_n3A_952 = arith.select %and3A_951, %get3A_945, %broadcast_in_dim3A_8 : vector<16xi1>, vector<16xf32>
        %gt3A_953 = arith.cmpf ogt, %select_n3A_952, %while3A_935 : vector<16xf32>
        %select_n3A_954 = arith.select %gt3A_953, %select_n3A_952, %while3A_935 : vector<16xi1>, vector<16xf32>
        %select_n3A_955 = arith.select %gt3A_953, %add3A_947, %while3A_936 : vector<16xi1>, vector<16xi32>
        %add3A_956 = arith.constant 1 : i32
        %add3A_957 = arith.addi %add3A_938, %add3A_956 : i32
        %mul3A_958 = arith.constant 16 : i32
        %mul3A_959 = arith.muli %add3A_957, %mul3A_958 : i32
        %sub3A_960 = arith.subi %mul3A_959, %mul3A_2 : i32
        %get3A_961 = arith.index_cast %sub3A_960 : i32 to index
        %get3A_962 = tpu.vector_load %arg5[%get3A_961] {strides = array<i32>} : memref<2080xf32, #tpu.memory_space<vmem>>, vector<16xf32>,
        %add3A_963 = vector.broadcast %mul3A_959 : i32 to vector<16xi32>
        %add3A_964 = arith.addi %add3A_963, %iota3A : vector<16xi32>
        %ge3A_965 = vector.broadcast %max3A_195 : i32 to vector<16xi32>
        %ge3A_966 = arith.cmpi sge, %add3A_964, %ge3A_965 : vector<16xi32>
        %lt3A_967 = vector.broadcast %min3A_198 : i32 to vector<16xi32>
        %lt3A_968 = arith.cmpi slt, %add3A_964, %lt3A_967 : vector<16xi32>
        %and3A_969 = arith.andi %ge3A_966, %lt3A_968 : vector<16xi1>
        %select_n3A_970 = arith.select %and3A_969, %get3A_962, %broadcast_in_dim3A_8 : vector<16xi1>, vector<16xf32>
        %gt3A_971 = arith.cmpf ogt, %select_n3A_970, %select_n3A_954 : vector<16xf32>
        %select_n3A_972 = arith.select %gt3A_971, %select_n3A_970, %select_n3A_954 : vector<16xi1>, vector<16xf32>
        %select_n3A_973 = arith.select %gt3A_971, %add3A_964, %select_n3A_955 : vector<16xi1>, vector<16xi32>
        scf.yield %select_n3A_972, %select_n3A_973 : vector<16xf32>, vector<16xi32>
      }
      %swap3A_224 = arith.constant 80 : index
      %swap3A_225 = tpu.vector_load %arg10[%swap3A_224] {strides = array<i32>} : memref<256xf32, #tpu.memory_space<vmem>>, vector<16xf32>,
      tpu.vector_store %arg10[%swap3A_224], %while3A_223#0 {strides = array<i32>} : memref<256xf32, #tpu.memory_space<vmem>>, vector<16xf32>,
      %swap3A_226 = arith.constant 80 : index
      %swap3A_227 = tpu.vector_load %arg11[%swap3A_226] {strides = array<i32>} : memref<256xi32, #tpu.memory_space<vmem>>, vector<16xi32>,
      tpu.vector_store %arg11[%swap3A_226], %while3A_223#1 {strides = array<i32>} : memref<256xi32, #tpu.memory_space<vmem>>, vector<16xi32>,
      %slice3A_228 = vector.extract_strided_slice %get3A_11 {offsets = [5], sizes = [1], strides = [1]} : vector<16xi32> to vector<1xi32>
      %squeeze3A_229 = vector.extract %slice3A_228[0] : i32 from vector<1xi32>
      %slice3A_230 = vector.extract_strided_slice %get3A_11 {offsets = [6], sizes = [1], strides = [1]} : vector<16xi32> to vector<1xi32>
      %squeeze3A_231 = vector.extract %slice3A_230[0] : i32 from vector<1xi32>
      %max3A_232 = arith.maxsi %squeeze3A_229, %mul3A_2 : i32
      %add3A_233 = arith.constant 2048 : i32
      %add3A_234 = arith.addi %mul3A_2, %add3A_233 : i32
      %min3A_235 = arith.minsi %squeeze3A_231, %add3A_234 : i32
      %shift_right_logical3A_236 = arith.constant 4 : i32
      %shift_right_logical3A_237 = arith.shrui %max3A_232, %shift_right_logical3A_236 : i32
      %add3A_238 = arith.constant 15 : i32
      %add3A_239 = arith.addi %min3A_235, %add3A_238 : i32
      %shift_right_logical3A_240 = arith.constant 4 : i32
      %shift_right_logical3A_241 = arith.shrui %add3A_239, %shift_right_logical3A_240 : i32
      %sub3A_242 = arith.subi %shift_right_logical3A_241, %shift_right_logical3A_237 : i32
      %sub3A_243 = arith.constant 2 : i32
      %sub3A_244 = arith.constant 1 : i32
      %sub3A_245 = arith.subi %sub3A_243, %sub3A_244 : i32
      %add3A_246 = arith.addi %sub3A_242, %sub3A_245 : i32
      %div3A_247 = arith.constant 2 : i32
      %div3A_248 = arith.divsi %add3A_246, %div3A_247 : i32
      %while3A_249 = arith.constant 2 : i32
      %while3A_250 = arith.constant 0 : i32
      %while3A_251 = arith.subi %div3A_248, %while3A_250 : i32
      %while3A_252 = arith.addi %while3A_250, %while3A_251 : i32
      %while3A_253 = arith.constant 1 : i32
      %while3A_254 = arith.divsi %while3A_251, %while3A_253 : i32
      %while3A_255 = arith.muli %while3A_254, %while3A_253 : i32
      %while3A_256 = arith.addi %while3A_250, %while3A_255 : i32
      %while3A_257 = arith.constant 1 : i32
      %while3A_258:2 = scf.for %while3A_934 = %while3A_250 to %while3A_256 step %while3A_257 iter_args(%while3A_935 = %broadcast_in_dim3A_8, %while3A_936 = %broadcast_in_dim3A_10) -> (vector<16xf32>, vector<16xi32>)  : i32 {
        %mul3A_937 = arith.muli %while3A_934, %while3A_249 : i32
        %add3A_938 = arith.addi %shift_right_logical3A_237, %mul3A_937 : i32
        %add3A_939 = arith.constant 0 : i32
        %add3A_940 = arith.addi %add3A_938, %add3A_939 : i32
        %mul3A_941 = arith.constant 16 : i32
        %mul3A_942 = arith.muli %add3A_940, %mul3A_941 : i32
        %sub3A_943 = arith.subi %mul3A_942, %mul3A_2 : i32
        %get3A_944 = arith.index_cast %sub3A_943 : i32 to index
        %get3A_945 = tpu.vector_load %arg5[%get3A_944] {strides = array<i32>} : memref<2080xf32, #tpu.memory_space<vmem>>, vector<16xf32>,
        %add3A_946 = vector.broadcast %mul3A_942 : i32 to vector<16xi32>
        %add3A_947 = arith.addi %add3A_946, %iota3A : vector<16xi32>
        %ge3A = vector.broadcast %max3A_232 : i32 to vector<16xi32>
        %ge3A_948 = arith.cmpi sge, %add3A_947, %ge3A : vector<16xi32>
        %lt3A_949 = vector.broadcast %min3A_235 : i32 to vector<16xi32>
        %lt3A_950 = arith.cmpi slt, %add3A_947, %lt3A_949 : vector<16xi32>
        %and3A_951 = arith.andi %ge3A_948, %lt3A_950 : vector<16xi1>
        %select_n3A_952 = arith.select %and3A_951, %get3A_945, %broadcast_in_dim3A_8 : vector<16xi1>, vector<16xf32>
        %gt3A_953 = arith.cmpf ogt, %select_n3A_952, %while3A_935 : vector<16xf32>
        %select_n3A_954 = arith.select %gt3A_953, %select_n3A_952, %while3A_935 : vector<16xi1>, vector<16xf32>
        %select_n3A_955 = arith.select %gt3A_953, %add3A_947, %while3A_936 : vector<16xi1>, vector<16xi32>
        %add3A_956 = arith.constant 1 : i32
        %add3A_957 = arith.addi %add3A_938, %add3A_956 : i32
        %mul3A_958 = arith.constant 16 : i32
        %mul3A_959 = arith.muli %add3A_957, %mul3A_958 : i32
        %sub3A_960 = arith.subi %mul3A_959, %mul3A_2 : i32
        %get3A_961 = arith.index_cast %sub3A_960 : i32 to index
        %get3A_962 = tpu.vector_load %arg5[%get3A_961] {strides = array<i32>} : memref<2080xf32, #tpu.memory_space<vmem>>, vector<16xf32>,
        %add3A_963 = vector.broadcast %mul3A_959 : i32 to vector<16xi32>
        %add3A_964 = arith.addi %add3A_963, %iota3A : vector<16xi32>
        %ge3A_965 = vector.broadcast %max3A_232 : i32 to vector<16xi32>
        %ge3A_966 = arith.cmpi sge, %add3A_964, %ge3A_965 : vector<16xi32>
        %lt3A_967 = vector.broadcast %min3A_235 : i32 to vector<16xi32>
        %lt3A_968 = arith.cmpi slt, %add3A_964, %lt3A_967 : vector<16xi32>
        %and3A_969 = arith.andi %ge3A_966, %lt3A_968 : vector<16xi1>
        %select_n3A_970 = arith.select %and3A_969, %get3A_962, %broadcast_in_dim3A_8 : vector<16xi1>, vector<16xf32>
        %gt3A_971 = arith.cmpf ogt, %select_n3A_970, %select_n3A_954 : vector<16xf32>
        %select_n3A_972 = arith.select %gt3A_971, %select_n3A_970, %select_n3A_954 : vector<16xi1>, vector<16xf32>
        %select_n3A_973 = arith.select %gt3A_971, %add3A_964, %select_n3A_955 : vector<16xi1>, vector<16xi32>
        scf.yield %select_n3A_972, %select_n3A_973 : vector<16xf32>, vector<16xi32>
      }
      %while3A_259 = arith.constant 1 : i32
      %while3A_260:2 = scf.for %while3A_934 = %while3A_256 to %while3A_252 step %while3A_259 iter_args(%while3A_935 = %while3A_258#0, %while3A_936 = %while3A_258#1) -> (vector<16xf32>, vector<16xi32>)  : i32 {
        %mul3A_937 = arith.muli %while3A_934, %while3A_249 : i32
        %add3A_938 = arith.addi %shift_right_logical3A_237, %mul3A_937 : i32
        %add3A_939 = arith.constant 0 : i32
        %add3A_940 = arith.addi %add3A_938, %add3A_939 : i32
        %mul3A_941 = arith.constant 16 : i32
        %mul3A_942 = arith.muli %add3A_940, %mul3A_941 : i32
        %sub3A_943 = arith.subi %mul3A_942, %mul3A_2 : i32
        %get3A_944 = arith.index_cast %sub3A_943 : i32 to index
        %get3A_945 = tpu.vector_load %arg5[%get3A_944] {strides = array<i32>} : memref<2080xf32, #tpu.memory_space<vmem>>, vector<16xf32>,
        %add3A_946 = vector.broadcast %mul3A_942 : i32 to vector<16xi32>
        %add3A_947 = arith.addi %add3A_946, %iota3A : vector<16xi32>
        %ge3A = vector.broadcast %max3A_232 : i32 to vector<16xi32>
        %ge3A_948 = arith.cmpi sge, %add3A_947, %ge3A : vector<16xi32>
        %lt3A_949 = vector.broadcast %min3A_235 : i32 to vector<16xi32>
        %lt3A_950 = arith.cmpi slt, %add3A_947, %lt3A_949 : vector<16xi32>
        %and3A_951 = arith.andi %ge3A_948, %lt3A_950 : vector<16xi1>
        %select_n3A_952 = arith.select %and3A_951, %get3A_945, %broadcast_in_dim3A_8 : vector<16xi1>, vector<16xf32>
        %gt3A_953 = arith.cmpf ogt, %select_n3A_952, %while3A_935 : vector<16xf32>
        %select_n3A_954 = arith.select %gt3A_953, %select_n3A_952, %while3A_935 : vector<16xi1>, vector<16xf32>
        %select_n3A_955 = arith.select %gt3A_953, %add3A_947, %while3A_936 : vector<16xi1>, vector<16xi32>
        %add3A_956 = arith.constant 1 : i32
        %add3A_957 = arith.addi %add3A_938, %add3A_956 : i32
        %mul3A_958 = arith.constant 16 : i32
        %mul3A_959 = arith.muli %add3A_957, %mul3A_958 : i32
        %sub3A_960 = arith.subi %mul3A_959, %mul3A_2 : i32
        %get3A_961 = arith.index_cast %sub3A_960 : i32 to index
        %get3A_962 = tpu.vector_load %arg5[%get3A_961] {strides = array<i32>} : memref<2080xf32, #tpu.memory_space<vmem>>, vector<16xf32>,
        %add3A_963 = vector.broadcast %mul3A_959 : i32 to vector<16xi32>
        %add3A_964 = arith.addi %add3A_963, %iota3A : vector<16xi32>
        %ge3A_965 = vector.broadcast %max3A_232 : i32 to vector<16xi32>
        %ge3A_966 = arith.cmpi sge, %add3A_964, %ge3A_965 : vector<16xi32>
        %lt3A_967 = vector.broadcast %min3A_235 : i32 to vector<16xi32>
        %lt3A_968 = arith.cmpi slt, %add3A_964, %lt3A_967 : vector<16xi32>
        %and3A_969 = arith.andi %ge3A_966, %lt3A_968 : vector<16xi1>
        %select_n3A_970 = arith.select %and3A_969, %get3A_962, %broadcast_in_dim3A_8 : vector<16xi1>, vector<16xf32>
        %gt3A_971 = arith.cmpf ogt, %select_n3A_970, %select_n3A_954 : vector<16xf32>
        %select_n3A_972 = arith.select %gt3A_971, %select_n3A_970, %select_n3A_954 : vector<16xi1>, vector<16xf32>
        %select_n3A_973 = arith.select %gt3A_971, %add3A_964, %select_n3A_955 : vector<16xi1>, vector<16xi32>
        scf.yield %select_n3A_972, %select_n3A_973 : vector<16xf32>, vector<16xi32>
      }
      %swap3A_261 = arith.constant 96 : index
      %swap3A_262 = tpu.vector_load %arg10[%swap3A_261] {strides = array<i32>} : memref<256xf32, #tpu.memory_space<vmem>>, vector<16xf32>,
      tpu.vector_store %arg10[%swap3A_261], %while3A_260#0 {strides = array<i32>} : memref<256xf32, #tpu.memory_space<vmem>>, vector<16xf32>,
      %swap3A_263 = arith.constant 96 : index
      %swap3A_264 = tpu.vector_load %arg11[%swap3A_263] {strides = array<i32>} : memref<256xi32, #tpu.memory_space<vmem>>, vector<16xi32>,
      tpu.vector_store %arg11[%swap3A_263], %while3A_260#1 {strides = array<i32>} : memref<256xi32, #tpu.memory_space<vmem>>, vector<16xi32>,
      %slice3A_265 = vector.extract_strided_slice %get3A_11 {offsets = [6], sizes = [1], strides = [1]} : vector<16xi32> to vector<1xi32>
      %squeeze3A_266 = vector.extract %slice3A_265[0] : i32 from vector<1xi32>
      %slice3A_267 = vector.extract_strided_slice %get3A_11 {offsets = [7], sizes = [1], strides = [1]} : vector<16xi32> to vector<1xi32>
      %squeeze3A_268 = vector.extract %slice3A_267[0] : i32 from vector<1xi32>
      %max3A_269 = arith.maxsi %squeeze3A_266, %mul3A_2 : i32
      %add3A_270 = arith.constant 2048 : i32
      %add3A_271 = arith.addi %mul3A_2, %add3A_270 : i32
      %min3A_272 = arith.minsi %squeeze3A_268, %add3A_271 : i32
      %shift_right_logical3A_273 = arith.constant 4 : i32
      %shift_right_logical3A_274 = arith.shrui %max3A_269, %shift_right_logical3A_273 : i32
      %add3A_275 = arith.constant 15 : i32
      %add3A_276 = arith.addi %min3A_272, %add3A_275 : i32
      %shift_right_logical3A_277 = arith.constant 4 : i32
      %shift_right_logical3A_278 = arith.shrui %add3A_276, %shift_right_logical3A_277 : i32
      %sub3A_279 = arith.subi %shift_right_logical3A_278, %shift_right_logical3A_274 : i32
      %sub3A_280 = arith.constant 2 : i32
      %sub3A_281 = arith.constant 1 : i32
      %sub3A_282 = arith.subi %sub3A_280, %sub3A_281 : i32
      %add3A_283 = arith.addi %sub3A_279, %sub3A_282 : i32
      %div3A_284 = arith.constant 2 : i32
      %div3A_285 = arith.divsi %add3A_283, %div3A_284 : i32
      %while3A_286 = arith.constant 2 : i32
      %while3A_287 = arith.constant 0 : i32
      %while3A_288 = arith.subi %div3A_285, %while3A_287 : i32
      %while3A_289 = arith.addi %while3A_287, %while3A_288 : i32
      %while3A_290 = arith.constant 1 : i32
      %while3A_291 = arith.divsi %while3A_288, %while3A_290 : i32
      %while3A_292 = arith.muli %while3A_291, %while3A_290 : i32
      %while3A_293 = arith.addi %while3A_287, %while3A_292 : i32
      %while3A_294 = arith.constant 1 : i32
      %while3A_295:2 = scf.for %while3A_934 = %while3A_287 to %while3A_293 step %while3A_294 iter_args(%while3A_935 = %broadcast_in_dim3A_8, %while3A_936 = %broadcast_in_dim3A_10) -> (vector<16xf32>, vector<16xi32>)  : i32 {
        %mul3A_937 = arith.muli %while3A_934, %while3A_286 : i32
        %add3A_938 = arith.addi %shift_right_logical3A_274, %mul3A_937 : i32
        %add3A_939 = arith.constant 0 : i32
        %add3A_940 = arith.addi %add3A_938, %add3A_939 : i32
        %mul3A_941 = arith.constant 16 : i32
        %mul3A_942 = arith.muli %add3A_940, %mul3A_941 : i32
        %sub3A_943 = arith.subi %mul3A_942, %mul3A_2 : i32
        %get3A_944 = arith.index_cast %sub3A_943 : i32 to index
        %get3A_945 = tpu.vector_load %arg5[%get3A_944] {strides = array<i32>} : memref<2080xf32, #tpu.memory_space<vmem>>, vector<16xf32>,
        %add3A_946 = vector.broadcast %mul3A_942 : i32 to vector<16xi32>
        %add3A_947 = arith.addi %add3A_946, %iota3A : vector<16xi32>
        %ge3A = vector.broadcast %max3A_269 : i32 to vector<16xi32>
        %ge3A_948 = arith.cmpi sge, %add3A_947, %ge3A : vector<16xi32>
        %lt3A_949 = vector.broadcast %min3A_272 : i32 to vector<16xi32>
        %lt3A_950 = arith.cmpi slt, %add3A_947, %lt3A_949 : vector<16xi32>
        %and3A_951 = arith.andi %ge3A_948, %lt3A_950 : vector<16xi1>
        %select_n3A_952 = arith.select %and3A_951, %get3A_945, %broadcast_in_dim3A_8 : vector<16xi1>, vector<16xf32>
        %gt3A_953 = arith.cmpf ogt, %select_n3A_952, %while3A_935 : vector<16xf32>
        %select_n3A_954 = arith.select %gt3A_953, %select_n3A_952, %while3A_935 : vector<16xi1>, vector<16xf32>
        %select_n3A_955 = arith.select %gt3A_953, %add3A_947, %while3A_936 : vector<16xi1>, vector<16xi32>
        %add3A_956 = arith.constant 1 : i32
        %add3A_957 = arith.addi %add3A_938, %add3A_956 : i32
        %mul3A_958 = arith.constant 16 : i32
        %mul3A_959 = arith.muli %add3A_957, %mul3A_958 : i32
        %sub3A_960 = arith.subi %mul3A_959, %mul3A_2 : i32
        %get3A_961 = arith.index_cast %sub3A_960 : i32 to index
        %get3A_962 = tpu.vector_load %arg5[%get3A_961] {strides = array<i32>} : memref<2080xf32, #tpu.memory_space<vmem>>, vector<16xf32>,
        %add3A_963 = vector.broadcast %mul3A_959 : i32 to vector<16xi32>
        %add3A_964 = arith.addi %add3A_963, %iota3A : vector<16xi32>
        %ge3A_965 = vector.broadcast %max3A_269 : i32 to vector<16xi32>
        %ge3A_966 = arith.cmpi sge, %add3A_964, %ge3A_965 : vector<16xi32>
        %lt3A_967 = vector.broadcast %min3A_272 : i32 to vector<16xi32>
        %lt3A_968 = arith.cmpi slt, %add3A_964, %lt3A_967 : vector<16xi32>
        %and3A_969 = arith.andi %ge3A_966, %lt3A_968 : vector<16xi1>
        %select_n3A_970 = arith.select %and3A_969, %get3A_962, %broadcast_in_dim3A_8 : vector<16xi1>, vector<16xf32>
        %gt3A_971 = arith.cmpf ogt, %select_n3A_970, %select_n3A_954 : vector<16xf32>
        %select_n3A_972 = arith.select %gt3A_971, %select_n3A_970, %select_n3A_954 : vector<16xi1>, vector<16xf32>
        %select_n3A_973 = arith.select %gt3A_971, %add3A_964, %select_n3A_955 : vector<16xi1>, vector<16xi32>
        scf.yield %select_n3A_972, %select_n3A_973 : vector<16xf32>, vector<16xi32>
      }
      %while3A_296 = arith.constant 1 : i32
      %while3A_297:2 = scf.for %while3A_934 = %while3A_293 to %while3A_289 step %while3A_296 iter_args(%while3A_935 = %while3A_295#0, %while3A_936 = %while3A_295#1) -> (vector<16xf32>, vector<16xi32>)  : i32 {
        %mul3A_937 = arith.muli %while3A_934, %while3A_286 : i32
        %add3A_938 = arith.addi %shift_right_logical3A_274, %mul3A_937 : i32
        %add3A_939 = arith.constant 0 : i32
        %add3A_940 = arith.addi %add3A_938, %add3A_939 : i32
        %mul3A_941 = arith.constant 16 : i32
        %mul3A_942 = arith.muli %add3A_940, %mul3A_941 : i32
        %sub3A_943 = arith.subi %mul3A_942, %mul3A_2 : i32
        %get3A_944 = arith.index_cast %sub3A_943 : i32 to index
        %get3A_945 = tpu.vector_load %arg5[%get3A_944] {strides = array<i32>} : memref<2080xf32, #tpu.memory_space<vmem>>, vector<16xf32>,
        %add3A_946 = vector.broadcast %mul3A_942 : i32 to vector<16xi32>
        %add3A_947 = arith.addi %add3A_946, %iota3A : vector<16xi32>
        %ge3A = vector.broadcast %max3A_269 : i32 to vector<16xi32>
        %ge3A_948 = arith.cmpi sge, %add3A_947, %ge3A : vector<16xi32>
        %lt3A_949 = vector.broadcast %min3A_272 : i32 to vector<16xi32>
        %lt3A_950 = arith.cmpi slt, %add3A_947, %lt3A_949 : vector<16xi32>
        %and3A_951 = arith.andi %ge3A_948, %lt3A_950 : vector<16xi1>
        %select_n3A_952 = arith.select %and3A_951, %get3A_945, %broadcast_in_dim3A_8 : vector<16xi1>, vector<16xf32>
        %gt3A_953 = arith.cmpf ogt, %select_n3A_952, %while3A_935 : vector<16xf32>
        %select_n3A_954 = arith.select %gt3A_953, %select_n3A_952, %while3A_935 : vector<16xi1>, vector<16xf32>
        %select_n3A_955 = arith.select %gt3A_953, %add3A_947, %while3A_936 : vector<16xi1>, vector<16xi32>
        %add3A_956 = arith.constant 1 : i32
        %add3A_957 = arith.addi %add3A_938, %add3A_956 : i32
        %mul3A_958 = arith.constant 16 : i32
        %mul3A_959 = arith.muli %add3A_957, %mul3A_958 : i32
        %sub3A_960 = arith.subi %mul3A_959, %mul3A_2 : i32
        %get3A_961 = arith.index_cast %sub3A_960 : i32 to index
        %get3A_962 = tpu.vector_load %arg5[%get3A_961] {strides = array<i32>} : memref<2080xf32, #tpu.memory_space<vmem>>, vector<16xf32>,
        %add3A_963 = vector.broadcast %mul3A_959 : i32 to vector<16xi32>
        %add3A_964 = arith.addi %add3A_963, %iota3A : vector<16xi32>
        %ge3A_965 = vector.broadcast %max3A_269 : i32 to vector<16xi32>
        %ge3A_966 = arith.cmpi sge, %add3A_964, %ge3A_965 : vector<16xi32>
        %lt3A_967 = vector.broadcast %min3A_272 : i32 to vector<16xi32>
        %lt3A_968 = arith.cmpi slt, %add3A_964, %lt3A_967 : vector<16xi32>
        %and3A_969 = arith.andi %ge3A_966, %lt3A_968 : vector<16xi1>
        %select_n3A_970 = arith.select %and3A_969, %get3A_962, %broadcast_in_dim3A_8 : vector<16xi1>, vector<16xf32>
        %gt3A_971 = arith.cmpf ogt, %select_n3A_970, %select_n3A_954 : vector<16xf32>
        %select_n3A_972 = arith.select %gt3A_971, %select_n3A_970, %select_n3A_954 : vector<16xi1>, vector<16xf32>
        %select_n3A_973 = arith.select %gt3A_971, %add3A_964, %select_n3A_955 : vector<16xi1>, vector<16xi32>
        scf.yield %select_n3A_972, %select_n3A_973 : vector<16xf32>, vector<16xi32>
      }
      %swap3A_298 = arith.constant 112 : index
      %swap3A_299 = tpu.vector_load %arg10[%swap3A_298] {strides = array<i32>} : memref<256xf32, #tpu.memory_space<vmem>>, vector<16xf32>,
      tpu.vector_store %arg10[%swap3A_298], %while3A_297#0 {strides = array<i32>} : memref<256xf32, #tpu.memory_space<vmem>>, vector<16xf32>,
      %swap3A_300 = arith.constant 112 : index
      %swap3A_301 = tpu.vector_load %arg11[%swap3A_300] {strides = array<i32>} : memref<256xi32, #tpu.memory_space<vmem>>, vector<16xi32>,
      tpu.vector_store %arg11[%swap3A_300], %while3A_297#1 {strides = array<i32>} : memref<256xi32, #tpu.memory_space<vmem>>, vector<16xi32>,
      %slice3A_302 = vector.extract_strided_slice %get3A_11 {offsets = [7], sizes = [1], strides = [1]} : vector<16xi32> to vector<1xi32>
      %squeeze3A_303 = vector.extract %slice3A_302[0] : i32 from vector<1xi32>
      %slice3A_304 = vector.extract_strided_slice %get3A_11 {offsets = [8], sizes = [1], strides = [1]} : vector<16xi32> to vector<1xi32>
      %squeeze3A_305 = vector.extract %slice3A_304[0] : i32 from vector<1xi32>
      %max3A_306 = arith.maxsi %squeeze3A_303, %mul3A_2 : i32
      %add3A_307 = arith.constant 2048 : i32
      %add3A_308 = arith.addi %mul3A_2, %add3A_307 : i32
      %min3A_309 = arith.minsi %squeeze3A_305, %add3A_308 : i32
      %shift_right_logical3A_310 = arith.constant 4 : i32
      %shift_right_logical3A_311 = arith.shrui %max3A_306, %shift_right_logical3A_310 : i32
      %add3A_312 = arith.constant 15 : i32
      %add3A_313 = arith.addi %min3A_309, %add3A_312 : i32
      %shift_right_logical3A_314 = arith.constant 4 : i32
      %shift_right_logical3A_315 = arith.shrui %add3A_313, %shift_right_logical3A_314 : i32
      %sub3A_316 = arith.subi %shift_right_logical3A_315, %shift_right_logical3A_311 : i32
      %sub3A_317 = arith.constant 2 : i32
      %sub3A_318 = arith.constant 1 : i32
      %sub3A_319 = arith.subi %sub3A_317, %sub3A_318 : i32
      %add3A_320 = arith.addi %sub3A_316, %sub3A_319 : i32
      %div3A_321 = arith.constant 2 : i32
      %div3A_322 = arith.divsi %add3A_320, %div3A_321 : i32
      %while3A_323 = arith.constant 2 : i32
      %while3A_324 = arith.constant 0 : i32
      %while3A_325 = arith.subi %div3A_322, %while3A_324 : i32
      %while3A_326 = arith.addi %while3A_324, %while3A_325 : i32
      %while3A_327 = arith.constant 1 : i32
      %while3A_328 = arith.divsi %while3A_325, %while3A_327 : i32
      %while3A_329 = arith.muli %while3A_328, %while3A_327 : i32
      %while3A_330 = arith.addi %while3A_324, %while3A_329 : i32
      %while3A_331 = arith.constant 1 : i32
      %while3A_332:2 = scf.for %while3A_934 = %while3A_324 to %while3A_330 step %while3A_331 iter_args(%while3A_935 = %broadcast_in_dim3A_8, %while3A_936 = %broadcast_in_dim3A_10) -> (vector<16xf32>, vector<16xi32>)  : i32 {
        %mul3A_937 = arith.muli %while3A_934, %while3A_323 : i32
        %add3A_938 = arith.addi %shift_right_logical3A_311, %mul3A_937 : i32
        %add3A_939 = arith.constant 0 : i32
        %add3A_940 = arith.addi %add3A_938, %add3A_939 : i32
        %mul3A_941 = arith.constant 16 : i32
        %mul3A_942 = arith.muli %add3A_940, %mul3A_941 : i32
        %sub3A_943 = arith.subi %mul3A_942, %mul3A_2 : i32
        %get3A_944 = arith.index_cast %sub3A_943 : i32 to index
        %get3A_945 = tpu.vector_load %arg5[%get3A_944] {strides = array<i32>} : memref<2080xf32, #tpu.memory_space<vmem>>, vector<16xf32>,
        %add3A_946 = vector.broadcast %mul3A_942 : i32 to vector<16xi32>
        %add3A_947 = arith.addi %add3A_946, %iota3A : vector<16xi32>
        %ge3A = vector.broadcast %max3A_306 : i32 to vector<16xi32>
        %ge3A_948 = arith.cmpi sge, %add3A_947, %ge3A : vector<16xi32>
        %lt3A_949 = vector.broadcast %min3A_309 : i32 to vector<16xi32>
        %lt3A_950 = arith.cmpi slt, %add3A_947, %lt3A_949 : vector<16xi32>
        %and3A_951 = arith.andi %ge3A_948, %lt3A_950 : vector<16xi1>
        %select_n3A_952 = arith.select %and3A_951, %get3A_945, %broadcast_in_dim3A_8 : vector<16xi1>, vector<16xf32>
        %gt3A_953 = arith.cmpf ogt, %select_n3A_952, %while3A_935 : vector<16xf32>
        %select_n3A_954 = arith.select %gt3A_953, %select_n3A_952, %while3A_935 : vector<16xi1>, vector<16xf32>
        %select_n3A_955 = arith.select %gt3A_953, %add3A_947, %while3A_936 : vector<16xi1>, vector<16xi32>
        %add3A_956 = arith.constant 1 : i32
        %add3A_957 = arith.addi %add3A_938, %add3A_956 : i32
        %mul3A_958 = arith.constant 16 : i32
        %mul3A_959 = arith.muli %add3A_957, %mul3A_958 : i32
        %sub3A_960 = arith.subi %mul3A_959, %mul3A_2 : i32
        %get3A_961 = arith.index_cast %sub3A_960 : i32 to index
        %get3A_962 = tpu.vector_load %arg5[%get3A_961] {strides = array<i32>} : memref<2080xf32, #tpu.memory_space<vmem>>, vector<16xf32>,
        %add3A_963 = vector.broadcast %mul3A_959 : i32 to vector<16xi32>
        %add3A_964 = arith.addi %add3A_963, %iota3A : vector<16xi32>
        %ge3A_965 = vector.broadcast %max3A_306 : i32 to vector<16xi32>
        %ge3A_966 = arith.cmpi sge, %add3A_964, %ge3A_965 : vector<16xi32>
        %lt3A_967 = vector.broadcast %min3A_309 : i32 to vector<16xi32>
        %lt3A_968 = arith.cmpi slt, %add3A_964, %lt3A_967 : vector<16xi32>
        %and3A_969 = arith.andi %ge3A_966, %lt3A_968 : vector<16xi1>
        %select_n3A_970 = arith.select %and3A_969, %get3A_962, %broadcast_in_dim3A_8 : vector<16xi1>, vector<16xf32>
        %gt3A_971 = arith.cmpf ogt, %select_n3A_970, %select_n3A_954 : vector<16xf32>
        %select_n3A_972 = arith.select %gt3A_971, %select_n3A_970, %select_n3A_954 : vector<16xi1>, vector<16xf32>
        %select_n3A_973 = arith.select %gt3A_971, %add3A_964, %select_n3A_955 : vector<16xi1>, vector<16xi32>
        scf.yield %select_n3A_972, %select_n3A_973 : vector<16xf32>, vector<16xi32>
      }
      %while3A_333 = arith.constant 1 : i32
      %while3A_334:2 = scf.for %while3A_934 = %while3A_330 to %while3A_326 step %while3A_333 iter_args(%while3A_935 = %while3A_332#0, %while3A_936 = %while3A_332#1) -> (vector<16xf32>, vector<16xi32>)  : i32 {
        %mul3A_937 = arith.muli %while3A_934, %while3A_323 : i32
        %add3A_938 = arith.addi %shift_right_logical3A_311, %mul3A_937 : i32
        %add3A_939 = arith.constant 0 : i32
        %add3A_940 = arith.addi %add3A_938, %add3A_939 : i32
        %mul3A_941 = arith.constant 16 : i32
        %mul3A_942 = arith.muli %add3A_940, %mul3A_941 : i32
        %sub3A_943 = arith.subi %mul3A_942, %mul3A_2 : i32
        %get3A_944 = arith.index_cast %sub3A_943 : i32 to index
        %get3A_945 = tpu.vector_load %arg5[%get3A_944] {strides = array<i32>} : memref<2080xf32, #tpu.memory_space<vmem>>, vector<16xf32>,
        %add3A_946 = vector.broadcast %mul3A_942 : i32 to vector<16xi32>
        %add3A_947 = arith.addi %add3A_946, %iota3A : vector<16xi32>
        %ge3A = vector.broadcast %max3A_306 : i32 to vector<16xi32>
        %ge3A_948 = arith.cmpi sge, %add3A_947, %ge3A : vector<16xi32>
        %lt3A_949 = vector.broadcast %min3A_309 : i32 to vector<16xi32>
        %lt3A_950 = arith.cmpi slt, %add3A_947, %lt3A_949 : vector<16xi32>
        %and3A_951 = arith.andi %ge3A_948, %lt3A_950 : vector<16xi1>
        %select_n3A_952 = arith.select %and3A_951, %get3A_945, %broadcast_in_dim3A_8 : vector<16xi1>, vector<16xf32>
        %gt3A_953 = arith.cmpf ogt, %select_n3A_952, %while3A_935 : vector<16xf32>
        %select_n3A_954 = arith.select %gt3A_953, %select_n3A_952, %while3A_935 : vector<16xi1>, vector<16xf32>
        %select_n3A_955 = arith.select %gt3A_953, %add3A_947, %while3A_936 : vector<16xi1>, vector<16xi32>
        %add3A_956 = arith.constant 1 : i32
        %add3A_957 = arith.addi %add3A_938, %add3A_956 : i32
        %mul3A_958 = arith.constant 16 : i32
        %mul3A_959 = arith.muli %add3A_957, %mul3A_958 : i32
        %sub3A_960 = arith.subi %mul3A_959, %mul3A_2 : i32
        %get3A_961 = arith.index_cast %sub3A_960 : i32 to index
        %get3A_962 = tpu.vector_load %arg5[%get3A_961] {strides = array<i32>} : memref<2080xf32, #tpu.memory_space<vmem>>, vector<16xf32>,
        %add3A_963 = vector.broadcast %mul3A_959 : i32 to vector<16xi32>
        %add3A_964 = arith.addi %add3A_963, %iota3A : vector<16xi32>
        %ge3A_965 = vector.broadcast %max3A_306 : i32 to vector<16xi32>
        %ge3A_966 = arith.cmpi sge, %add3A_964, %ge3A_965 : vector<16xi32>
        %lt3A_967 = vector.broadcast %min3A_309 : i32 to vector<16xi32>
        %lt3A_968 = arith.cmpi slt, %add3A_964, %lt3A_967 : vector<16xi32>
        %and3A_969 = arith.andi %ge3A_966, %lt3A_968 : vector<16xi1>
        %select_n3A_970 = arith.select %and3A_969, %get3A_962, %broadcast_in_dim3A_8 : vector<16xi1>, vector<16xf32>
        %gt3A_971 = arith.cmpf ogt, %select_n3A_970, %select_n3A_954 : vector<16xf32>
        %select_n3A_972 = arith.select %gt3A_971, %select_n3A_970, %select_n3A_954 : vector<16xi1>, vector<16xf32>
        %select_n3A_973 = arith.select %gt3A_971, %add3A_964, %select_n3A_955 : vector<16xi1>, vector<16xi32>
        scf.yield %select_n3A_972, %select_n3A_973 : vector<16xf32>, vector<16xi32>
      }
      %swap3A_335 = arith.constant 128 : index
      %swap3A_336 = tpu.vector_load %arg10[%swap3A_335] {strides = array<i32>} : memref<256xf32, #tpu.memory_space<vmem>>, vector<16xf32>,
      tpu.vector_store %arg10[%swap3A_335], %while3A_334#0 {strides = array<i32>} : memref<256xf32, #tpu.memory_space<vmem>>, vector<16xf32>,
      %swap3A_337 = arith.constant 128 : index
      %swap3A_338 = tpu.vector_load %arg11[%swap3A_337] {strides = array<i32>} : memref<256xi32, #tpu.memory_space<vmem>>, vector<16xi32>,
      tpu.vector_store %arg11[%swap3A_337], %while3A_334#1 {strides = array<i32>} : memref<256xi32, #tpu.memory_space<vmem>>, vector<16xi32>,
      %slice3A_339 = vector.extract_strided_slice %get3A_11 {offsets = [8], sizes = [1], strides = [1]} : vector<16xi32> to vector<1xi32>
      %squeeze3A_340 = vector.extract %slice3A_339[0] : i32 from vector<1xi32>
      %slice3A_341 = vector.extract_strided_slice %get3A_11 {offsets = [9], sizes = [1], strides = [1]} : vector<16xi32> to vector<1xi32>
      %squeeze3A_342 = vector.extract %slice3A_341[0] : i32 from vector<1xi32>
      %max3A_343 = arith.maxsi %squeeze3A_340, %mul3A_2 : i32
      %add3A_344 = arith.constant 2048 : i32
      %add3A_345 = arith.addi %mul3A_2, %add3A_344 : i32
      %min3A_346 = arith.minsi %squeeze3A_342, %add3A_345 : i32
      %shift_right_logical3A_347 = arith.constant 4 : i32
      %shift_right_logical3A_348 = arith.shrui %max3A_343, %shift_right_logical3A_347 : i32
      %add3A_349 = arith.constant 15 : i32
      %add3A_350 = arith.addi %min3A_346, %add3A_349 : i32
      %shift_right_logical3A_351 = arith.constant 4 : i32
      %shift_right_logical3A_352 = arith.shrui %add3A_350, %shift_right_logical3A_351 : i32
      %sub3A_353 = arith.subi %shift_right_logical3A_352, %shift_right_logical3A_348 : i32
      %sub3A_354 = arith.constant 2 : i32
      %sub3A_355 = arith.constant 1 : i32
      %sub3A_356 = arith.subi %sub3A_354, %sub3A_355 : i32
      %add3A_357 = arith.addi %sub3A_353, %sub3A_356 : i32
      %div3A_358 = arith.constant 2 : i32
      %div3A_359 = arith.divsi %add3A_357, %div3A_358 : i32
      %while3A_360 = arith.constant 2 : i32
      %while3A_361 = arith.constant 0 : i32
      %while3A_362 = arith.subi %div3A_359, %while3A_361 : i32
      %while3A_363 = arith.addi %while3A_361, %while3A_362 : i32
      %while3A_364 = arith.constant 1 : i32
      %while3A_365 = arith.divsi %while3A_362, %while3A_364 : i32
      %while3A_366 = arith.muli %while3A_365, %while3A_364 : i32
      %while3A_367 = arith.addi %while3A_361, %while3A_366 : i32
      %while3A_368 = arith.constant 1 : i32
      %while3A_369:2 = scf.for %while3A_934 = %while3A_361 to %while3A_367 step %while3A_368 iter_args(%while3A_935 = %broadcast_in_dim3A_8, %while3A_936 = %broadcast_in_dim3A_10) -> (vector<16xf32>, vector<16xi32>)  : i32 {
        %mul3A_937 = arith.muli %while3A_934, %while3A_360 : i32
        %add3A_938 = arith.addi %shift_right_logical3A_348, %mul3A_937 : i32
        %add3A_939 = arith.constant 0 : i32
        %add3A_940 = arith.addi %add3A_938, %add3A_939 : i32
        %mul3A_941 = arith.constant 16 : i32
        %mul3A_942 = arith.muli %add3A_940, %mul3A_941 : i32
        %sub3A_943 = arith.subi %mul3A_942, %mul3A_2 : i32
        %get3A_944 = arith.index_cast %sub3A_943 : i32 to index
        %get3A_945 = tpu.vector_load %arg5[%get3A_944] {strides = array<i32>} : memref<2080xf32, #tpu.memory_space<vmem>>, vector<16xf32>,
        %add3A_946 = vector.broadcast %mul3A_942 : i32 to vector<16xi32>
        %add3A_947 = arith.addi %add3A_946, %iota3A : vector<16xi32>
        %ge3A = vector.broadcast %max3A_343 : i32 to vector<16xi32>
        %ge3A_948 = arith.cmpi sge, %add3A_947, %ge3A : vector<16xi32>
        %lt3A_949 = vector.broadcast %min3A_346 : i32 to vector<16xi32>
        %lt3A_950 = arith.cmpi slt, %add3A_947, %lt3A_949 : vector<16xi32>
        %and3A_951 = arith.andi %ge3A_948, %lt3A_950 : vector<16xi1>
        %select_n3A_952 = arith.select %and3A_951, %get3A_945, %broadcast_in_dim3A_8 : vector<16xi1>, vector<16xf32>
        %gt3A_953 = arith.cmpf ogt, %select_n3A_952, %while3A_935 : vector<16xf32>
        %select_n3A_954 = arith.select %gt3A_953, %select_n3A_952, %while3A_935 : vector<16xi1>, vector<16xf32>
        %select_n3A_955 = arith.select %gt3A_953, %add3A_947, %while3A_936 : vector<16xi1>, vector<16xi32>
        %add3A_956 = arith.constant 1 : i32
        %add3A_957 = arith.addi %add3A_938, %add3A_956 : i32
        %mul3A_958 = arith.constant 16 : i32
        %mul3A_959 = arith.muli %add3A_957, %mul3A_958 : i32
        %sub3A_960 = arith.subi %mul3A_959, %mul3A_2 : i32
        %get3A_961 = arith.index_cast %sub3A_960 : i32 to index
        %get3A_962 = tpu.vector_load %arg5[%get3A_961] {strides = array<i32>} : memref<2080xf32, #tpu.memory_space<vmem>>, vector<16xf32>,
        %add3A_963 = vector.broadcast %mul3A_959 : i32 to vector<16xi32>
        %add3A_964 = arith.addi %add3A_963, %iota3A : vector<16xi32>
        %ge3A_965 = vector.broadcast %max3A_343 : i32 to vector<16xi32>
        %ge3A_966 = arith.cmpi sge, %add3A_964, %ge3A_965 : vector<16xi32>
        %lt3A_967 = vector.broadcast %min3A_346 : i32 to vector<16xi32>
        %lt3A_968 = arith.cmpi slt, %add3A_964, %lt3A_967 : vector<16xi32>
        %and3A_969 = arith.andi %ge3A_966, %lt3A_968 : vector<16xi1>
        %select_n3A_970 = arith.select %and3A_969, %get3A_962, %broadcast_in_dim3A_8 : vector<16xi1>, vector<16xf32>
        %gt3A_971 = arith.cmpf ogt, %select_n3A_970, %select_n3A_954 : vector<16xf32>
        %select_n3A_972 = arith.select %gt3A_971, %select_n3A_970, %select_n3A_954 : vector<16xi1>, vector<16xf32>
        %select_n3A_973 = arith.select %gt3A_971, %add3A_964, %select_n3A_955 : vector<16xi1>, vector<16xi32>
        scf.yield %select_n3A_972, %select_n3A_973 : vector<16xf32>, vector<16xi32>
      }
      %while3A_370 = arith.constant 1 : i32
      %while3A_371:2 = scf.for %while3A_934 = %while3A_367 to %while3A_363 step %while3A_370 iter_args(%while3A_935 = %while3A_369#0, %while3A_936 = %while3A_369#1) -> (vector<16xf32>, vector<16xi32>)  : i32 {
        %mul3A_937 = arith.muli %while3A_934, %while3A_360 : i32
        %add3A_938 = arith.addi %shift_right_logical3A_348, %mul3A_937 : i32
        %add3A_939 = arith.constant 0 : i32
        %add3A_940 = arith.addi %add3A_938, %add3A_939 : i32
        %mul3A_941 = arith.constant 16 : i32
        %mul3A_942 = arith.muli %add3A_940, %mul3A_941 : i32
        %sub3A_943 = arith.subi %mul3A_942, %mul3A_2 : i32
        %get3A_944 = arith.index_cast %sub3A_943 : i32 to index
        %get3A_945 = tpu.vector_load %arg5[%get3A_944] {strides = array<i32>} : memref<2080xf32, #tpu.memory_space<vmem>>, vector<16xf32>,
        %add3A_946 = vector.broadcast %mul3A_942 : i32 to vector<16xi32>
        %add3A_947 = arith.addi %add3A_946, %iota3A : vector<16xi32>
        %ge3A = vector.broadcast %max3A_343 : i32 to vector<16xi32>
        %ge3A_948 = arith.cmpi sge, %add3A_947, %ge3A : vector<16xi32>
        %lt3A_949 = vector.broadcast %min3A_346 : i32 to vector<16xi32>
        %lt3A_950 = arith.cmpi slt, %add3A_947, %lt3A_949 : vector<16xi32>
        %and3A_951 = arith.andi %ge3A_948, %lt3A_950 : vector<16xi1>
        %select_n3A_952 = arith.select %and3A_951, %get3A_945, %broadcast_in_dim3A_8 : vector<16xi1>, vector<16xf32>
        %gt3A_953 = arith.cmpf ogt, %select_n3A_952, %while3A_935 : vector<16xf32>
        %select_n3A_954 = arith.select %gt3A_953, %select_n3A_952, %while3A_935 : vector<16xi1>, vector<16xf32>
        %select_n3A_955 = arith.select %gt3A_953, %add3A_947, %while3A_936 : vector<16xi1>, vector<16xi32>
        %add3A_956 = arith.constant 1 : i32
        %add3A_957 = arith.addi %add3A_938, %add3A_956 : i32
        %mul3A_958 = arith.constant 16 : i32
        %mul3A_959 = arith.muli %add3A_957, %mul3A_958 : i32
        %sub3A_960 = arith.subi %mul3A_959, %mul3A_2 : i32
        %get3A_961 = arith.index_cast %sub3A_960 : i32 to index
        %get3A_962 = tpu.vector_load %arg5[%get3A_961] {strides = array<i32>} : memref<2080xf32, #tpu.memory_space<vmem>>, vector<16xf32>,
        %add3A_963 = vector.broadcast %mul3A_959 : i32 to vector<16xi32>
        %add3A_964 = arith.addi %add3A_963, %iota3A : vector<16xi32>
        %ge3A_965 = vector.broadcast %max3A_343 : i32 to vector<16xi32>
        %ge3A_966 = arith.cmpi sge, %add3A_964, %ge3A_965 : vector<16xi32>
        %lt3A_967 = vector.broadcast %min3A_346 : i32 to vector<16xi32>
        %lt3A_968 = arith.cmpi slt, %add3A_964, %lt3A_967 : vector<16xi32>
        %and3A_969 = arith.andi %ge3A_966, %lt3A_968 : vector<16xi1>
        %select_n3A_970 = arith.select %and3A_969, %get3A_962, %broadcast_in_dim3A_8 : vector<16xi1>, vector<16xf32>
        %gt3A_971 = arith.cmpf ogt, %select_n3A_970, %select_n3A_954 : vector<16xf32>
        %select_n3A_972 = arith.select %gt3A_971, %select_n3A_970, %select_n3A_954 : vector<16xi1>, vector<16xf32>
        %select_n3A_973 = arith.select %gt3A_971, %add3A_964, %select_n3A_955 : vector<16xi1>, vector<16xi32>
        scf.yield %select_n3A_972, %select_n3A_973 : vector<16xf32>, vector<16xi32>
      }
      %swap3A_372 = arith.constant 144 : index
      %swap3A_373 = tpu.vector_load %arg10[%swap3A_372] {strides = array<i32>} : memref<256xf32, #tpu.memory_space<vmem>>, vector<16xf32>,
      tpu.vector_store %arg10[%swap3A_372], %while3A_371#0 {strides = array<i32>} : memref<256xf32, #tpu.memory_space<vmem>>, vector<16xf32>,
      %swap3A_374 = arith.constant 144 : index
      %swap3A_375 = tpu.vector_load %arg11[%swap3A_374] {strides = array<i32>} : memref<256xi32, #tpu.memory_space<vmem>>, vector<16xi32>,
      tpu.vector_store %arg11[%swap3A_374], %while3A_371#1 {strides = array<i32>} : memref<256xi32, #tpu.memory_space<vmem>>, vector<16xi32>,
      %slice3A_376 = vector.extract_strided_slice %get3A_11 {offsets = [9], sizes = [1], strides = [1]} : vector<16xi32> to vector<1xi32>
      %squeeze3A_377 = vector.extract %slice3A_376[0] : i32 from vector<1xi32>
      %slice3A_378 = vector.extract_strided_slice %get3A_11 {offsets = [10], sizes = [1], strides = [1]} : vector<16xi32> to vector<1xi32>
      %squeeze3A_379 = vector.extract %slice3A_378[0] : i32 from vector<1xi32>
      %max3A_380 = arith.maxsi %squeeze3A_377, %mul3A_2 : i32
      %add3A_381 = arith.constant 2048 : i32
      %add3A_382 = arith.addi %mul3A_2, %add3A_381 : i32
      %min3A_383 = arith.minsi %squeeze3A_379, %add3A_382 : i32
      %shift_right_logical3A_384 = arith.constant 4 : i32
      %shift_right_logical3A_385 = arith.shrui %max3A_380, %shift_right_logical3A_384 : i32
      %add3A_386 = arith.constant 15 : i32
      %add3A_387 = arith.addi %min3A_383, %add3A_386 : i32
      %shift_right_logical3A_388 = arith.constant 4 : i32
      %shift_right_logical3A_389 = arith.shrui %add3A_387, %shift_right_logical3A_388 : i32
      %sub3A_390 = arith.subi %shift_right_logical3A_389, %shift_right_logical3A_385 : i32
      %sub3A_391 = arith.constant 2 : i32
      %sub3A_392 = arith.constant 1 : i32
      %sub3A_393 = arith.subi %sub3A_391, %sub3A_392 : i32
      %add3A_394 = arith.addi %sub3A_390, %sub3A_393 : i32
      %div3A_395 = arith.constant 2 : i32
      %div3A_396 = arith.divsi %add3A_394, %div3A_395 : i32
      %while3A_397 = arith.constant 2 : i32
      %while3A_398 = arith.constant 0 : i32
      %while3A_399 = arith.subi %div3A_396, %while3A_398 : i32
      %while3A_400 = arith.addi %while3A_398, %while3A_399 : i32
      %while3A_401 = arith.constant 1 : i32
      %while3A_402 = arith.divsi %while3A_399, %while3A_401 : i32
      %while3A_403 = arith.muli %while3A_402, %while3A_401 : i32
      %while3A_404 = arith.addi %while3A_398, %while3A_403 : i32
      %while3A_405 = arith.constant 1 : i32
      %while3A_406:2 = scf.for %while3A_934 = %while3A_398 to %while3A_404 step %while3A_405 iter_args(%while3A_935 = %broadcast_in_dim3A_8, %while3A_936 = %broadcast_in_dim3A_10) -> (vector<16xf32>, vector<16xi32>)  : i32 {
        %mul3A_937 = arith.muli %while3A_934, %while3A_397 : i32
        %add3A_938 = arith.addi %shift_right_logical3A_385, %mul3A_937 : i32
        %add3A_939 = arith.constant 0 : i32
        %add3A_940 = arith.addi %add3A_938, %add3A_939 : i32
        %mul3A_941 = arith.constant 16 : i32
        %mul3A_942 = arith.muli %add3A_940, %mul3A_941 : i32
        %sub3A_943 = arith.subi %mul3A_942, %mul3A_2 : i32
        %get3A_944 = arith.index_cast %sub3A_943 : i32 to index
        %get3A_945 = tpu.vector_load %arg5[%get3A_944] {strides = array<i32>} : memref<2080xf32, #tpu.memory_space<vmem>>, vector<16xf32>,
        %add3A_946 = vector.broadcast %mul3A_942 : i32 to vector<16xi32>
        %add3A_947 = arith.addi %add3A_946, %iota3A : vector<16xi32>
        %ge3A = vector.broadcast %max3A_380 : i32 to vector<16xi32>
        %ge3A_948 = arith.cmpi sge, %add3A_947, %ge3A : vector<16xi32>
        %lt3A_949 = vector.broadcast %min3A_383 : i32 to vector<16xi32>
        %lt3A_950 = arith.cmpi slt, %add3A_947, %lt3A_949 : vector<16xi32>
        %and3A_951 = arith.andi %ge3A_948, %lt3A_950 : vector<16xi1>
        %select_n3A_952 = arith.select %and3A_951, %get3A_945, %broadcast_in_dim3A_8 : vector<16xi1>, vector<16xf32>
        %gt3A_953 = arith.cmpf ogt, %select_n3A_952, %while3A_935 : vector<16xf32>
        %select_n3A_954 = arith.select %gt3A_953, %select_n3A_952, %while3A_935 : vector<16xi1>, vector<16xf32>
        %select_n3A_955 = arith.select %gt3A_953, %add3A_947, %while3A_936 : vector<16xi1>, vector<16xi32>
        %add3A_956 = arith.constant 1 : i32
        %add3A_957 = arith.addi %add3A_938, %add3A_956 : i32
        %mul3A_958 = arith.constant 16 : i32
        %mul3A_959 = arith.muli %add3A_957, %mul3A_958 : i32
        %sub3A_960 = arith.subi %mul3A_959, %mul3A_2 : i32
        %get3A_961 = arith.index_cast %sub3A_960 : i32 to index
        %get3A_962 = tpu.vector_load %arg5[%get3A_961] {strides = array<i32>} : memref<2080xf32, #tpu.memory_space<vmem>>, vector<16xf32>,
        %add3A_963 = vector.broadcast %mul3A_959 : i32 to vector<16xi32>
        %add3A_964 = arith.addi %add3A_963, %iota3A : vector<16xi32>
        %ge3A_965 = vector.broadcast %max3A_380 : i32 to vector<16xi32>
        %ge3A_966 = arith.cmpi sge, %add3A_964, %ge3A_965 : vector<16xi32>
        %lt3A_967 = vector.broadcast %min3A_383 : i32 to vector<16xi32>
        %lt3A_968 = arith.cmpi slt, %add3A_964, %lt3A_967 : vector<16xi32>
        %and3A_969 = arith.andi %ge3A_966, %lt3A_968 : vector<16xi1>
        %select_n3A_970 = arith.select %and3A_969, %get3A_962, %broadcast_in_dim3A_8 : vector<16xi1>, vector<16xf32>
        %gt3A_971 = arith.cmpf ogt, %select_n3A_970, %select_n3A_954 : vector<16xf32>
        %select_n3A_972 = arith.select %gt3A_971, %select_n3A_970, %select_n3A_954 : vector<16xi1>, vector<16xf32>
        %select_n3A_973 = arith.select %gt3A_971, %add3A_964, %select_n3A_955 : vector<16xi1>, vector<16xi32>
        scf.yield %select_n3A_972, %select_n3A_973 : vector<16xf32>, vector<16xi32>
      }
      %while3A_407 = arith.constant 1 : i32
      %while3A_408:2 = scf.for %while3A_934 = %while3A_404 to %while3A_400 step %while3A_407 iter_args(%while3A_935 = %while3A_406#0, %while3A_936 = %while3A_406#1) -> (vector<16xf32>, vector<16xi32>)  : i32 {
        %mul3A_937 = arith.muli %while3A_934, %while3A_397 : i32
        %add3A_938 = arith.addi %shift_right_logical3A_385, %mul3A_937 : i32
        %add3A_939 = arith.constant 0 : i32
        %add3A_940 = arith.addi %add3A_938, %add3A_939 : i32
        %mul3A_941 = arith.constant 16 : i32
        %mul3A_942 = arith.muli %add3A_940, %mul3A_941 : i32
        %sub3A_943 = arith.subi %mul3A_942, %mul3A_2 : i32
        %get3A_944 = arith.index_cast %sub3A_943 : i32 to index
        %get3A_945 = tpu.vector_load %arg5[%get3A_944] {strides = array<i32>} : memref<2080xf32, #tpu.memory_space<vmem>>, vector<16xf32>,
        %add3A_946 = vector.broadcast %mul3A_942 : i32 to vector<16xi32>
        %add3A_947 = arith.addi %add3A_946, %iota3A : vector<16xi32>
        %ge3A = vector.broadcast %max3A_380 : i32 to vector<16xi32>
        %ge3A_948 = arith.cmpi sge, %add3A_947, %ge3A : vector<16xi32>
        %lt3A_949 = vector.broadcast %min3A_383 : i32 to vector<16xi32>
        %lt3A_950 = arith.cmpi slt, %add3A_947, %lt3A_949 : vector<16xi32>
        %and3A_951 = arith.andi %ge3A_948, %lt3A_950 : vector<16xi1>
        %select_n3A_952 = arith.select %and3A_951, %get3A_945, %broadcast_in_dim3A_8 : vector<16xi1>, vector<16xf32>
        %gt3A_953 = arith.cmpf ogt, %select_n3A_952, %while3A_935 : vector<16xf32>
        %select_n3A_954 = arith.select %gt3A_953, %select_n3A_952, %while3A_935 : vector<16xi1>, vector<16xf32>
        %select_n3A_955 = arith.select %gt3A_953, %add3A_947, %while3A_936 : vector<16xi1>, vector<16xi32>
        %add3A_956 = arith.constant 1 : i32
        %add3A_957 = arith.addi %add3A_938, %add3A_956 : i32
        %mul3A_958 = arith.constant 16 : i32
        %mul3A_959 = arith.muli %add3A_957, %mul3A_958 : i32
        %sub3A_960 = arith.subi %mul3A_959, %mul3A_2 : i32
        %get3A_961 = arith.index_cast %sub3A_960 : i32 to index
        %get3A_962 = tpu.vector_load %arg5[%get3A_961] {strides = array<i32>} : memref<2080xf32, #tpu.memory_space<vmem>>, vector<16xf32>,
        %add3A_963 = vector.broadcast %mul3A_959 : i32 to vector<16xi32>
        %add3A_964 = arith.addi %add3A_963, %iota3A : vector<16xi32>
        %ge3A_965 = vector.broadcast %max3A_380 : i32 to vector<16xi32>
        %ge3A_966 = arith.cmpi sge, %add3A_964, %ge3A_965 : vector<16xi32>
        %lt3A_967 = vector.broadcast %min3A_383 : i32 to vector<16xi32>
        %lt3A_968 = arith.cmpi slt, %add3A_964, %lt3A_967 : vector<16xi32>
        %and3A_969 = arith.andi %ge3A_966, %lt3A_968 : vector<16xi1>
        %select_n3A_970 = arith.select %and3A_969, %get3A_962, %broadcast_in_dim3A_8 : vector<16xi1>, vector<16xf32>
        %gt3A_971 = arith.cmpf ogt, %select_n3A_970, %select_n3A_954 : vector<16xf32>
        %select_n3A_972 = arith.select %gt3A_971, %select_n3A_970, %select_n3A_954 : vector<16xi1>, vector<16xf32>
        %select_n3A_973 = arith.select %gt3A_971, %add3A_964, %select_n3A_955 : vector<16xi1>, vector<16xi32>
        scf.yield %select_n3A_972, %select_n3A_973 : vector<16xf32>, vector<16xi32>
      }
      %swap3A_409 = arith.constant 160 : index
      %swap3A_410 = tpu.vector_load %arg10[%swap3A_409] {strides = array<i32>} : memref<256xf32, #tpu.memory_space<vmem>>, vector<16xf32>,
      tpu.vector_store %arg10[%swap3A_409], %while3A_408#0 {strides = array<i32>} : memref<256xf32, #tpu.memory_space<vmem>>, vector<16xf32>,
      %swap3A_411 = arith.constant 160 : index
      %swap3A_412 = tpu.vector_load %arg11[%swap3A_411] {strides = array<i32>} : memref<256xi32, #tpu.memory_space<vmem>>, vector<16xi32>,
      tpu.vector_store %arg11[%swap3A_411], %while3A_408#1 {strides = array<i32>} : memref<256xi32, #tpu.memory_space<vmem>>, vector<16xi32>,
      %slice3A_413 = vector.extract_strided_slice %get3A_11 {offsets = [10], sizes = [1], strides = [1]} : vector<16xi32> to vector<1xi32>
      %squeeze3A_414 = vector.extract %slice3A_413[0] : i32 from vector<1xi32>
      %slice3A_415 = vector.extract_strided_slice %get3A_11 {offsets = [11], sizes = [1], strides = [1]} : vector<16xi32> to vector<1xi32>
      %squeeze3A_416 = vector.extract %slice3A_415[0] : i32 from vector<1xi32>
      %max3A_417 = arith.maxsi %squeeze3A_414, %mul3A_2 : i32
      %add3A_418 = arith.constant 2048 : i32
      %add3A_419 = arith.addi %mul3A_2, %add3A_418 : i32
      %min3A_420 = arith.minsi %squeeze3A_416, %add3A_419 : i32
      %shift_right_logical3A_421 = arith.constant 4 : i32
      %shift_right_logical3A_422 = arith.shrui %max3A_417, %shift_right_logical3A_421 : i32
      %add3A_423 = arith.constant 15 : i32
      %add3A_424 = arith.addi %min3A_420, %add3A_423 : i32
      %shift_right_logical3A_425 = arith.constant 4 : i32
      %shift_right_logical3A_426 = arith.shrui %add3A_424, %shift_right_logical3A_425 : i32
      %sub3A_427 = arith.subi %shift_right_logical3A_426, %shift_right_logical3A_422 : i32
      %sub3A_428 = arith.constant 2 : i32
      %sub3A_429 = arith.constant 1 : i32
      %sub3A_430 = arith.subi %sub3A_428, %sub3A_429 : i32
      %add3A_431 = arith.addi %sub3A_427, %sub3A_430 : i32
      %div3A_432 = arith.constant 2 : i32
      %div3A_433 = arith.divsi %add3A_431, %div3A_432 : i32
      %while3A_434 = arith.constant 2 : i32
      %while3A_435 = arith.constant 0 : i32
      %while3A_436 = arith.subi %div3A_433, %while3A_435 : i32
      %while3A_437 = arith.addi %while3A_435, %while3A_436 : i32
      %while3A_438 = arith.constant 1 : i32
      %while3A_439 = arith.divsi %while3A_436, %while3A_438 : i32
      %while3A_440 = arith.muli %while3A_439, %while3A_438 : i32
      %while3A_441 = arith.addi %while3A_435, %while3A_440 : i32
      %while3A_442 = arith.constant 1 : i32
      %while3A_443:2 = scf.for %while3A_934 = %while3A_435 to %while3A_441 step %while3A_442 iter_args(%while3A_935 = %broadcast_in_dim3A_8, %while3A_936 = %broadcast_in_dim3A_10) -> (vector<16xf32>, vector<16xi32>)  : i32 {
        %mul3A_937 = arith.muli %while3A_934, %while3A_434 : i32
        %add3A_938 = arith.addi %shift_right_logical3A_422, %mul3A_937 : i32
        %add3A_939 = arith.constant 0 : i32
        %add3A_940 = arith.addi %add3A_938, %add3A_939 : i32
        %mul3A_941 = arith.constant 16 : i32
        %mul3A_942 = arith.muli %add3A_940, %mul3A_941 : i32
        %sub3A_943 = arith.subi %mul3A_942, %mul3A_2 : i32
        %get3A_944 = arith.index_cast %sub3A_943 : i32 to index
        %get3A_945 = tpu.vector_load %arg5[%get3A_944] {strides = array<i32>} : memref<2080xf32, #tpu.memory_space<vmem>>, vector<16xf32>,
        %add3A_946 = vector.broadcast %mul3A_942 : i32 to vector<16xi32>
        %add3A_947 = arith.addi %add3A_946, %iota3A : vector<16xi32>
        %ge3A = vector.broadcast %max3A_417 : i32 to vector<16xi32>
        %ge3A_948 = arith.cmpi sge, %add3A_947, %ge3A : vector<16xi32>
        %lt3A_949 = vector.broadcast %min3A_420 : i32 to vector<16xi32>
        %lt3A_950 = arith.cmpi slt, %add3A_947, %lt3A_949 : vector<16xi32>
        %and3A_951 = arith.andi %ge3A_948, %lt3A_950 : vector<16xi1>
        %select_n3A_952 = arith.select %and3A_951, %get3A_945, %broadcast_in_dim3A_8 : vector<16xi1>, vector<16xf32>
        %gt3A_953 = arith.cmpf ogt, %select_n3A_952, %while3A_935 : vector<16xf32>
        %select_n3A_954 = arith.select %gt3A_953, %select_n3A_952, %while3A_935 : vector<16xi1>, vector<16xf32>
        %select_n3A_955 = arith.select %gt3A_953, %add3A_947, %while3A_936 : vector<16xi1>, vector<16xi32>
        %add3A_956 = arith.constant 1 : i32
        %add3A_957 = arith.addi %add3A_938, %add3A_956 : i32
        %mul3A_958 = arith.constant 16 : i32
        %mul3A_959 = arith.muli %add3A_957, %mul3A_958 : i32
        %sub3A_960 = arith.subi %mul3A_959, %mul3A_2 : i32
        %get3A_961 = arith.index_cast %sub3A_960 : i32 to index
        %get3A_962 = tpu.vector_load %arg5[%get3A_961] {strides = array<i32>} : memref<2080xf32, #tpu.memory_space<vmem>>, vector<16xf32>,
        %add3A_963 = vector.broadcast %mul3A_959 : i32 to vector<16xi32>
        %add3A_964 = arith.addi %add3A_963, %iota3A : vector<16xi32>
        %ge3A_965 = vector.broadcast %max3A_417 : i32 to vector<16xi32>
        %ge3A_966 = arith.cmpi sge, %add3A_964, %ge3A_965 : vector<16xi32>
        %lt3A_967 = vector.broadcast %min3A_420 : i32 to vector<16xi32>
        %lt3A_968 = arith.cmpi slt, %add3A_964, %lt3A_967 : vector<16xi32>
        %and3A_969 = arith.andi %ge3A_966, %lt3A_968 : vector<16xi1>
        %select_n3A_970 = arith.select %and3A_969, %get3A_962, %broadcast_in_dim3A_8 : vector<16xi1>, vector<16xf32>
        %gt3A_971 = arith.cmpf ogt, %select_n3A_970, %select_n3A_954 : vector<16xf32>
        %select_n3A_972 = arith.select %gt3A_971, %select_n3A_970, %select_n3A_954 : vector<16xi1>, vector<16xf32>
        %select_n3A_973 = arith.select %gt3A_971, %add3A_964, %select_n3A_955 : vector<16xi1>, vector<16xi32>
        scf.yield %select_n3A_972, %select_n3A_973 : vector<16xf32>, vector<16xi32>
      }
      %while3A_444 = arith.constant 1 : i32
      %while3A_445:2 = scf.for %while3A_934 = %while3A_441 to %while3A_437 step %while3A_444 iter_args(%while3A_935 = %while3A_443#0, %while3A_936 = %while3A_443#1) -> (vector<16xf32>, vector<16xi32>)  : i32 {
        %mul3A_937 = arith.muli %while3A_934, %while3A_434 : i32
        %add3A_938 = arith.addi %shift_right_logical3A_422, %mul3A_937 : i32
        %add3A_939 = arith.constant 0 : i32
        %add3A_940 = arith.addi %add3A_938, %add3A_939 : i32
        %mul3A_941 = arith.constant 16 : i32
        %mul3A_942 = arith.muli %add3A_940, %mul3A_941 : i32
        %sub3A_943 = arith.subi %mul3A_942, %mul3A_2 : i32
        %get3A_944 = arith.index_cast %sub3A_943 : i32 to index
        %get3A_945 = tpu.vector_load %arg5[%get3A_944] {strides = array<i32>} : memref<2080xf32, #tpu.memory_space<vmem>>, vector<16xf32>,
        %add3A_946 = vector.broadcast %mul3A_942 : i32 to vector<16xi32>
        %add3A_947 = arith.addi %add3A_946, %iota3A : vector<16xi32>
        %ge3A = vector.broadcast %max3A_417 : i32 to vector<16xi32>
        %ge3A_948 = arith.cmpi sge, %add3A_947, %ge3A : vector<16xi32>
        %lt3A_949 = vector.broadcast %min3A_420 : i32 to vector<16xi32>
        %lt3A_950 = arith.cmpi slt, %add3A_947, %lt3A_949 : vector<16xi32>
        %and3A_951 = arith.andi %ge3A_948, %lt3A_950 : vector<16xi1>
        %select_n3A_952 = arith.select %and3A_951, %get3A_945, %broadcast_in_dim3A_8 : vector<16xi1>, vector<16xf32>
        %gt3A_953 = arith.cmpf ogt, %select_n3A_952, %while3A_935 : vector<16xf32>
        %select_n3A_954 = arith.select %gt3A_953, %select_n3A_952, %while3A_935 : vector<16xi1>, vector<16xf32>
        %select_n3A_955 = arith.select %gt3A_953, %add3A_947, %while3A_936 : vector<16xi1>, vector<16xi32>
        %add3A_956 = arith.constant 1 : i32
        %add3A_957 = arith.addi %add3A_938, %add3A_956 : i32
        %mul3A_958 = arith.constant 16 : i32
        %mul3A_959 = arith.muli %add3A_957, %mul3A_958 : i32
        %sub3A_960 = arith.subi %mul3A_959, %mul3A_2 : i32
        %get3A_961 = arith.index_cast %sub3A_960 : i32 to index
        %get3A_962 = tpu.vector_load %arg5[%get3A_961] {strides = array<i32>} : memref<2080xf32, #tpu.memory_space<vmem>>, vector<16xf32>,
        %add3A_963 = vector.broadcast %mul3A_959 : i32 to vector<16xi32>
        %add3A_964 = arith.addi %add3A_963, %iota3A : vector<16xi32>
        %ge3A_965 = vector.broadcast %max3A_417 : i32 to vector<16xi32>
        %ge3A_966 = arith.cmpi sge, %add3A_964, %ge3A_965 : vector<16xi32>
        %lt3A_967 = vector.broadcast %min3A_420 : i32 to vector<16xi32>
        %lt3A_968 = arith.cmpi slt, %add3A_964, %lt3A_967 : vector<16xi32>
        %and3A_969 = arith.andi %ge3A_966, %lt3A_968 : vector<16xi1>
        %select_n3A_970 = arith.select %and3A_969, %get3A_962, %broadcast_in_dim3A_8 : vector<16xi1>, vector<16xf32>
        %gt3A_971 = arith.cmpf ogt, %select_n3A_970, %select_n3A_954 : vector<16xf32>
        %select_n3A_972 = arith.select %gt3A_971, %select_n3A_970, %select_n3A_954 : vector<16xi1>, vector<16xf32>
        %select_n3A_973 = arith.select %gt3A_971, %add3A_964, %select_n3A_955 : vector<16xi1>, vector<16xi32>
        scf.yield %select_n3A_972, %select_n3A_973 : vector<16xf32>, vector<16xi32>
      }
      %swap3A_446 = arith.constant 176 : index
      %swap3A_447 = tpu.vector_load %arg10[%swap3A_446] {strides = array<i32>} : memref<256xf32, #tpu.memory_space<vmem>>, vector<16xf32>,
      tpu.vector_store %arg10[%swap3A_446], %while3A_445#0 {strides = array<i32>} : memref<256xf32, #tpu.memory_space<vmem>>, vector<16xf32>,
      %swap3A_448 = arith.constant 176 : index
      %swap3A_449 = tpu.vector_load %arg11[%swap3A_448] {strides = array<i32>} : memref<256xi32, #tpu.memory_space<vmem>>, vector<16xi32>,
      tpu.vector_store %arg11[%swap3A_448], %while3A_445#1 {strides = array<i32>} : memref<256xi32, #tpu.memory_space<vmem>>, vector<16xi32>,
      %slice3A_450 = vector.extract_strided_slice %get3A_11 {offsets = [11], sizes = [1], strides = [1]} : vector<16xi32> to vector<1xi32>
      %squeeze3A_451 = vector.extract %slice3A_450[0] : i32 from vector<1xi32>
      %slice3A_452 = vector.extract_strided_slice %get3A_11 {offsets = [12], sizes = [1], strides = [1]} : vector<16xi32> to vector<1xi32>
      %squeeze3A_453 = vector.extract %slice3A_452[0] : i32 from vector<1xi32>
      %max3A_454 = arith.maxsi %squeeze3A_451, %mul3A_2 : i32
      %add3A_455 = arith.constant 2048 : i32
      %add3A_456 = arith.addi %mul3A_2, %add3A_455 : i32
      %min3A_457 = arith.minsi %squeeze3A_453, %add3A_456 : i32
      %shift_right_logical3A_458 = arith.constant 4 : i32
      %shift_right_logical3A_459 = arith.shrui %max3A_454, %shift_right_logical3A_458 : i32
      %add3A_460 = arith.constant 15 : i32
      %add3A_461 = arith.addi %min3A_457, %add3A_460 : i32
      %shift_right_logical3A_462 = arith.constant 4 : i32
      %shift_right_logical3A_463 = arith.shrui %add3A_461, %shift_right_logical3A_462 : i32
      %sub3A_464 = arith.subi %shift_right_logical3A_463, %shift_right_logical3A_459 : i32
      %sub3A_465 = arith.constant 2 : i32
      %sub3A_466 = arith.constant 1 : i32
      %sub3A_467 = arith.subi %sub3A_465, %sub3A_466 : i32
      %add3A_468 = arith.addi %sub3A_464, %sub3A_467 : i32
      %div3A_469 = arith.constant 2 : i32
      %div3A_470 = arith.divsi %add3A_468, %div3A_469 : i32
      %while3A_471 = arith.constant 2 : i32
      %while3A_472 = arith.constant 0 : i32
      %while3A_473 = arith.subi %div3A_470, %while3A_472 : i32
      %while3A_474 = arith.addi %while3A_472, %while3A_473 : i32
      %while3A_475 = arith.constant 1 : i32
      %while3A_476 = arith.divsi %while3A_473, %while3A_475 : i32
      %while3A_477 = arith.muli %while3A_476, %while3A_475 : i32
      %while3A_478 = arith.addi %while3A_472, %while3A_477 : i32
      %while3A_479 = arith.constant 1 : i32
      %while3A_480:2 = scf.for %while3A_934 = %while3A_472 to %while3A_478 step %while3A_479 iter_args(%while3A_935 = %broadcast_in_dim3A_8, %while3A_936 = %broadcast_in_dim3A_10) -> (vector<16xf32>, vector<16xi32>)  : i32 {
        %mul3A_937 = arith.muli %while3A_934, %while3A_471 : i32
        %add3A_938 = arith.addi %shift_right_logical3A_459, %mul3A_937 : i32
        %add3A_939 = arith.constant 0 : i32
        %add3A_940 = arith.addi %add3A_938, %add3A_939 : i32
        %mul3A_941 = arith.constant 16 : i32
        %mul3A_942 = arith.muli %add3A_940, %mul3A_941 : i32
        %sub3A_943 = arith.subi %mul3A_942, %mul3A_2 : i32
        %get3A_944 = arith.index_cast %sub3A_943 : i32 to index
        %get3A_945 = tpu.vector_load %arg5[%get3A_944] {strides = array<i32>} : memref<2080xf32, #tpu.memory_space<vmem>>, vector<16xf32>,
        %add3A_946 = vector.broadcast %mul3A_942 : i32 to vector<16xi32>
        %add3A_947 = arith.addi %add3A_946, %iota3A : vector<16xi32>
        %ge3A = vector.broadcast %max3A_454 : i32 to vector<16xi32>
        %ge3A_948 = arith.cmpi sge, %add3A_947, %ge3A : vector<16xi32>
        %lt3A_949 = vector.broadcast %min3A_457 : i32 to vector<16xi32>
        %lt3A_950 = arith.cmpi slt, %add3A_947, %lt3A_949 : vector<16xi32>
        %and3A_951 = arith.andi %ge3A_948, %lt3A_950 : vector<16xi1>
        %select_n3A_952 = arith.select %and3A_951, %get3A_945, %broadcast_in_dim3A_8 : vector<16xi1>, vector<16xf32>
        %gt3A_953 = arith.cmpf ogt, %select_n3A_952, %while3A_935 : vector<16xf32>
        %select_n3A_954 = arith.select %gt3A_953, %select_n3A_952, %while3A_935 : vector<16xi1>, vector<16xf32>
        %select_n3A_955 = arith.select %gt3A_953, %add3A_947, %while3A_936 : vector<16xi1>, vector<16xi32>
        %add3A_956 = arith.constant 1 : i32
        %add3A_957 = arith.addi %add3A_938, %add3A_956 : i32
        %mul3A_958 = arith.constant 16 : i32
        %mul3A_959 = arith.muli %add3A_957, %mul3A_958 : i32
        %sub3A_960 = arith.subi %mul3A_959, %mul3A_2 : i32
        %get3A_961 = arith.index_cast %sub3A_960 : i32 to index
        %get3A_962 = tpu.vector_load %arg5[%get3A_961] {strides = array<i32>} : memref<2080xf32, #tpu.memory_space<vmem>>, vector<16xf32>,
        %add3A_963 = vector.broadcast %mul3A_959 : i32 to vector<16xi32>
        %add3A_964 = arith.addi %add3A_963, %iota3A : vector<16xi32>
        %ge3A_965 = vector.broadcast %max3A_454 : i32 to vector<16xi32>
        %ge3A_966 = arith.cmpi sge, %add3A_964, %ge3A_965 : vector<16xi32>
        %lt3A_967 = vector.broadcast %min3A_457 : i32 to vector<16xi32>
        %lt3A_968 = arith.cmpi slt, %add3A_964, %lt3A_967 : vector<16xi32>
        %and3A_969 = arith.andi %ge3A_966, %lt3A_968 : vector<16xi1>
        %select_n3A_970 = arith.select %and3A_969, %get3A_962, %broadcast_in_dim3A_8 : vector<16xi1>, vector<16xf32>
        %gt3A_971 = arith.cmpf ogt, %select_n3A_970, %select_n3A_954 : vector<16xf32>
        %select_n3A_972 = arith.select %gt3A_971, %select_n3A_970, %select_n3A_954 : vector<16xi1>, vector<16xf32>
        %select_n3A_973 = arith.select %gt3A_971, %add3A_964, %select_n3A_955 : vector<16xi1>, vector<16xi32>
        scf.yield %select_n3A_972, %select_n3A_973 : vector<16xf32>, vector<16xi32>
      }
      %while3A_481 = arith.constant 1 : i32
      %while3A_482:2 = scf.for %while3A_934 = %while3A_478 to %while3A_474 step %while3A_481 iter_args(%while3A_935 = %while3A_480#0, %while3A_936 = %while3A_480#1) -> (vector<16xf32>, vector<16xi32>)  : i32 {
        %mul3A_937 = arith.muli %while3A_934, %while3A_471 : i32
        %add3A_938 = arith.addi %shift_right_logical3A_459, %mul3A_937 : i32
        %add3A_939 = arith.constant 0 : i32
        %add3A_940 = arith.addi %add3A_938, %add3A_939 : i32
        %mul3A_941 = arith.constant 16 : i32
        %mul3A_942 = arith.muli %add3A_940, %mul3A_941 : i32
        %sub3A_943 = arith.subi %mul3A_942, %mul3A_2 : i32
        %get3A_944 = arith.index_cast %sub3A_943 : i32 to index
        %get3A_945 = tpu.vector_load %arg5[%get3A_944] {strides = array<i32>} : memref<2080xf32, #tpu.memory_space<vmem>>, vector<16xf32>,
        %add3A_946 = vector.broadcast %mul3A_942 : i32 to vector<16xi32>
        %add3A_947 = arith.addi %add3A_946, %iota3A : vector<16xi32>
        %ge3A = vector.broadcast %max3A_454 : i32 to vector<16xi32>
        %ge3A_948 = arith.cmpi sge, %add3A_947, %ge3A : vector<16xi32>
        %lt3A_949 = vector.broadcast %min3A_457 : i32 to vector<16xi32>
        %lt3A_950 = arith.cmpi slt, %add3A_947, %lt3A_949 : vector<16xi32>
        %and3A_951 = arith.andi %ge3A_948, %lt3A_950 : vector<16xi1>
        %select_n3A_952 = arith.select %and3A_951, %get3A_945, %broadcast_in_dim3A_8 : vector<16xi1>, vector<16xf32>
        %gt3A_953 = arith.cmpf ogt, %select_n3A_952, %while3A_935 : vector<16xf32>
        %select_n3A_954 = arith.select %gt3A_953, %select_n3A_952, %while3A_935 : vector<16xi1>, vector<16xf32>
        %select_n3A_955 = arith.select %gt3A_953, %add3A_947, %while3A_936 : vector<16xi1>, vector<16xi32>
        %add3A_956 = arith.constant 1 : i32
        %add3A_957 = arith.addi %add3A_938, %add3A_956 : i32
        %mul3A_958 = arith.constant 16 : i32
        %mul3A_959 = arith.muli %add3A_957, %mul3A_958 : i32
        %sub3A_960 = arith.subi %mul3A_959, %mul3A_2 : i32
        %get3A_961 = arith.index_cast %sub3A_960 : i32 to index
        %get3A_962 = tpu.vector_load %arg5[%get3A_961] {strides = array<i32>} : memref<2080xf32, #tpu.memory_space<vmem>>, vector<16xf32>,
        %add3A_963 = vector.broadcast %mul3A_959 : i32 to vector<16xi32>
        %add3A_964 = arith.addi %add3A_963, %iota3A : vector<16xi32>
        %ge3A_965 = vector.broadcast %max3A_454 : i32 to vector<16xi32>
        %ge3A_966 = arith.cmpi sge, %add3A_964, %ge3A_965 : vector<16xi32>
        %lt3A_967 = vector.broadcast %min3A_457 : i32 to vector<16xi32>
        %lt3A_968 = arith.cmpi slt, %add3A_964, %lt3A_967 : vector<16xi32>
        %and3A_969 = arith.andi %ge3A_966, %lt3A_968 : vector<16xi1>
        %select_n3A_970 = arith.select %and3A_969, %get3A_962, %broadcast_in_dim3A_8 : vector<16xi1>, vector<16xf32>
        %gt3A_971 = arith.cmpf ogt, %select_n3A_970, %select_n3A_954 : vector<16xf32>
        %select_n3A_972 = arith.select %gt3A_971, %select_n3A_970, %select_n3A_954 : vector<16xi1>, vector<16xf32>
        %select_n3A_973 = arith.select %gt3A_971, %add3A_964, %select_n3A_955 : vector<16xi1>, vector<16xi32>
        scf.yield %select_n3A_972, %select_n3A_973 : vector<16xf32>, vector<16xi32>
      }
      %swap3A_483 = arith.constant 192 : index
      %swap3A_484 = tpu.vector_load %arg10[%swap3A_483] {strides = array<i32>} : memref<256xf32, #tpu.memory_space<vmem>>, vector<16xf32>,
      tpu.vector_store %arg10[%swap3A_483], %while3A_482#0 {strides = array<i32>} : memref<256xf32, #tpu.memory_space<vmem>>, vector<16xf32>,
      %swap3A_485 = arith.constant 192 : index
      %swap3A_486 = tpu.vector_load %arg11[%swap3A_485] {strides = array<i32>} : memref<256xi32, #tpu.memory_space<vmem>>, vector<16xi32>,
      tpu.vector_store %arg11[%swap3A_485], %while3A_482#1 {strides = array<i32>} : memref<256xi32, #tpu.memory_space<vmem>>, vector<16xi32>,
      %slice3A_487 = vector.extract_strided_slice %get3A_11 {offsets = [12], sizes = [1], strides = [1]} : vector<16xi32> to vector<1xi32>
      %squeeze3A_488 = vector.extract %slice3A_487[0] : i32 from vector<1xi32>
      %slice3A_489 = vector.extract_strided_slice %get3A_11 {offsets = [13], sizes = [1], strides = [1]} : vector<16xi32> to vector<1xi32>
      %squeeze3A_490 = vector.extract %slice3A_489[0] : i32 from vector<1xi32>
      %max3A_491 = arith.maxsi %squeeze3A_488, %mul3A_2 : i32
      %add3A_492 = arith.constant 2048 : i32
      %add3A_493 = arith.addi %mul3A_2, %add3A_492 : i32
      %min3A_494 = arith.minsi %squeeze3A_490, %add3A_493 : i32
      %shift_right_logical3A_495 = arith.constant 4 : i32
      %shift_right_logical3A_496 = arith.shrui %max3A_491, %shift_right_logical3A_495 : i32
      %add3A_497 = arith.constant 15 : i32
      %add3A_498 = arith.addi %min3A_494, %add3A_497 : i32
      %shift_right_logical3A_499 = arith.constant 4 : i32
      %shift_right_logical3A_500 = arith.shrui %add3A_498, %shift_right_logical3A_499 : i32
      %sub3A_501 = arith.subi %shift_right_logical3A_500, %shift_right_logical3A_496 : i32
      %sub3A_502 = arith.constant 2 : i32
      %sub3A_503 = arith.constant 1 : i32
      %sub3A_504 = arith.subi %sub3A_502, %sub3A_503 : i32
      %add3A_505 = arith.addi %sub3A_501, %sub3A_504 : i32
      %div3A_506 = arith.constant 2 : i32
      %div3A_507 = arith.divsi %add3A_505, %div3A_506 : i32
      %while3A_508 = arith.constant 2 : i32
      %while3A_509 = arith.constant 0 : i32
      %while3A_510 = arith.subi %div3A_507, %while3A_509 : i32
      %while3A_511 = arith.addi %while3A_509, %while3A_510 : i32
      %while3A_512 = arith.constant 1 : i32
      %while3A_513 = arith.divsi %while3A_510, %while3A_512 : i32
      %while3A_514 = arith.muli %while3A_513, %while3A_512 : i32
      %while3A_515 = arith.addi %while3A_509, %while3A_514 : i32
      %while3A_516 = arith.constant 1 : i32
      %while3A_517:2 = scf.for %while3A_934 = %while3A_509 to %while3A_515 step %while3A_516 iter_args(%while3A_935 = %broadcast_in_dim3A_8, %while3A_936 = %broadcast_in_dim3A_10) -> (vector<16xf32>, vector<16xi32>)  : i32 {
        %mul3A_937 = arith.muli %while3A_934, %while3A_508 : i32
        %add3A_938 = arith.addi %shift_right_logical3A_496, %mul3A_937 : i32
        %add3A_939 = arith.constant 0 : i32
        %add3A_940 = arith.addi %add3A_938, %add3A_939 : i32
        %mul3A_941 = arith.constant 16 : i32
        %mul3A_942 = arith.muli %add3A_940, %mul3A_941 : i32
        %sub3A_943 = arith.subi %mul3A_942, %mul3A_2 : i32
        %get3A_944 = arith.index_cast %sub3A_943 : i32 to index
        %get3A_945 = tpu.vector_load %arg5[%get3A_944] {strides = array<i32>} : memref<2080xf32, #tpu.memory_space<vmem>>, vector<16xf32>,
        %add3A_946 = vector.broadcast %mul3A_942 : i32 to vector<16xi32>
        %add3A_947 = arith.addi %add3A_946, %iota3A : vector<16xi32>
        %ge3A = vector.broadcast %max3A_491 : i32 to vector<16xi32>
        %ge3A_948 = arith.cmpi sge, %add3A_947, %ge3A : vector<16xi32>
        %lt3A_949 = vector.broadcast %min3A_494 : i32 to vector<16xi32>
        %lt3A_950 = arith.cmpi slt, %add3A_947, %lt3A_949 : vector<16xi32>
        %and3A_951 = arith.andi %ge3A_948, %lt3A_950 : vector<16xi1>
        %select_n3A_952 = arith.select %and3A_951, %get3A_945, %broadcast_in_dim3A_8 : vector<16xi1>, vector<16xf32>
        %gt3A_953 = arith.cmpf ogt, %select_n3A_952, %while3A_935 : vector<16xf32>
        %select_n3A_954 = arith.select %gt3A_953, %select_n3A_952, %while3A_935 : vector<16xi1>, vector<16xf32>
        %select_n3A_955 = arith.select %gt3A_953, %add3A_947, %while3A_936 : vector<16xi1>, vector<16xi32>
        %add3A_956 = arith.constant 1 : i32
        %add3A_957 = arith.addi %add3A_938, %add3A_956 : i32
        %mul3A_958 = arith.constant 16 : i32
        %mul3A_959 = arith.muli %add3A_957, %mul3A_958 : i32
        %sub3A_960 = arith.subi %mul3A_959, %mul3A_2 : i32
        %get3A_961 = arith.index_cast %sub3A_960 : i32 to index
        %get3A_962 = tpu.vector_load %arg5[%get3A_961] {strides = array<i32>} : memref<2080xf32, #tpu.memory_space<vmem>>, vector<16xf32>,
        %add3A_963 = vector.broadcast %mul3A_959 : i32 to vector<16xi32>
        %add3A_964 = arith.addi %add3A_963, %iota3A : vector<16xi32>
        %ge3A_965 = vector.broadcast %max3A_491 : i32 to vector<16xi32>
        %ge3A_966 = arith.cmpi sge, %add3A_964, %ge3A_965 : vector<16xi32>
        %lt3A_967 = vector.broadcast %min3A_494 : i32 to vector<16xi32>
        %lt3A_968 = arith.cmpi slt, %add3A_964, %lt3A_967 : vector<16xi32>
        %and3A_969 = arith.andi %ge3A_966, %lt3A_968 : vector<16xi1>
        %select_n3A_970 = arith.select %and3A_969, %get3A_962, %broadcast_in_dim3A_8 : vector<16xi1>, vector<16xf32>
        %gt3A_971 = arith.cmpf ogt, %select_n3A_970, %select_n3A_954 : vector<16xf32>
        %select_n3A_972 = arith.select %gt3A_971, %select_n3A_970, %select_n3A_954 : vector<16xi1>, vector<16xf32>
        %select_n3A_973 = arith.select %gt3A_971, %add3A_964, %select_n3A_955 : vector<16xi1>, vector<16xi32>
        scf.yield %select_n3A_972, %select_n3A_973 : vector<16xf32>, vector<16xi32>
      }
      %while3A_518 = arith.constant 1 : i32
      %while3A_519:2 = scf.for %while3A_934 = %while3A_515 to %while3A_511 step %while3A_518 iter_args(%while3A_935 = %while3A_517#0, %while3A_936 = %while3A_517#1) -> (vector<16xf32>, vector<16xi32>)  : i32 {
        %mul3A_937 = arith.muli %while3A_934, %while3A_508 : i32
        %add3A_938 = arith.addi %shift_right_logical3A_496, %mul3A_937 : i32
        %add3A_939 = arith.constant 0 : i32
        %add3A_940 = arith.addi %add3A_938, %add3A_939 : i32
        %mul3A_941 = arith.constant 16 : i32
        %mul3A_942 = arith.muli %add3A_940, %mul3A_941 : i32
        %sub3A_943 = arith.subi %mul3A_942, %mul3A_2 : i32
        %get3A_944 = arith.index_cast %sub3A_943 : i32 to index
        %get3A_945 = tpu.vector_load %arg5[%get3A_944] {strides = array<i32>} : memref<2080xf32, #tpu.memory_space<vmem>>, vector<16xf32>,
        %add3A_946 = vector.broadcast %mul3A_942 : i32 to vector<16xi32>
        %add3A_947 = arith.addi %add3A_946, %iota3A : vector<16xi32>
        %ge3A = vector.broadcast %max3A_491 : i32 to vector<16xi32>
        %ge3A_948 = arith.cmpi sge, %add3A_947, %ge3A : vector<16xi32>
        %lt3A_949 = vector.broadcast %min3A_494 : i32 to vector<16xi32>
        %lt3A_950 = arith.cmpi slt, %add3A_947, %lt3A_949 : vector<16xi32>
        %and3A_951 = arith.andi %ge3A_948, %lt3A_950 : vector<16xi1>
        %select_n3A_952 = arith.select %and3A_951, %get3A_945, %broadcast_in_dim3A_8 : vector<16xi1>, vector<16xf32>
        %gt3A_953 = arith.cmpf ogt, %select_n3A_952, %while3A_935 : vector<16xf32>
        %select_n3A_954 = arith.select %gt3A_953, %select_n3A_952, %while3A_935 : vector<16xi1>, vector<16xf32>
        %select_n3A_955 = arith.select %gt3A_953, %add3A_947, %while3A_936 : vector<16xi1>, vector<16xi32>
        %add3A_956 = arith.constant 1 : i32
        %add3A_957 = arith.addi %add3A_938, %add3A_956 : i32
        %mul3A_958 = arith.constant 16 : i32
        %mul3A_959 = arith.muli %add3A_957, %mul3A_958 : i32
        %sub3A_960 = arith.subi %mul3A_959, %mul3A_2 : i32
        %get3A_961 = arith.index_cast %sub3A_960 : i32 to index
        %get3A_962 = tpu.vector_load %arg5[%get3A_961] {strides = array<i32>} : memref<2080xf32, #tpu.memory_space<vmem>>, vector<16xf32>,
        %add3A_963 = vector.broadcast %mul3A_959 : i32 to vector<16xi32>
        %add3A_964 = arith.addi %add3A_963, %iota3A : vector<16xi32>
        %ge3A_965 = vector.broadcast %max3A_491 : i32 to vector<16xi32>
        %ge3A_966 = arith.cmpi sge, %add3A_964, %ge3A_965 : vector<16xi32>
        %lt3A_967 = vector.broadcast %min3A_494 : i32 to vector<16xi32>
        %lt3A_968 = arith.cmpi slt, %add3A_964, %lt3A_967 : vector<16xi32>
        %and3A_969 = arith.andi %ge3A_966, %lt3A_968 : vector<16xi1>
        %select_n3A_970 = arith.select %and3A_969, %get3A_962, %broadcast_in_dim3A_8 : vector<16xi1>, vector<16xf32>
        %gt3A_971 = arith.cmpf ogt, %select_n3A_970, %select_n3A_954 : vector<16xf32>
        %select_n3A_972 = arith.select %gt3A_971, %select_n3A_970, %select_n3A_954 : vector<16xi1>, vector<16xf32>
        %select_n3A_973 = arith.select %gt3A_971, %add3A_964, %select_n3A_955 : vector<16xi1>, vector<16xi32>
        scf.yield %select_n3A_972, %select_n3A_973 : vector<16xf32>, vector<16xi32>
      }
      %swap3A_520 = arith.constant 208 : index
      %swap3A_521 = tpu.vector_load %arg10[%swap3A_520] {strides = array<i32>} : memref<256xf32, #tpu.memory_space<vmem>>, vector<16xf32>,
      tpu.vector_store %arg10[%swap3A_520], %while3A_519#0 {strides = array<i32>} : memref<256xf32, #tpu.memory_space<vmem>>, vector<16xf32>,
      %swap3A_522 = arith.constant 208 : index
      %swap3A_523 = tpu.vector_load %arg11[%swap3A_522] {strides = array<i32>} : memref<256xi32, #tpu.memory_space<vmem>>, vector<16xi32>,
      tpu.vector_store %arg11[%swap3A_522], %while3A_519#1 {strides = array<i32>} : memref<256xi32, #tpu.memory_space<vmem>>, vector<16xi32>,
      %slice3A_524 = vector.extract_strided_slice %get3A_11 {offsets = [13], sizes = [1], strides = [1]} : vector<16xi32> to vector<1xi32>
      %squeeze3A_525 = vector.extract %slice3A_524[0] : i32 from vector<1xi32>
      %slice3A_526 = vector.extract_strided_slice %get3A_11 {offsets = [14], sizes = [1], strides = [1]} : vector<16xi32> to vector<1xi32>
      %squeeze3A_527 = vector.extract %slice3A_526[0] : i32 from vector<1xi32>
      %max3A_528 = arith.maxsi %squeeze3A_525, %mul3A_2 : i32
      %add3A_529 = arith.constant 2048 : i32
      %add3A_530 = arith.addi %mul3A_2, %add3A_529 : i32
      %min3A_531 = arith.minsi %squeeze3A_527, %add3A_530 : i32
      %shift_right_logical3A_532 = arith.constant 4 : i32
      %shift_right_logical3A_533 = arith.shrui %max3A_528, %shift_right_logical3A_532 : i32
      %add3A_534 = arith.constant 15 : i32
      %add3A_535 = arith.addi %min3A_531, %add3A_534 : i32
      %shift_right_logical3A_536 = arith.constant 4 : i32
      %shift_right_logical3A_537 = arith.shrui %add3A_535, %shift_right_logical3A_536 : i32
      %sub3A_538 = arith.subi %shift_right_logical3A_537, %shift_right_logical3A_533 : i32
      %sub3A_539 = arith.constant 2 : i32
      %sub3A_540 = arith.constant 1 : i32
      %sub3A_541 = arith.subi %sub3A_539, %sub3A_540 : i32
      %add3A_542 = arith.addi %sub3A_538, %sub3A_541 : i32
      %div3A_543 = arith.constant 2 : i32
      %div3A_544 = arith.divsi %add3A_542, %div3A_543 : i32
      %while3A_545 = arith.constant 2 : i32
      %while3A_546 = arith.constant 0 : i32
      %while3A_547 = arith.subi %div3A_544, %while3A_546 : i32
      %while3A_548 = arith.addi %while3A_546, %while3A_547 : i32
      %while3A_549 = arith.constant 1 : i32
      %while3A_550 = arith.divsi %while3A_547, %while3A_549 : i32
      %while3A_551 = arith.muli %while3A_550, %while3A_549 : i32
      %while3A_552 = arith.addi %while3A_546, %while3A_551 : i32
      %while3A_553 = arith.constant 1 : i32
      %while3A_554:2 = scf.for %while3A_934 = %while3A_546 to %while3A_552 step %while3A_553 iter_args(%while3A_935 = %broadcast_in_dim3A_8, %while3A_936 = %broadcast_in_dim3A_10) -> (vector<16xf32>, vector<16xi32>)  : i32 {
        %mul3A_937 = arith.muli %while3A_934, %while3A_545 : i32
        %add3A_938 = arith.addi %shift_right_logical3A_533, %mul3A_937 : i32
        %add3A_939 = arith.constant 0 : i32
        %add3A_940 = arith.addi %add3A_938, %add3A_939 : i32
        %mul3A_941 = arith.constant 16 : i32
        %mul3A_942 = arith.muli %add3A_940, %mul3A_941 : i32
        %sub3A_943 = arith.subi %mul3A_942, %mul3A_2 : i32
        %get3A_944 = arith.index_cast %sub3A_943 : i32 to index
        %get3A_945 = tpu.vector_load %arg5[%get3A_944] {strides = array<i32>} : memref<2080xf32, #tpu.memory_space<vmem>>, vector<16xf32>,
        %add3A_946 = vector.broadcast %mul3A_942 : i32 to vector<16xi32>
        %add3A_947 = arith.addi %add3A_946, %iota3A : vector<16xi32>
        %ge3A = vector.broadcast %max3A_528 : i32 to vector<16xi32>
        %ge3A_948 = arith.cmpi sge, %add3A_947, %ge3A : vector<16xi32>
        %lt3A_949 = vector.broadcast %min3A_531 : i32 to vector<16xi32>
        %lt3A_950 = arith.cmpi slt, %add3A_947, %lt3A_949 : vector<16xi32>
        %and3A_951 = arith.andi %ge3A_948, %lt3A_950 : vector<16xi1>
        %select_n3A_952 = arith.select %and3A_951, %get3A_945, %broadcast_in_dim3A_8 : vector<16xi1>, vector<16xf32>
        %gt3A_953 = arith.cmpf ogt, %select_n3A_952, %while3A_935 : vector<16xf32>
        %select_n3A_954 = arith.select %gt3A_953, %select_n3A_952, %while3A_935 : vector<16xi1>, vector<16xf32>
        %select_n3A_955 = arith.select %gt3A_953, %add3A_947, %while3A_936 : vector<16xi1>, vector<16xi32>
        %add3A_956 = arith.constant 1 : i32
        %add3A_957 = arith.addi %add3A_938, %add3A_956 : i32
        %mul3A_958 = arith.constant 16 : i32
        %mul3A_959 = arith.muli %add3A_957, %mul3A_958 : i32
        %sub3A_960 = arith.subi %mul3A_959, %mul3A_2 : i32
        %get3A_961 = arith.index_cast %sub3A_960 : i32 to index
        %get3A_962 = tpu.vector_load %arg5[%get3A_961] {strides = array<i32>} : memref<2080xf32, #tpu.memory_space<vmem>>, vector<16xf32>,
        %add3A_963 = vector.broadcast %mul3A_959 : i32 to vector<16xi32>
        %add3A_964 = arith.addi %add3A_963, %iota3A : vector<16xi32>
        %ge3A_965 = vector.broadcast %max3A_528 : i32 to vector<16xi32>
        %ge3A_966 = arith.cmpi sge, %add3A_964, %ge3A_965 : vector<16xi32>
        %lt3A_967 = vector.broadcast %min3A_531 : i32 to vector<16xi32>
        %lt3A_968 = arith.cmpi slt, %add3A_964, %lt3A_967 : vector<16xi32>
        %and3A_969 = arith.andi %ge3A_966, %lt3A_968 : vector<16xi1>
        %select_n3A_970 = arith.select %and3A_969, %get3A_962, %broadcast_in_dim3A_8 : vector<16xi1>, vector<16xf32>
        %gt3A_971 = arith.cmpf ogt, %select_n3A_970, %select_n3A_954 : vector<16xf32>
        %select_n3A_972 = arith.select %gt3A_971, %select_n3A_970, %select_n3A_954 : vector<16xi1>, vector<16xf32>
        %select_n3A_973 = arith.select %gt3A_971, %add3A_964, %select_n3A_955 : vector<16xi1>, vector<16xi32>
        scf.yield %select_n3A_972, %select_n3A_973 : vector<16xf32>, vector<16xi32>
      }
      %while3A_555 = arith.constant 1 : i32
      %while3A_556:2 = scf.for %while3A_934 = %while3A_552 to %while3A_548 step %while3A_555 iter_args(%while3A_935 = %while3A_554#0, %while3A_936 = %while3A_554#1) -> (vector<16xf32>, vector<16xi32>)  : i32 {
        %mul3A_937 = arith.muli %while3A_934, %while3A_545 : i32
        %add3A_938 = arith.addi %shift_right_logical3A_533, %mul3A_937 : i32
        %add3A_939 = arith.constant 0 : i32
        %add3A_940 = arith.addi %add3A_938, %add3A_939 : i32
        %mul3A_941 = arith.constant 16 : i32
        %mul3A_942 = arith.muli %add3A_940, %mul3A_941 : i32
        %sub3A_943 = arith.subi %mul3A_942, %mul3A_2 : i32
        %get3A_944 = arith.index_cast %sub3A_943 : i32 to index
        %get3A_945 = tpu.vector_load %arg5[%get3A_944] {strides = array<i32>} : memref<2080xf32, #tpu.memory_space<vmem>>, vector<16xf32>,
        %add3A_946 = vector.broadcast %mul3A_942 : i32 to vector<16xi32>
        %add3A_947 = arith.addi %add3A_946, %iota3A : vector<16xi32>
        %ge3A = vector.broadcast %max3A_528 : i32 to vector<16xi32>
        %ge3A_948 = arith.cmpi sge, %add3A_947, %ge3A : vector<16xi32>
        %lt3A_949 = vector.broadcast %min3A_531 : i32 to vector<16xi32>
        %lt3A_950 = arith.cmpi slt, %add3A_947, %lt3A_949 : vector<16xi32>
        %and3A_951 = arith.andi %ge3A_948, %lt3A_950 : vector<16xi1>
        %select_n3A_952 = arith.select %and3A_951, %get3A_945, %broadcast_in_dim3A_8 : vector<16xi1>, vector<16xf32>
        %gt3A_953 = arith.cmpf ogt, %select_n3A_952, %while3A_935 : vector<16xf32>
        %select_n3A_954 = arith.select %gt3A_953, %select_n3A_952, %while3A_935 : vector<16xi1>, vector<16xf32>
        %select_n3A_955 = arith.select %gt3A_953, %add3A_947, %while3A_936 : vector<16xi1>, vector<16xi32>
        %add3A_956 = arith.constant 1 : i32
        %add3A_957 = arith.addi %add3A_938, %add3A_956 : i32
        %mul3A_958 = arith.constant 16 : i32
        %mul3A_959 = arith.muli %add3A_957, %mul3A_958 : i32
        %sub3A_960 = arith.subi %mul3A_959, %mul3A_2 : i32
        %get3A_961 = arith.index_cast %sub3A_960 : i32 to index
        %get3A_962 = tpu.vector_load %arg5[%get3A_961] {strides = array<i32>} : memref<2080xf32, #tpu.memory_space<vmem>>, vector<16xf32>,
        %add3A_963 = vector.broadcast %mul3A_959 : i32 to vector<16xi32>
        %add3A_964 = arith.addi %add3A_963, %iota3A : vector<16xi32>
        %ge3A_965 = vector.broadcast %max3A_528 : i32 to vector<16xi32>
        %ge3A_966 = arith.cmpi sge, %add3A_964, %ge3A_965 : vector<16xi32>
        %lt3A_967 = vector.broadcast %min3A_531 : i32 to vector<16xi32>
        %lt3A_968 = arith.cmpi slt, %add3A_964, %lt3A_967 : vector<16xi32>
        %and3A_969 = arith.andi %ge3A_966, %lt3A_968 : vector<16xi1>
        %select_n3A_970 = arith.select %and3A_969, %get3A_962, %broadcast_in_dim3A_8 : vector<16xi1>, vector<16xf32>
        %gt3A_971 = arith.cmpf ogt, %select_n3A_970, %select_n3A_954 : vector<16xf32>
        %select_n3A_972 = arith.select %gt3A_971, %select_n3A_970, %select_n3A_954 : vector<16xi1>, vector<16xf32>
        %select_n3A_973 = arith.select %gt3A_971, %add3A_964, %select_n3A_955 : vector<16xi1>, vector<16xi32>
        scf.yield %select_n3A_972, %select_n3A_973 : vector<16xf32>, vector<16xi32>
      }
      %swap3A_557 = arith.constant 224 : index
      %swap3A_558 = tpu.vector_load %arg10[%swap3A_557] {strides = array<i32>} : memref<256xf32, #tpu.memory_space<vmem>>, vector<16xf32>,
      tpu.vector_store %arg10[%swap3A_557], %while3A_556#0 {strides = array<i32>} : memref<256xf32, #tpu.memory_space<vmem>>, vector<16xf32>,
      %swap3A_559 = arith.constant 224 : index
      %swap3A_560 = tpu.vector_load %arg11[%swap3A_559] {strides = array<i32>} : memref<256xi32, #tpu.memory_space<vmem>>, vector<16xi32>,
      tpu.vector_store %arg11[%swap3A_559], %while3A_556#1 {strides = array<i32>} : memref<256xi32, #tpu.memory_space<vmem>>, vector<16xi32>,
      %slice3A_561 = vector.extract_strided_slice %get3A_11 {offsets = [14], sizes = [1], strides = [1]} : vector<16xi32> to vector<1xi32>
      %squeeze3A_562 = vector.extract %slice3A_561[0] : i32 from vector<1xi32>
      %slice3A_563 = vector.extract_strided_slice %get3A_11 {offsets = [15], sizes = [1], strides = [1]} : vector<16xi32> to vector<1xi32>
      %squeeze3A_564 = vector.extract %slice3A_563[0] : i32 from vector<1xi32>
      %max3A_565 = arith.maxsi %squeeze3A_562, %mul3A_2 : i32
      %add3A_566 = arith.constant 2048 : i32
      %add3A_567 = arith.addi %mul3A_2, %add3A_566 : i32
      %min3A_568 = arith.minsi %squeeze3A_564, %add3A_567 : i32
      %shift_right_logical3A_569 = arith.constant 4 : i32
      %shift_right_logical3A_570 = arith.shrui %max3A_565, %shift_right_logical3A_569 : i32
      %add3A_571 = arith.constant 15 : i32
      %add3A_572 = arith.addi %min3A_568, %add3A_571 : i32
      %shift_right_logical3A_573 = arith.constant 4 : i32
      %shift_right_logical3A_574 = arith.shrui %add3A_572, %shift_right_logical3A_573 : i32
      %sub3A_575 = arith.subi %shift_right_logical3A_574, %shift_right_logical3A_570 : i32
      %sub3A_576 = arith.constant 2 : i32
      %sub3A_577 = arith.constant 1 : i32
      %sub3A_578 = arith.subi %sub3A_576, %sub3A_577 : i32
      %add3A_579 = arith.addi %sub3A_575, %sub3A_578 : i32
      %div3A_580 = arith.constant 2 : i32
      %div3A_581 = arith.divsi %add3A_579, %div3A_580 : i32
      %while3A_582 = arith.constant 2 : i32
      %while3A_583 = arith.constant 0 : i32
      %while3A_584 = arith.subi %div3A_581, %while3A_583 : i32
      %while3A_585 = arith.addi %while3A_583, %while3A_584 : i32
      %while3A_586 = arith.constant 1 : i32
      %while3A_587 = arith.divsi %while3A_584, %while3A_586 : i32
      %while3A_588 = arith.muli %while3A_587, %while3A_586 : i32
      %while3A_589 = arith.addi %while3A_583, %while3A_588 : i32
      %while3A_590 = arith.constant 1 : i32
      %while3A_591:2 = scf.for %while3A_934 = %while3A_583 to %while3A_589 step %while3A_590 iter_args(%while3A_935 = %broadcast_in_dim3A_8, %while3A_936 = %broadcast_in_dim3A_10) -> (vector<16xf32>, vector<16xi32>)  : i32 {
        %mul3A_937 = arith.muli %while3A_934, %while3A_582 : i32
        %add3A_938 = arith.addi %shift_right_logical3A_570, %mul3A_937 : i32
        %add3A_939 = arith.constant 0 : i32
        %add3A_940 = arith.addi %add3A_938, %add3A_939 : i32
        %mul3A_941 = arith.constant 16 : i32
        %mul3A_942 = arith.muli %add3A_940, %mul3A_941 : i32
        %sub3A_943 = arith.subi %mul3A_942, %mul3A_2 : i32
        %get3A_944 = arith.index_cast %sub3A_943 : i32 to index
        %get3A_945 = tpu.vector_load %arg5[%get3A_944] {strides = array<i32>} : memref<2080xf32, #tpu.memory_space<vmem>>, vector<16xf32>,
        %add3A_946 = vector.broadcast %mul3A_942 : i32 to vector<16xi32>
        %add3A_947 = arith.addi %add3A_946, %iota3A : vector<16xi32>
        %ge3A = vector.broadcast %max3A_565 : i32 to vector<16xi32>
        %ge3A_948 = arith.cmpi sge, %add3A_947, %ge3A : vector<16xi32>
        %lt3A_949 = vector.broadcast %min3A_568 : i32 to vector<16xi32>
        %lt3A_950 = arith.cmpi slt, %add3A_947, %lt3A_949 : vector<16xi32>
        %and3A_951 = arith.andi %ge3A_948, %lt3A_950 : vector<16xi1>
        %select_n3A_952 = arith.select %and3A_951, %get3A_945, %broadcast_in_dim3A_8 : vector<16xi1>, vector<16xf32>
        %gt3A_953 = arith.cmpf ogt, %select_n3A_952, %while3A_935 : vector<16xf32>
        %select_n3A_954 = arith.select %gt3A_953, %select_n3A_952, %while3A_935 : vector<16xi1>, vector<16xf32>
        %select_n3A_955 = arith.select %gt3A_953, %add3A_947, %while3A_936 : vector<16xi1>, vector<16xi32>
        %add3A_956 = arith.constant 1 : i32
        %add3A_957 = arith.addi %add3A_938, %add3A_956 : i32
        %mul3A_958 = arith.constant 16 : i32
        %mul3A_959 = arith.muli %add3A_957, %mul3A_958 : i32
        %sub3A_960 = arith.subi %mul3A_959, %mul3A_2 : i32
        %get3A_961 = arith.index_cast %sub3A_960 : i32 to index
        %get3A_962 = tpu.vector_load %arg5[%get3A_961] {strides = array<i32>} : memref<2080xf32, #tpu.memory_space<vmem>>, vector<16xf32>,
        %add3A_963 = vector.broadcast %mul3A_959 : i32 to vector<16xi32>
        %add3A_964 = arith.addi %add3A_963, %iota3A : vector<16xi32>
        %ge3A_965 = vector.broadcast %max3A_565 : i32 to vector<16xi32>
        %ge3A_966 = arith.cmpi sge, %add3A_964, %ge3A_965 : vector<16xi32>
        %lt3A_967 = vector.broadcast %min3A_568 : i32 to vector<16xi32>
        %lt3A_968 = arith.cmpi slt, %add3A_964, %lt3A_967 : vector<16xi32>
        %and3A_969 = arith.andi %ge3A_966, %lt3A_968 : vector<16xi1>
        %select_n3A_970 = arith.select %and3A_969, %get3A_962, %broadcast_in_dim3A_8 : vector<16xi1>, vector<16xf32>
        %gt3A_971 = arith.cmpf ogt, %select_n3A_970, %select_n3A_954 : vector<16xf32>
        %select_n3A_972 = arith.select %gt3A_971, %select_n3A_970, %select_n3A_954 : vector<16xi1>, vector<16xf32>
        %select_n3A_973 = arith.select %gt3A_971, %add3A_964, %select_n3A_955 : vector<16xi1>, vector<16xi32>
        scf.yield %select_n3A_972, %select_n3A_973 : vector<16xf32>, vector<16xi32>
      }
      %while3A_592 = arith.constant 1 : i32
      %while3A_593:2 = scf.for %while3A_934 = %while3A_589 to %while3A_585 step %while3A_592 iter_args(%while3A_935 = %while3A_591#0, %while3A_936 = %while3A_591#1) -> (vector<16xf32>, vector<16xi32>)  : i32 {
        %mul3A_937 = arith.muli %while3A_934, %while3A_582 : i32
        %add3A_938 = arith.addi %shift_right_logical3A_570, %mul3A_937 : i32
        %add3A_939 = arith.constant 0 : i32
        %add3A_940 = arith.addi %add3A_938, %add3A_939 : i32
        %mul3A_941 = arith.constant 16 : i32
        %mul3A_942 = arith.muli %add3A_940, %mul3A_941 : i32
        %sub3A_943 = arith.subi %mul3A_942, %mul3A_2 : i32
        %get3A_944 = arith.index_cast %sub3A_943 : i32 to index
        %get3A_945 = tpu.vector_load %arg5[%get3A_944] {strides = array<i32>} : memref<2080xf32, #tpu.memory_space<vmem>>, vector<16xf32>,
        %add3A_946 = vector.broadcast %mul3A_942 : i32 to vector<16xi32>
        %add3A_947 = arith.addi %add3A_946, %iota3A : vector<16xi32>
        %ge3A = vector.broadcast %max3A_565 : i32 to vector<16xi32>
        %ge3A_948 = arith.cmpi sge, %add3A_947, %ge3A : vector<16xi32>
        %lt3A_949 = vector.broadcast %min3A_568 : i32 to vector<16xi32>
        %lt3A_950 = arith.cmpi slt, %add3A_947, %lt3A_949 : vector<16xi32>
        %and3A_951 = arith.andi %ge3A_948, %lt3A_950 : vector<16xi1>
        %select_n3A_952 = arith.select %and3A_951, %get3A_945, %broadcast_in_dim3A_8 : vector<16xi1>, vector<16xf32>
        %gt3A_953 = arith.cmpf ogt, %select_n3A_952, %while3A_935 : vector<16xf32>
        %select_n3A_954 = arith.select %gt3A_953, %select_n3A_952, %while3A_935 : vector<16xi1>, vector<16xf32>
        %select_n3A_955 = arith.select %gt3A_953, %add3A_947, %while3A_936 : vector<16xi1>, vector<16xi32>
        %add3A_956 = arith.constant 1 : i32
        %add3A_957 = arith.addi %add3A_938, %add3A_956 : i32
        %mul3A_958 = arith.constant 16 : i32
        %mul3A_959 = arith.muli %add3A_957, %mul3A_958 : i32
        %sub3A_960 = arith.subi %mul3A_959, %mul3A_2 : i32
        %get3A_961 = arith.index_cast %sub3A_960 : i32 to index
        %get3A_962 = tpu.vector_load %arg5[%get3A_961] {strides = array<i32>} : memref<2080xf32, #tpu.memory_space<vmem>>, vector<16xf32>,
        %add3A_963 = vector.broadcast %mul3A_959 : i32 to vector<16xi32>
        %add3A_964 = arith.addi %add3A_963, %iota3A : vector<16xi32>
        %ge3A_965 = vector.broadcast %max3A_565 : i32 to vector<16xi32>
        %ge3A_966 = arith.cmpi sge, %add3A_964, %ge3A_965 : vector<16xi32>
        %lt3A_967 = vector.broadcast %min3A_568 : i32 to vector<16xi32>
        %lt3A_968 = arith.cmpi slt, %add3A_964, %lt3A_967 : vector<16xi32>
        %and3A_969 = arith.andi %ge3A_966, %lt3A_968 : vector<16xi1>
        %select_n3A_970 = arith.select %and3A_969, %get3A_962, %broadcast_in_dim3A_8 : vector<16xi1>, vector<16xf32>
        %gt3A_971 = arith.cmpf ogt, %select_n3A_970, %select_n3A_954 : vector<16xf32>
        %select_n3A_972 = arith.select %gt3A_971, %select_n3A_970, %select_n3A_954 : vector<16xi1>, vector<16xf32>
        %select_n3A_973 = arith.select %gt3A_971, %add3A_964, %select_n3A_955 : vector<16xi1>, vector<16xi32>
        scf.yield %select_n3A_972, %select_n3A_973 : vector<16xf32>, vector<16xi32>
      }
      %swap3A_594 = arith.constant 240 : index
      %swap3A_595 = tpu.vector_load %arg10[%swap3A_594] {strides = array<i32>} : memref<256xf32, #tpu.memory_space<vmem>>, vector<16xf32>,
      tpu.vector_store %arg10[%swap3A_594], %while3A_593#0 {strides = array<i32>} : memref<256xf32, #tpu.memory_space<vmem>>, vector<16xf32>,
      %swap3A_596 = arith.constant 240 : index
      %swap3A_597 = tpu.vector_load %arg11[%swap3A_596] {strides = array<i32>} : memref<256xi32, #tpu.memory_space<vmem>>, vector<16xi32>,
      tpu.vector_store %arg11[%swap3A_596], %while3A_593#1 {strides = array<i32>} : memref<256xi32, #tpu.memory_space<vmem>>, vector<16xi32>,
      %mul3A_598 = arith.constant 16 : i32
      %mul3A_599 = vector.broadcast %mul3A_598 : i32 to vector<16xi32>
      %mul3A_600 = arith.muli %iota3A, %mul3A_599 : vector<16xi32>
      %add3A_601 = arith.constant 0 : i32
      %add3A_602 = vector.broadcast %add3A_601 : i32 to vector<16xi32>
      %add3A_603 = arith.addi %mul3A_600, %add3A_602 : vector<16xi32>
      %gather3A = tpu.vector_load_idx %arg10[%add3A_603] : memref<256xf32, #tpu.memory_space<vmem>>[vector<16xi32>], vector<16xf32>,
      %mul3A_604 = arith.constant 16 : i32
      %mul3A_605 = vector.broadcast %mul3A_604 : i32 to vector<16xi32>
      %mul3A_606 = arith.muli %iota3A, %mul3A_605 : vector<16xi32>
      %add3A_607 = arith.constant 0 : i32
      %add3A_608 = vector.broadcast %add3A_607 : i32 to vector<16xi32>
      %add3A_609 = arith.addi %mul3A_606, %add3A_608 : vector<16xi32>
      %gather3A_610 = tpu.vector_load_idx %arg11[%add3A_609] : memref<256xi32, #tpu.memory_space<vmem>>[vector<16xi32>], vector<16xi32>,
      %mul3A_611 = arith.constant 16 : i32
      %mul3A_612 = vector.broadcast %mul3A_611 : i32 to vector<16xi32>
      %mul3A_613 = arith.muli %iota3A, %mul3A_612 : vector<16xi32>
      %add3A_614 = arith.constant 1 : i32
      %add3A_615 = vector.broadcast %add3A_614 : i32 to vector<16xi32>
      %add3A_616 = arith.addi %mul3A_613, %add3A_615 : vector<16xi32>
      %gather3A_617 = tpu.vector_load_idx %arg10[%add3A_616] : memref<256xf32, #tpu.memory_space<vmem>>[vector<16xi32>], vector<16xf32>,
      %mul3A_618 = arith.constant 16 : i32
      %mul3A_619 = vector.broadcast %mul3A_618 : i32 to vector<16xi32>
      %mul3A_620 = arith.muli %iota3A, %mul3A_619 : vector<16xi32>
      %add3A_621 = arith.constant 1 : i32
      %add3A_622 = vector.broadcast %add3A_621 : i32 to vector<16xi32>
      %add3A_623 = arith.addi %mul3A_620, %add3A_622 : vector<16xi32>
      %gather3A_624 = tpu.vector_load_idx %arg11[%add3A_623] : memref<256xi32, #tpu.memory_space<vmem>>[vector<16xi32>], vector<16xi32>,
      %mul3A_625 = arith.constant 16 : i32
      %mul3A_626 = vector.broadcast %mul3A_625 : i32 to vector<16xi32>
      %mul3A_627 = arith.muli %iota3A, %mul3A_626 : vector<16xi32>
      %add3A_628 = arith.constant 2 : i32
      %add3A_629 = vector.broadcast %add3A_628 : i32 to vector<16xi32>
      %add3A_630 = arith.addi %mul3A_627, %add3A_629 : vector<16xi32>
      %gather3A_631 = tpu.vector_load_idx %arg10[%add3A_630] : memref<256xf32, #tpu.memory_space<vmem>>[vector<16xi32>], vector<16xf32>,
      %mul3A_632 = arith.constant 16 : i32
      %mul3A_633 = vector.broadcast %mul3A_632 : i32 to vector<16xi32>
      %mul3A_634 = arith.muli %iota3A, %mul3A_633 : vector<16xi32>
      %add3A_635 = arith.constant 2 : i32
      %add3A_636 = vector.broadcast %add3A_635 : i32 to vector<16xi32>
      %add3A_637 = arith.addi %mul3A_634, %add3A_636 : vector<16xi32>
      %gather3A_638 = tpu.vector_load_idx %arg11[%add3A_637] : memref<256xi32, #tpu.memory_space<vmem>>[vector<16xi32>], vector<16xi32>,
      %mul3A_639 = arith.constant 16 : i32
      %mul3A_640 = vector.broadcast %mul3A_639 : i32 to vector<16xi32>
      %mul3A_641 = arith.muli %iota3A, %mul3A_640 : vector<16xi32>
      %add3A_642 = arith.constant 3 : i32
      %add3A_643 = vector.broadcast %add3A_642 : i32 to vector<16xi32>
      %add3A_644 = arith.addi %mul3A_641, %add3A_643 : vector<16xi32>
      %gather3A_645 = tpu.vector_load_idx %arg10[%add3A_644] : memref<256xf32, #tpu.memory_space<vmem>>[vector<16xi32>], vector<16xf32>,
      %mul3A_646 = arith.constant 16 : i32
      %mul3A_647 = vector.broadcast %mul3A_646 : i32 to vector<16xi32>
      %mul3A_648 = arith.muli %iota3A, %mul3A_647 : vector<16xi32>
      %add3A_649 = arith.constant 3 : i32
      %add3A_650 = vector.broadcast %add3A_649 : i32 to vector<16xi32>
      %add3A_651 = arith.addi %mul3A_648, %add3A_650 : vector<16xi32>
      %gather3A_652 = tpu.vector_load_idx %arg11[%add3A_651] : memref<256xi32, #tpu.memory_space<vmem>>[vector<16xi32>], vector<16xi32>,
      %mul3A_653 = arith.constant 16 : i32
      %mul3A_654 = vector.broadcast %mul3A_653 : i32 to vector<16xi32>
      %mul3A_655 = arith.muli %iota3A, %mul3A_654 : vector<16xi32>
      %add3A_656 = arith.constant 4 : i32
      %add3A_657 = vector.broadcast %add3A_656 : i32 to vector<16xi32>
      %add3A_658 = arith.addi %mul3A_655, %add3A_657 : vector<16xi32>
      %gather3A_659 = tpu.vector_load_idx %arg10[%add3A_658] : memref<256xf32, #tpu.memory_space<vmem>>[vector<16xi32>], vector<16xf32>,
      %mul3A_660 = arith.constant 16 : i32
      %mul3A_661 = vector.broadcast %mul3A_660 : i32 to vector<16xi32>
      %mul3A_662 = arith.muli %iota3A, %mul3A_661 : vector<16xi32>
      %add3A_663 = arith.constant 4 : i32
      %add3A_664 = vector.broadcast %add3A_663 : i32 to vector<16xi32>
      %add3A_665 = arith.addi %mul3A_662, %add3A_664 : vector<16xi32>
      %gather3A_666 = tpu.vector_load_idx %arg11[%add3A_665] : memref<256xi32, #tpu.memory_space<vmem>>[vector<16xi32>], vector<16xi32>,
      %mul3A_667 = arith.constant 16 : i32
      %mul3A_668 = vector.broadcast %mul3A_667 : i32 to vector<16xi32>
      %mul3A_669 = arith.muli %iota3A, %mul3A_668 : vector<16xi32>
      %add3A_670 = arith.constant 5 : i32
      %add3A_671 = vector.broadcast %add3A_670 : i32 to vector<16xi32>
      %add3A_672 = arith.addi %mul3A_669, %add3A_671 : vector<16xi32>
      %gather3A_673 = tpu.vector_load_idx %arg10[%add3A_672] : memref<256xf32, #tpu.memory_space<vmem>>[vector<16xi32>], vector<16xf32>,
      %mul3A_674 = arith.constant 16 : i32
      %mul3A_675 = vector.broadcast %mul3A_674 : i32 to vector<16xi32>
      %mul3A_676 = arith.muli %iota3A, %mul3A_675 : vector<16xi32>
      %add3A_677 = arith.constant 5 : i32
      %add3A_678 = vector.broadcast %add3A_677 : i32 to vector<16xi32>
      %add3A_679 = arith.addi %mul3A_676, %add3A_678 : vector<16xi32>
      %gather3A_680 = tpu.vector_load_idx %arg11[%add3A_679] : memref<256xi32, #tpu.memory_space<vmem>>[vector<16xi32>], vector<16xi32>,
      %mul3A_681 = arith.constant 16 : i32
      %mul3A_682 = vector.broadcast %mul3A_681 : i32 to vector<16xi32>
      %mul3A_683 = arith.muli %iota3A, %mul3A_682 : vector<16xi32>
      %add3A_684 = arith.constant 6 : i32
      %add3A_685 = vector.broadcast %add3A_684 : i32 to vector<16xi32>
      %add3A_686 = arith.addi %mul3A_683, %add3A_685 : vector<16xi32>
      %gather3A_687 = tpu.vector_load_idx %arg10[%add3A_686] : memref<256xf32, #tpu.memory_space<vmem>>[vector<16xi32>], vector<16xf32>,
      %mul3A_688 = arith.constant 16 : i32
      %mul3A_689 = vector.broadcast %mul3A_688 : i32 to vector<16xi32>
      %mul3A_690 = arith.muli %iota3A, %mul3A_689 : vector<16xi32>
      %add3A_691 = arith.constant 6 : i32
      %add3A_692 = vector.broadcast %add3A_691 : i32 to vector<16xi32>
      %add3A_693 = arith.addi %mul3A_690, %add3A_692 : vector<16xi32>
      %gather3A_694 = tpu.vector_load_idx %arg11[%add3A_693] : memref<256xi32, #tpu.memory_space<vmem>>[vector<16xi32>], vector<16xi32>,
      %mul3A_695 = arith.constant 16 : i32
      %mul3A_696 = vector.broadcast %mul3A_695 : i32 to vector<16xi32>
      %mul3A_697 = arith.muli %iota3A, %mul3A_696 : vector<16xi32>
      %add3A_698 = arith.constant 7 : i32
      %add3A_699 = vector.broadcast %add3A_698 : i32 to vector<16xi32>
      %add3A_700 = arith.addi %mul3A_697, %add3A_699 : vector<16xi32>
      %gather3A_701 = tpu.vector_load_idx %arg10[%add3A_700] : memref<256xf32, #tpu.memory_space<vmem>>[vector<16xi32>], vector<16xf32>,
      %mul3A_702 = arith.constant 16 : i32
      %mul3A_703 = vector.broadcast %mul3A_702 : i32 to vector<16xi32>
      %mul3A_704 = arith.muli %iota3A, %mul3A_703 : vector<16xi32>
      %add3A_705 = arith.constant 7 : i32
      %add3A_706 = vector.broadcast %add3A_705 : i32 to vector<16xi32>
      %add3A_707 = arith.addi %mul3A_704, %add3A_706 : vector<16xi32>
      %gather3A_708 = tpu.vector_load_idx %arg11[%add3A_707] : memref<256xi32, #tpu.memory_space<vmem>>[vector<16xi32>], vector<16xi32>,
      %mul3A_709 = arith.constant 16 : i32
      %mul3A_710 = vector.broadcast %mul3A_709 : i32 to vector<16xi32>
      %mul3A_711 = arith.muli %iota3A, %mul3A_710 : vector<16xi32>
      %add3A_712 = arith.constant 8 : i32
      %add3A_713 = vector.broadcast %add3A_712 : i32 to vector<16xi32>
      %add3A_714 = arith.addi %mul3A_711, %add3A_713 : vector<16xi32>
      %gather3A_715 = tpu.vector_load_idx %arg10[%add3A_714] : memref<256xf32, #tpu.memory_space<vmem>>[vector<16xi32>], vector<16xf32>,
      %mul3A_716 = arith.constant 16 : i32
      %mul3A_717 = vector.broadcast %mul3A_716 : i32 to vector<16xi32>
      %mul3A_718 = arith.muli %iota3A, %mul3A_717 : vector<16xi32>
      %add3A_719 = arith.constant 8 : i32
      %add3A_720 = vector.broadcast %add3A_719 : i32 to vector<16xi32>
      %add3A_721 = arith.addi %mul3A_718, %add3A_720 : vector<16xi32>
      %gather3A_722 = tpu.vector_load_idx %arg11[%add3A_721] : memref<256xi32, #tpu.memory_space<vmem>>[vector<16xi32>], vector<16xi32>,
      %mul3A_723 = arith.constant 16 : i32
      %mul3A_724 = vector.broadcast %mul3A_723 : i32 to vector<16xi32>
      %mul3A_725 = arith.muli %iota3A, %mul3A_724 : vector<16xi32>
      %add3A_726 = arith.constant 9 : i32
      %add3A_727 = vector.broadcast %add3A_726 : i32 to vector<16xi32>
      %add3A_728 = arith.addi %mul3A_725, %add3A_727 : vector<16xi32>
      %gather3A_729 = tpu.vector_load_idx %arg10[%add3A_728] : memref<256xf32, #tpu.memory_space<vmem>>[vector<16xi32>], vector<16xf32>,
      %mul3A_730 = arith.constant 16 : i32
      %mul3A_731 = vector.broadcast %mul3A_730 : i32 to vector<16xi32>
      %mul3A_732 = arith.muli %iota3A, %mul3A_731 : vector<16xi32>
      %add3A_733 = arith.constant 9 : i32
      %add3A_734 = vector.broadcast %add3A_733 : i32 to vector<16xi32>
      %add3A_735 = arith.addi %mul3A_732, %add3A_734 : vector<16xi32>
      %gather3A_736 = tpu.vector_load_idx %arg11[%add3A_735] : memref<256xi32, #tpu.memory_space<vmem>>[vector<16xi32>], vector<16xi32>,
      %mul3A_737 = arith.constant 16 : i32
      %mul3A_738 = vector.broadcast %mul3A_737 : i32 to vector<16xi32>
      %mul3A_739 = arith.muli %iota3A, %mul3A_738 : vector<16xi32>
      %add3A_740 = arith.constant 10 : i32
      %add3A_741 = vector.broadcast %add3A_740 : i32 to vector<16xi32>
      %add3A_742 = arith.addi %mul3A_739, %add3A_741 : vector<16xi32>
      %gather3A_743 = tpu.vector_load_idx %arg10[%add3A_742] : memref<256xf32, #tpu.memory_space<vmem>>[vector<16xi32>], vector<16xf32>,
      %mul3A_744 = arith.constant 16 : i32
      %mul3A_745 = vector.broadcast %mul3A_744 : i32 to vector<16xi32>
      %mul3A_746 = arith.muli %iota3A, %mul3A_745 : vector<16xi32>
      %add3A_747 = arith.constant 10 : i32
      %add3A_748 = vector.broadcast %add3A_747 : i32 to vector<16xi32>
      %add3A_749 = arith.addi %mul3A_746, %add3A_748 : vector<16xi32>
      %gather3A_750 = tpu.vector_load_idx %arg11[%add3A_749] : memref<256xi32, #tpu.memory_space<vmem>>[vector<16xi32>], vector<16xi32>,
      %mul3A_751 = arith.constant 16 : i32
      %mul3A_752 = vector.broadcast %mul3A_751 : i32 to vector<16xi32>
      %mul3A_753 = arith.muli %iota3A, %mul3A_752 : vector<16xi32>
      %add3A_754 = arith.constant 11 : i32
      %add3A_755 = vector.broadcast %add3A_754 : i32 to vector<16xi32>
      %add3A_756 = arith.addi %mul3A_753, %add3A_755 : vector<16xi32>
      %gather3A_757 = tpu.vector_load_idx %arg10[%add3A_756] : memref<256xf32, #tpu.memory_space<vmem>>[vector<16xi32>], vector<16xf32>,
      %mul3A_758 = arith.constant 16 : i32
      %mul3A_759 = vector.broadcast %mul3A_758 : i32 to vector<16xi32>
      %mul3A_760 = arith.muli %iota3A, %mul3A_759 : vector<16xi32>
      %add3A_761 = arith.constant 11 : i32
      %add3A_762 = vector.broadcast %add3A_761 : i32 to vector<16xi32>
      %add3A_763 = arith.addi %mul3A_760, %add3A_762 : vector<16xi32>
      %gather3A_764 = tpu.vector_load_idx %arg11[%add3A_763] : memref<256xi32, #tpu.memory_space<vmem>>[vector<16xi32>], vector<16xi32>,
      %mul3A_765 = arith.constant 16 : i32
      %mul3A_766 = vector.broadcast %mul3A_765 : i32 to vector<16xi32>
      %mul3A_767 = arith.muli %iota3A, %mul3A_766 : vector<16xi32>
      %add3A_768 = arith.constant 12 : i32
      %add3A_769 = vector.broadcast %add3A_768 : i32 to vector<16xi32>
      %add3A_770 = arith.addi %mul3A_767, %add3A_769 : vector<16xi32>
      %gather3A_771 = tpu.vector_load_idx %arg10[%add3A_770] : memref<256xf32, #tpu.memory_space<vmem>>[vector<16xi32>], vector<16xf32>,
      %mul3A_772 = arith.constant 16 : i32
      %mul3A_773 = vector.broadcast %mul3A_772 : i32 to vector<16xi32>
      %mul3A_774 = arith.muli %iota3A, %mul3A_773 : vector<16xi32>
      %add3A_775 = arith.constant 12 : i32
      %add3A_776 = vector.broadcast %add3A_775 : i32 to vector<16xi32>
      %add3A_777 = arith.addi %mul3A_774, %add3A_776 : vector<16xi32>
      %gather3A_778 = tpu.vector_load_idx %arg11[%add3A_777] : memref<256xi32, #tpu.memory_space<vmem>>[vector<16xi32>], vector<16xi32>,
      %mul3A_779 = arith.constant 16 : i32
      %mul3A_780 = vector.broadcast %mul3A_779 : i32 to vector<16xi32>
      %mul3A_781 = arith.muli %iota3A, %mul3A_780 : vector<16xi32>
      %add3A_782 = arith.constant 13 : i32
      %add3A_783 = vector.broadcast %add3A_782 : i32 to vector<16xi32>
      %add3A_784 = arith.addi %mul3A_781, %add3A_783 : vector<16xi32>
      %gather3A_785 = tpu.vector_load_idx %arg10[%add3A_784] : memref<256xf32, #tpu.memory_space<vmem>>[vector<16xi32>], vector<16xf32>,
      %mul3A_786 = arith.constant 16 : i32
      %mul3A_787 = vector.broadcast %mul3A_786 : i32 to vector<16xi32>
      %mul3A_788 = arith.muli %iota3A, %mul3A_787 : vector<16xi32>
      %add3A_789 = arith.constant 13 : i32
      %add3A_790 = vector.broadcast %add3A_789 : i32 to vector<16xi32>
      %add3A_791 = arith.addi %mul3A_788, %add3A_790 : vector<16xi32>
      %gather3A_792 = tpu.vector_load_idx %arg11[%add3A_791] : memref<256xi32, #tpu.memory_space<vmem>>[vector<16xi32>], vector<16xi32>,
      %mul3A_793 = arith.constant 16 : i32
      %mul3A_794 = vector.broadcast %mul3A_793 : i32 to vector<16xi32>
      %mul3A_795 = arith.muli %iota3A, %mul3A_794 : vector<16xi32>
      %add3A_796 = arith.constant 14 : i32
      %add3A_797 = vector.broadcast %add3A_796 : i32 to vector<16xi32>
      %add3A_798 = arith.addi %mul3A_795, %add3A_797 : vector<16xi32>
      %gather3A_799 = tpu.vector_load_idx %arg10[%add3A_798] : memref<256xf32, #tpu.memory_space<vmem>>[vector<16xi32>], vector<16xf32>,
      %mul3A_800 = arith.constant 16 : i32
      %mul3A_801 = vector.broadcast %mul3A_800 : i32 to vector<16xi32>
      %mul3A_802 = arith.muli %iota3A, %mul3A_801 : vector<16xi32>
      %add3A_803 = arith.constant 14 : i32
      %add3A_804 = vector.broadcast %add3A_803 : i32 to vector<16xi32>
      %add3A_805 = arith.addi %mul3A_802, %add3A_804 : vector<16xi32>
      %gather3A_806 = tpu.vector_load_idx %arg11[%add3A_805] : memref<256xi32, #tpu.memory_space<vmem>>[vector<16xi32>], vector<16xi32>,
      %mul3A_807 = arith.constant 16 : i32
      %mul3A_808 = vector.broadcast %mul3A_807 : i32 to vector<16xi32>
      %mul3A_809 = arith.muli %iota3A, %mul3A_808 : vector<16xi32>
      %add3A_810 = arith.constant 15 : i32
      %add3A_811 = vector.broadcast %add3A_810 : i32 to vector<16xi32>
      %add3A_812 = arith.addi %mul3A_809, %add3A_811 : vector<16xi32>
      %gather3A_813 = tpu.vector_load_idx %arg10[%add3A_812] : memref<256xf32, #tpu.memory_space<vmem>>[vector<16xi32>], vector<16xf32>,
      %mul3A_814 = arith.constant 16 : i32
      %mul3A_815 = vector.broadcast %mul3A_814 : i32 to vector<16xi32>
      %mul3A_816 = arith.muli %iota3A, %mul3A_815 : vector<16xi32>
      %add3A_817 = arith.constant 15 : i32
      %add3A_818 = vector.broadcast %add3A_817 : i32 to vector<16xi32>
      %add3A_819 = arith.addi %mul3A_816, %add3A_818 : vector<16xi32>
      %gather3A_820 = tpu.vector_load_idx %arg11[%add3A_819] : memref<256xi32, #tpu.memory_space<vmem>>[vector<16xi32>], vector<16xi32>,
      %gt3A = arith.cmpf ogt, %gather3A_617, %gather3A : vector<16xf32>
      %eq3A_821 = arith.cmpf oeq, %gather3A_617, %gather3A : vector<16xf32>
      %lt3A = arith.cmpi slt, %gather3A_624, %gather3A_610 : vector<16xi32>
      %and3A = arith.andi %eq3A_821, %lt3A : vector<16xi1>
      %or3A = arith.ori %gt3A, %and3A : vector<16xi1>
      %select_n3A = arith.select %or3A, %gather3A_617, %gather3A : vector<16xi1>, vector<16xf32>
      %select_n3A_822 = arith.select %or3A, %gather3A_624, %gather3A_610 : vector<16xi1>, vector<16xi32>
      %gt3A_823 = arith.cmpf ogt, %gather3A_645, %gather3A_631 : vector<16xf32>
      %eq3A_824 = arith.cmpf oeq, %gather3A_645, %gather3A_631 : vector<16xf32>
      %lt3A_825 = arith.cmpi slt, %gather3A_652, %gather3A_638 : vector<16xi32>
      %and3A_826 = arith.andi %eq3A_824, %lt3A_825 : vector<16xi1>
      %or3A_827 = arith.ori %gt3A_823, %and3A_826 : vector<16xi1>
      %select_n3A_828 = arith.select %or3A_827, %gather3A_645, %gather3A_631 : vector<16xi1>, vector<16xf32>
      %select_n3A_829 = arith.select %or3A_827, %gather3A_652, %gather3A_638 : vector<16xi1>, vector<16xi32>
      %gt3A_830 = arith.cmpf ogt, %gather3A_673, %gather3A_659 : vector<16xf32>
      %eq3A_831 = arith.cmpf oeq, %gather3A_673, %gather3A_659 : vector<16xf32>
      %lt3A_832 = arith.cmpi slt, %gather3A_680, %gather3A_666 : vector<16xi32>
      %and3A_833 = arith.andi %eq3A_831, %lt3A_832 : vector<16xi1>
      %or3A_834 = arith.ori %gt3A_830, %and3A_833 : vector<16xi1>
      %select_n3A_835 = arith.select %or3A_834, %gather3A_673, %gather3A_659 : vector<16xi1>, vector<16xf32>
      %select_n3A_836 = arith.select %or3A_834, %gather3A_680, %gather3A_666 : vector<16xi1>, vector<16xi32>
      %gt3A_837 = arith.cmpf ogt, %gather3A_701, %gather3A_687 : vector<16xf32>
      %eq3A_838 = arith.cmpf oeq, %gather3A_701, %gather3A_687 : vector<16xf32>
      %lt3A_839 = arith.cmpi slt, %gather3A_708, %gather3A_694 : vector<16xi32>
      %and3A_840 = arith.andi %eq3A_838, %lt3A_839 : vector<16xi1>
      %or3A_841 = arith.ori %gt3A_837, %and3A_840 : vector<16xi1>
      %select_n3A_842 = arith.select %or3A_841, %gather3A_701, %gather3A_687 : vector<16xi1>, vector<16xf32>
      %select_n3A_843 = arith.select %or3A_841, %gather3A_708, %gather3A_694 : vector<16xi1>, vector<16xi32>
      %gt3A_844 = arith.cmpf ogt, %gather3A_729, %gather3A_715 : vector<16xf32>
      %eq3A_845 = arith.cmpf oeq, %gather3A_729, %gather3A_715 : vector<16xf32>
      %lt3A_846 = arith.cmpi slt, %gather3A_736, %gather3A_722 : vector<16xi32>
      %and3A_847 = arith.andi %eq3A_845, %lt3A_846 : vector<16xi1>
      %or3A_848 = arith.ori %gt3A_844, %and3A_847 : vector<16xi1>
      %select_n3A_849 = arith.select %or3A_848, %gather3A_729, %gather3A_715 : vector<16xi1>, vector<16xf32>
      %select_n3A_850 = arith.select %or3A_848, %gather3A_736, %gather3A_722 : vector<16xi1>, vector<16xi32>
      %gt3A_851 = arith.cmpf ogt, %gather3A_757, %gather3A_743 : vector<16xf32>
      %eq3A_852 = arith.cmpf oeq, %gather3A_757, %gather3A_743 : vector<16xf32>
      %lt3A_853 = arith.cmpi slt, %gather3A_764, %gather3A_750 : vector<16xi32>
      %and3A_854 = arith.andi %eq3A_852, %lt3A_853 : vector<16xi1>
      %or3A_855 = arith.ori %gt3A_851, %and3A_854 : vector<16xi1>
      %select_n3A_856 = arith.select %or3A_855, %gather3A_757, %gather3A_743 : vector<16xi1>, vector<16xf32>
      %select_n3A_857 = arith.select %or3A_855, %gather3A_764, %gather3A_750 : vector<16xi1>, vector<16xi32>
      %gt3A_858 = arith.cmpf ogt, %gather3A_785, %gather3A_771 : vector<16xf32>
      %eq3A_859 = arith.cmpf oeq, %gather3A_785, %gather3A_771 : vector<16xf32>
      %lt3A_860 = arith.cmpi slt, %gather3A_792, %gather3A_778 : vector<16xi32>
      %and3A_861 = arith.andi %eq3A_859, %lt3A_860 : vector<16xi1>
      %or3A_862 = arith.ori %gt3A_858, %and3A_861 : vector<16xi1>
      %select_n3A_863 = arith.select %or3A_862, %gather3A_785, %gather3A_771 : vector<16xi1>, vector<16xf32>
      %select_n3A_864 = arith.select %or3A_862, %gather3A_792, %gather3A_778 : vector<16xi1>, vector<16xi32>
      %gt3A_865 = arith.cmpf ogt, %gather3A_813, %gather3A_799 : vector<16xf32>
      %eq3A_866 = arith.cmpf oeq, %gather3A_813, %gather3A_799 : vector<16xf32>
      %lt3A_867 = arith.cmpi slt, %gather3A_820, %gather3A_806 : vector<16xi32>
      %and3A_868 = arith.andi %eq3A_866, %lt3A_867 : vector<16xi1>
      %or3A_869 = arith.ori %gt3A_865, %and3A_868 : vector<16xi1>
      %select_n3A_870 = arith.select %or3A_869, %gather3A_813, %gather3A_799 : vector<16xi1>, vector<16xf32>
      %select_n3A_871 = arith.select %or3A_869, %gather3A_820, %gather3A_806 : vector<16xi1>, vector<16xi32>
      %gt3A_872 = arith.cmpf ogt, %select_n3A_828, %select_n3A : vector<16xf32>
      %eq3A_873 = arith.cmpf oeq, %select_n3A_828, %select_n3A : vector<16xf32>
      %lt3A_874 = arith.cmpi slt, %select_n3A_829, %select_n3A_822 : vector<16xi32>
      %and3A_875 = arith.andi %eq3A_873, %lt3A_874 : vector<16xi1>
      %or3A_876 = arith.ori %gt3A_872, %and3A_875 : vector<16xi1>
      %select_n3A_877 = arith.select %or3A_876, %select_n3A_828, %select_n3A : vector<16xi1>, vector<16xf32>
      %select_n3A_878 = arith.select %or3A_876, %select_n3A_829, %select_n3A_822 : vector<16xi1>, vector<16xi32>
      %gt3A_879 = arith.cmpf ogt, %select_n3A_842, %select_n3A_835 : vector<16xf32>
      %eq3A_880 = arith.cmpf oeq, %select_n3A_842, %select_n3A_835 : vector<16xf32>
      %lt3A_881 = arith.cmpi slt, %select_n3A_843, %select_n3A_836 : vector<16xi32>
      %and3A_882 = arith.andi %eq3A_880, %lt3A_881 : vector<16xi1>
      %or3A_883 = arith.ori %gt3A_879, %and3A_882 : vector<16xi1>
      %select_n3A_884 = arith.select %or3A_883, %select_n3A_842, %select_n3A_835 : vector<16xi1>, vector<16xf32>
      %select_n3A_885 = arith.select %or3A_883, %select_n3A_843, %select_n3A_836 : vector<16xi1>, vector<16xi32>
      %gt3A_886 = arith.cmpf ogt, %select_n3A_856, %select_n3A_849 : vector<16xf32>
      %eq3A_887 = arith.cmpf oeq, %select_n3A_856, %select_n3A_849 : vector<16xf32>
      %lt3A_888 = arith.cmpi slt, %select_n3A_857, %select_n3A_850 : vector<16xi32>
      %and3A_889 = arith.andi %eq3A_887, %lt3A_888 : vector<16xi1>
      %or3A_890 = arith.ori %gt3A_886, %and3A_889 : vector<16xi1>
      %select_n3A_891 = arith.select %or3A_890, %select_n3A_856, %select_n3A_849 : vector<16xi1>, vector<16xf32>
      %select_n3A_892 = arith.select %or3A_890, %select_n3A_857, %select_n3A_850 : vector<16xi1>, vector<16xi32>
      %gt3A_893 = arith.cmpf ogt, %select_n3A_870, %select_n3A_863 : vector<16xf32>
      %eq3A_894 = arith.cmpf oeq, %select_n3A_870, %select_n3A_863 : vector<16xf32>
      %lt3A_895 = arith.cmpi slt, %select_n3A_871, %select_n3A_864 : vector<16xi32>
      %and3A_896 = arith.andi %eq3A_894, %lt3A_895 : vector<16xi1>
      %or3A_897 = arith.ori %gt3A_893, %and3A_896 : vector<16xi1>
      %select_n3A_898 = arith.select %or3A_897, %select_n3A_870, %select_n3A_863 : vector<16xi1>, vector<16xf32>
      %select_n3A_899 = arith.select %or3A_897, %select_n3A_871, %select_n3A_864 : vector<16xi1>, vector<16xi32>
      %gt3A_900 = arith.cmpf ogt, %select_n3A_884, %select_n3A_877 : vector<16xf32>
      %eq3A_901 = arith.cmpf oeq, %select_n3A_884, %select_n3A_877 : vector<16xf32>
      %lt3A_902 = arith.cmpi slt, %select_n3A_885, %select_n3A_878 : vector<16xi32>
      %and3A_903 = arith.andi %eq3A_901, %lt3A_902 : vector<16xi1>
      %or3A_904 = arith.ori %gt3A_900, %and3A_903 : vector<16xi1>
      %select_n3A_905 = arith.select %or3A_904, %select_n3A_884, %select_n3A_877 : vector<16xi1>, vector<16xf32>
      %select_n3A_906 = arith.select %or3A_904, %select_n3A_885, %select_n3A_878 : vector<16xi1>, vector<16xi32>
      %gt3A_907 = arith.cmpf ogt, %select_n3A_898, %select_n3A_891 : vector<16xf32>
      %eq3A_908 = arith.cmpf oeq, %select_n3A_898, %select_n3A_891 : vector<16xf32>
      %lt3A_909 = arith.cmpi slt, %select_n3A_899, %select_n3A_892 : vector<16xi32>
      %and3A_910 = arith.andi %eq3A_908, %lt3A_909 : vector<16xi1>
      %or3A_911 = arith.ori %gt3A_907, %and3A_910 : vector<16xi1>
      %select_n3A_912 = arith.select %or3A_911, %select_n3A_898, %select_n3A_891 : vector<16xi1>, vector<16xf32>
      %select_n3A_913 = arith.select %or3A_911, %select_n3A_899, %select_n3A_892 : vector<16xi1>, vector<16xi32>
      %gt3A_914 = arith.cmpf ogt, %select_n3A_912, %select_n3A_905 : vector<16xf32>
      %eq3A_915 = arith.cmpf oeq, %select_n3A_912, %select_n3A_905 : vector<16xf32>
      %lt3A_916 = arith.cmpi slt, %select_n3A_913, %select_n3A_906 : vector<16xi32>
      %and3A_917 = arith.andi %eq3A_915, %lt3A_916 : vector<16xi1>
      %or3A_918 = arith.ori %gt3A_914, %and3A_917 : vector<16xi1>
      %select_n3A_919 = arith.select %or3A_918, %select_n3A_912, %select_n3A_905 : vector<16xi1>, vector<16xf32>
      %select_n3A_920 = arith.select %or3A_918, %select_n3A_913, %select_n3A_906 : vector<16xi1>, vector<16xi32>
      %swap3A_921 = arith.constant 0 : index
      %swap3A_922 = tpu.vector_load %arg7[%swap3A_921] {strides = array<i32>} : memref<32xf32, #tpu.memory_space<vmem>>, vector<16xf32>,
      tpu.vector_store %arg7[%swap3A_921], %select_n3A_919 {strides = array<i32>} : memref<32xf32, #tpu.memory_space<vmem>>, vector<16xf32>,
      %bitcast3A = vector.bitcast %select_n3A_920 : vector<16xi32> to vector<16xf32>
      %swap3A_923 = arith.constant 16 : index
      %swap3A_924 = tpu.vector_load %arg7[%swap3A_923] {strides = array<i32>} : memref<32xf32, #tpu.memory_space<vmem>>, vector<16xf32>,
      tpu.vector_store %arg7[%swap3A_923], %bitcast3A {strides = array<i32>} : memref<32xf32, #tpu.memory_space<vmem>>, vector<16xf32>,
      %mul3A_925 = arith.constant 2 : i32
      %mul3A_926 = arith.muli %arg1, %mul3A_925 : i32
      %mul3A_927 = arith.constant 16 : i32
      %mul3A_928 = arith.muli %mul3A_926, %mul3A_927 : i32
      "tpu.region"() ({
        %run_scoped3A = tpu.sem_alloc : memref<!tpu.dma_semaphore, #tpu.memory_space<semaphore_mem>>
        %dma_start3A_934 = tpu.memref_slice %arg12[%mul3A_928] : memref<512xf32, #tpu.memory_space<vmem_shared>> -> memref<32xf32, #tpu.memory_space<vmem_shared>>
        %dma_start3A_935 = tpu.memref_slice %arg12[%mul3A_928] : memref<512xf32, #tpu.memory_space<vmem_shared>> -> memref<32xf32, #tpu.memory_space<vmem_shared>>
        tpu.enqueue_dma source(%arg7 : memref<32xf32, #tpu.memory_space<vmem>>) target(%dma_start3A_935 : memref<32xf32, #tpu.memory_space<vmem_shared>>) target_semaphore(%run_scoped3A : memref<!tpu.dma_semaphore, #tpu.memory_space<semaphore_mem>>)
        %dma_wait3A_936 = tpu.memref_slice %arg12[%mul3A_928] : memref<512xf32, #tpu.memory_space<vmem_shared>> -> memref<32xf32, #tpu.memory_space<vmem_shared>>
        %dma_wait3A_937 = tpu.memref_slice %arg12[%mul3A_928] : memref<512xf32, #tpu.memory_space<vmem_shared>> -> memref<32xf32, #tpu.memory_space<vmem_shared>>
        tpu.wait_dma2 semaphore(%run_scoped3A : memref<!tpu.dma_semaphore, #tpu.memory_space<semaphore_mem>>) src(%arg7 : memref<32xf32, #tpu.memory_space<vmem>>) dst(%dma_wait3A_937 : memref<32xf32, #tpu.memory_space<vmem_shared>>)
        tpu.yield
      }) : () -> ()
      %barrier3A = arith.constant 0 : index
      tpu.barrier barrier_id(%barrier3A)
      %eq3A_929 = arith.constant 0 : i32
      %eq3A_930 = arith.cmpi eq, %arg1, %eq3A_929 : i32
      %convert_element_type3A_931 = arith.extui %eq3A_930 : i1 to i32
      %cond3A_932 = arith.constant 0 : i32
      %cond3A_933 = arith.cmpi ne, %convert_element_type3A_931, %cond3A_932 : i32
      scf.if %cond3A_933 {
        "tpu.region"() ({
          %run_scoped3A = tpu.sem_alloc : memref<!tpu.dma_semaphore, #tpu.memory_space<semaphore_mem>>
          tpu.enqueue_dma source(%arg12 : memref<512xf32, #tpu.memory_space<vmem_shared>>) target(%arg8 : memref<512xf32, #tpu.memory_space<vmem>>) target_semaphore(%run_scoped3A : memref<!tpu.dma_semaphore, #tpu.memory_space<semaphore_mem>>)
          tpu.wait_dma2 semaphore(%run_scoped3A : memref<!tpu.dma_semaphore, #tpu.memory_space<semaphore_mem>>) src(%arg12 : memref<512xf32, #tpu.memory_space<vmem_shared>>) dst(%arg8 : memref<512xf32, #tpu.memory_space<vmem>>)
          tpu.yield
        }) : () -> ()
        %get3A_934 = arith.constant 0 : index
        %get3A_935 = tpu.vector_load %arg8[%get3A_934] {strides = array<i32>} : memref<512xf32, #tpu.memory_space<vmem>>, vector<16xf32>,
        %get3A_936 = arith.constant 16 : index
        %get3A_937 = tpu.vector_load %arg8[%get3A_936] {strides = array<i32>} : memref<512xf32, #tpu.memory_space<vmem>>, vector<16xf32>,
        %bitcast3A_938 = vector.bitcast %get3A_937 : vector<16xf32> to vector<16xi32>
        %get3A_939 = arith.constant 32 : index
        %get3A_940 = tpu.vector_load %arg8[%get3A_939] {strides = array<i32>} : memref<512xf32, #tpu.memory_space<vmem>>, vector<16xf32>,
        %get3A_941 = arith.constant 48 : index
        %get3A_942 = tpu.vector_load %arg8[%get3A_941] {strides = array<i32>} : memref<512xf32, #tpu.memory_space<vmem>>, vector<16xf32>,
        %bitcast3A_943 = vector.bitcast %get3A_942 : vector<16xf32> to vector<16xi32>
        %get3A_944 = arith.constant 64 : index
        %get3A_945 = tpu.vector_load %arg8[%get3A_944] {strides = array<i32>} : memref<512xf32, #tpu.memory_space<vmem>>, vector<16xf32>,
        %get3A_946 = arith.constant 80 : index
        %get3A_947 = tpu.vector_load %arg8[%get3A_946] {strides = array<i32>} : memref<512xf32, #tpu.memory_space<vmem>>, vector<16xf32>,
        %bitcast3A_948 = vector.bitcast %get3A_947 : vector<16xf32> to vector<16xi32>
        %get3A_949 = arith.constant 96 : index
        %get3A_950 = tpu.vector_load %arg8[%get3A_949] {strides = array<i32>} : memref<512xf32, #tpu.memory_space<vmem>>, vector<16xf32>,
        %get3A_951 = arith.constant 112 : index
        %get3A_952 = tpu.vector_load %arg8[%get3A_951] {strides = array<i32>} : memref<512xf32, #tpu.memory_space<vmem>>, vector<16xf32>,
        %bitcast3A_953 = vector.bitcast %get3A_952 : vector<16xf32> to vector<16xi32>
        %get3A_954 = arith.constant 128 : index
        %get3A_955 = tpu.vector_load %arg8[%get3A_954] {strides = array<i32>} : memref<512xf32, #tpu.memory_space<vmem>>, vector<16xf32>,
        %get3A_956 = arith.constant 144 : index
        %get3A_957 = tpu.vector_load %arg8[%get3A_956] {strides = array<i32>} : memref<512xf32, #tpu.memory_space<vmem>>, vector<16xf32>,
        %bitcast3A_958 = vector.bitcast %get3A_957 : vector<16xf32> to vector<16xi32>
        %get3A_959 = arith.constant 160 : index
        %get3A_960 = tpu.vector_load %arg8[%get3A_959] {strides = array<i32>} : memref<512xf32, #tpu.memory_space<vmem>>, vector<16xf32>,
        %get3A_961 = arith.constant 176 : index
        %get3A_962 = tpu.vector_load %arg8[%get3A_961] {strides = array<i32>} : memref<512xf32, #tpu.memory_space<vmem>>, vector<16xf32>,
        %bitcast3A_963 = vector.bitcast %get3A_962 : vector<16xf32> to vector<16xi32>
        %get3A_964 = arith.constant 192 : index
        %get3A_965 = tpu.vector_load %arg8[%get3A_964] {strides = array<i32>} : memref<512xf32, #tpu.memory_space<vmem>>, vector<16xf32>,
        %get3A_966 = arith.constant 208 : index
        %get3A_967 = tpu.vector_load %arg8[%get3A_966] {strides = array<i32>} : memref<512xf32, #tpu.memory_space<vmem>>, vector<16xf32>,
        %bitcast3A_968 = vector.bitcast %get3A_967 : vector<16xf32> to vector<16xi32>
        %get3A_969 = arith.constant 224 : index
        %get3A_970 = tpu.vector_load %arg8[%get3A_969] {strides = array<i32>} : memref<512xf32, #tpu.memory_space<vmem>>, vector<16xf32>,
        %get3A_971 = arith.constant 240 : index
        %get3A_972 = tpu.vector_load %arg8[%get3A_971] {strides = array<i32>} : memref<512xf32, #tpu.memory_space<vmem>>, vector<16xf32>,
        %bitcast3A_973 = vector.bitcast %get3A_972 : vector<16xf32> to vector<16xi32>
        %get3A_974 = arith.constant 256 : index
        %get3A_975 = tpu.vector_load %arg8[%get3A_974] {strides = array<i32>} : memref<512xf32, #tpu.memory_space<vmem>>, vector<16xf32>,
        %get3A_976 = arith.constant 272 : index
        %get3A_977 = tpu.vector_load %arg8[%get3A_976] {strides = array<i32>} : memref<512xf32, #tpu.memory_space<vmem>>, vector<16xf32>,
        %bitcast3A_978 = vector.bitcast %get3A_977 : vector<16xf32> to vector<16xi32>
        %get3A_979 = arith.constant 288 : index
        %get3A_980 = tpu.vector_load %arg8[%get3A_979] {strides = array<i32>} : memref<512xf32, #tpu.memory_space<vmem>>, vector<16xf32>,
        %get3A_981 = arith.constant 304 : index
        %get3A_982 = tpu.vector_load %arg8[%get3A_981] {strides = array<i32>} : memref<512xf32, #tpu.memory_space<vmem>>, vector<16xf32>,
        %bitcast3A_983 = vector.bitcast %get3A_982 : vector<16xf32> to vector<16xi32>
        %get3A_984 = arith.constant 320 : index
        %get3A_985 = tpu.vector_load %arg8[%get3A_984] {strides = array<i32>} : memref<512xf32, #tpu.memory_space<vmem>>, vector<16xf32>,
        %get3A_986 = arith.constant 336 : index
        %get3A_987 = tpu.vector_load %arg8[%get3A_986] {strides = array<i32>} : memref<512xf32, #tpu.memory_space<vmem>>, vector<16xf32>,
        %bitcast3A_988 = vector.bitcast %get3A_987 : vector<16xf32> to vector<16xi32>
        %get3A_989 = arith.constant 352 : index
        %get3A_990 = tpu.vector_load %arg8[%get3A_989] {strides = array<i32>} : memref<512xf32, #tpu.memory_space<vmem>>, vector<16xf32>,
        %get3A_991 = arith.constant 368 : index
        %get3A_992 = tpu.vector_load %arg8[%get3A_991] {strides = array<i32>} : memref<512xf32, #tpu.memory_space<vmem>>, vector<16xf32>,
        %bitcast3A_993 = vector.bitcast %get3A_992 : vector<16xf32> to vector<16xi32>
        %get3A_994 = arith.constant 384 : index
        %get3A_995 = tpu.vector_load %arg8[%get3A_994] {strides = array<i32>} : memref<512xf32, #tpu.memory_space<vmem>>, vector<16xf32>,
        %get3A_996 = arith.constant 400 : index
        %get3A_997 = tpu.vector_load %arg8[%get3A_996] {strides = array<i32>} : memref<512xf32, #tpu.memory_space<vmem>>, vector<16xf32>,
        %bitcast3A_998 = vector.bitcast %get3A_997 : vector<16xf32> to vector<16xi32>
        %get3A_999 = arith.constant 416 : index
        %get3A_1000 = tpu.vector_load %arg8[%get3A_999] {strides = array<i32>} : memref<512xf32, #tpu.memory_space<vmem>>, vector<16xf32>,
        %get3A_1001 = arith.constant 432 : index
        %get3A_1002 = tpu.vector_load %arg8[%get3A_1001] {strides = array<i32>} : memref<512xf32, #tpu.memory_space<vmem>>, vector<16xf32>,
        %bitcast3A_1003 = vector.bitcast %get3A_1002 : vector<16xf32> to vector<16xi32>
        %get3A_1004 = arith.constant 448 : index
        %get3A_1005 = tpu.vector_load %arg8[%get3A_1004] {strides = array<i32>} : memref<512xf32, #tpu.memory_space<vmem>>, vector<16xf32>,
        %get3A_1006 = arith.constant 464 : index
        %get3A_1007 = tpu.vector_load %arg8[%get3A_1006] {strides = array<i32>} : memref<512xf32, #tpu.memory_space<vmem>>, vector<16xf32>,
        %bitcast3A_1008 = vector.bitcast %get3A_1007 : vector<16xf32> to vector<16xi32>
        %get3A_1009 = arith.constant 480 : index
        %get3A_1010 = tpu.vector_load %arg8[%get3A_1009] {strides = array<i32>} : memref<512xf32, #tpu.memory_space<vmem>>, vector<16xf32>,
        %get3A_1011 = arith.constant 496 : index
        %get3A_1012 = tpu.vector_load %arg8[%get3A_1011] {strides = array<i32>} : memref<512xf32, #tpu.memory_space<vmem>>, vector<16xf32>,
        %bitcast3A_1013 = vector.bitcast %get3A_1012 : vector<16xf32> to vector<16xi32>
        %gt3A_1014 = arith.cmpf ogt, %get3A_940, %get3A_935 : vector<16xf32>
        %eq3A_1015 = arith.cmpf oeq, %get3A_940, %get3A_935 : vector<16xf32>
        %lt3A_1016 = arith.cmpi slt, %bitcast3A_943, %bitcast3A_938 : vector<16xi32>
        %and3A_1017 = arith.andi %eq3A_1015, %lt3A_1016 : vector<16xi1>
        %or3A_1018 = arith.ori %gt3A_1014, %and3A_1017 : vector<16xi1>
        %select_n3A_1019 = arith.select %or3A_1018, %get3A_940, %get3A_935 : vector<16xi1>, vector<16xf32>
        %select_n3A_1020 = arith.select %or3A_1018, %bitcast3A_943, %bitcast3A_938 : vector<16xi1>, vector<16xi32>
        %gt3A_1021 = arith.cmpf ogt, %get3A_950, %get3A_945 : vector<16xf32>
        %eq3A_1022 = arith.cmpf oeq, %get3A_950, %get3A_945 : vector<16xf32>
        %lt3A_1023 = arith.cmpi slt, %bitcast3A_953, %bitcast3A_948 : vector<16xi32>
        %and3A_1024 = arith.andi %eq3A_1022, %lt3A_1023 : vector<16xi1>
        %or3A_1025 = arith.ori %gt3A_1021, %and3A_1024 : vector<16xi1>
        %select_n3A_1026 = arith.select %or3A_1025, %get3A_950, %get3A_945 : vector<16xi1>, vector<16xf32>
        %select_n3A_1027 = arith.select %or3A_1025, %bitcast3A_953, %bitcast3A_948 : vector<16xi1>, vector<16xi32>
        %gt3A_1028 = arith.cmpf ogt, %get3A_960, %get3A_955 : vector<16xf32>
        %eq3A_1029 = arith.cmpf oeq, %get3A_960, %get3A_955 : vector<16xf32>
        %lt3A_1030 = arith.cmpi slt, %bitcast3A_963, %bitcast3A_958 : vector<16xi32>
        %and3A_1031 = arith.andi %eq3A_1029, %lt3A_1030 : vector<16xi1>
        %or3A_1032 = arith.ori %gt3A_1028, %and3A_1031 : vector<16xi1>
        %select_n3A_1033 = arith.select %or3A_1032, %get3A_960, %get3A_955 : vector<16xi1>, vector<16xf32>
        %select_n3A_1034 = arith.select %or3A_1032, %bitcast3A_963, %bitcast3A_958 : vector<16xi1>, vector<16xi32>
        %gt3A_1035 = arith.cmpf ogt, %get3A_970, %get3A_965 : vector<16xf32>
        %eq3A_1036 = arith.cmpf oeq, %get3A_970, %get3A_965 : vector<16xf32>
        %lt3A_1037 = arith.cmpi slt, %bitcast3A_973, %bitcast3A_968 : vector<16xi32>
        %and3A_1038 = arith.andi %eq3A_1036, %lt3A_1037 : vector<16xi1>
        %or3A_1039 = arith.ori %gt3A_1035, %and3A_1038 : vector<16xi1>
        %select_n3A_1040 = arith.select %or3A_1039, %get3A_970, %get3A_965 : vector<16xi1>, vector<16xf32>
        %select_n3A_1041 = arith.select %or3A_1039, %bitcast3A_973, %bitcast3A_968 : vector<16xi1>, vector<16xi32>
        %gt3A_1042 = arith.cmpf ogt, %get3A_980, %get3A_975 : vector<16xf32>
        %eq3A_1043 = arith.cmpf oeq, %get3A_980, %get3A_975 : vector<16xf32>
        %lt3A_1044 = arith.cmpi slt, %bitcast3A_983, %bitcast3A_978 : vector<16xi32>
        %and3A_1045 = arith.andi %eq3A_1043, %lt3A_1044 : vector<16xi1>
        %or3A_1046 = arith.ori %gt3A_1042, %and3A_1045 : vector<16xi1>
        %select_n3A_1047 = arith.select %or3A_1046, %get3A_980, %get3A_975 : vector<16xi1>, vector<16xf32>
        %select_n3A_1048 = arith.select %or3A_1046, %bitcast3A_983, %bitcast3A_978 : vector<16xi1>, vector<16xi32>
        %gt3A_1049 = arith.cmpf ogt, %get3A_990, %get3A_985 : vector<16xf32>
        %eq3A_1050 = arith.cmpf oeq, %get3A_990, %get3A_985 : vector<16xf32>
        %lt3A_1051 = arith.cmpi slt, %bitcast3A_993, %bitcast3A_988 : vector<16xi32>
        %and3A_1052 = arith.andi %eq3A_1050, %lt3A_1051 : vector<16xi1>
        %or3A_1053 = arith.ori %gt3A_1049, %and3A_1052 : vector<16xi1>
        %select_n3A_1054 = arith.select %or3A_1053, %get3A_990, %get3A_985 : vector<16xi1>, vector<16xf32>
        %select_n3A_1055 = arith.select %or3A_1053, %bitcast3A_993, %bitcast3A_988 : vector<16xi1>, vector<16xi32>
        %gt3A_1056 = arith.cmpf ogt, %get3A_1000, %get3A_995 : vector<16xf32>
        %eq3A_1057 = arith.cmpf oeq, %get3A_1000, %get3A_995 : vector<16xf32>
        %lt3A_1058 = arith.cmpi slt, %bitcast3A_1003, %bitcast3A_998 : vector<16xi32>
        %and3A_1059 = arith.andi %eq3A_1057, %lt3A_1058 : vector<16xi1>
        %or3A_1060 = arith.ori %gt3A_1056, %and3A_1059 : vector<16xi1>
        %select_n3A_1061 = arith.select %or3A_1060, %get3A_1000, %get3A_995 : vector<16xi1>, vector<16xf32>
        %select_n3A_1062 = arith.select %or3A_1060, %bitcast3A_1003, %bitcast3A_998 : vector<16xi1>, vector<16xi32>
        %gt3A_1063 = arith.cmpf ogt, %get3A_1010, %get3A_1005 : vector<16xf32>
        %eq3A_1064 = arith.cmpf oeq, %get3A_1010, %get3A_1005 : vector<16xf32>
        %lt3A_1065 = arith.cmpi slt, %bitcast3A_1013, %bitcast3A_1008 : vector<16xi32>
        %and3A_1066 = arith.andi %eq3A_1064, %lt3A_1065 : vector<16xi1>
        %or3A_1067 = arith.ori %gt3A_1063, %and3A_1066 : vector<16xi1>
        %select_n3A_1068 = arith.select %or3A_1067, %get3A_1010, %get3A_1005 : vector<16xi1>, vector<16xf32>
        %select_n3A_1069 = arith.select %or3A_1067, %bitcast3A_1013, %bitcast3A_1008 : vector<16xi1>, vector<16xi32>
        %gt3A_1070 = arith.cmpf ogt, %select_n3A_1026, %select_n3A_1019 : vector<16xf32>
        %eq3A_1071 = arith.cmpf oeq, %select_n3A_1026, %select_n3A_1019 : vector<16xf32>
        %lt3A_1072 = arith.cmpi slt, %select_n3A_1027, %select_n3A_1020 : vector<16xi32>
        %and3A_1073 = arith.andi %eq3A_1071, %lt3A_1072 : vector<16xi1>
        %or3A_1074 = arith.ori %gt3A_1070, %and3A_1073 : vector<16xi1>
        %select_n3A_1075 = arith.select %or3A_1074, %select_n3A_1026, %select_n3A_1019 : vector<16xi1>, vector<16xf32>
        %select_n3A_1076 = arith.select %or3A_1074, %select_n3A_1027, %select_n3A_1020 : vector<16xi1>, vector<16xi32>
        %gt3A_1077 = arith.cmpf ogt, %select_n3A_1040, %select_n3A_1033 : vector<16xf32>
        %eq3A_1078 = arith.cmpf oeq, %select_n3A_1040, %select_n3A_1033 : vector<16xf32>
        %lt3A_1079 = arith.cmpi slt, %select_n3A_1041, %select_n3A_1034 : vector<16xi32>
        %and3A_1080 = arith.andi %eq3A_1078, %lt3A_1079 : vector<16xi1>
        %or3A_1081 = arith.ori %gt3A_1077, %and3A_1080 : vector<16xi1>
        %select_n3A_1082 = arith.select %or3A_1081, %select_n3A_1040, %select_n3A_1033 : vector<16xi1>, vector<16xf32>
        %select_n3A_1083 = arith.select %or3A_1081, %select_n3A_1041, %select_n3A_1034 : vector<16xi1>, vector<16xi32>
        %gt3A_1084 = arith.cmpf ogt, %select_n3A_1054, %select_n3A_1047 : vector<16xf32>
        %eq3A_1085 = arith.cmpf oeq, %select_n3A_1054, %select_n3A_1047 : vector<16xf32>
        %lt3A_1086 = arith.cmpi slt, %select_n3A_1055, %select_n3A_1048 : vector<16xi32>
        %and3A_1087 = arith.andi %eq3A_1085, %lt3A_1086 : vector<16xi1>
        %or3A_1088 = arith.ori %gt3A_1084, %and3A_1087 : vector<16xi1>
        %select_n3A_1089 = arith.select %or3A_1088, %select_n3A_1054, %select_n3A_1047 : vector<16xi1>, vector<16xf32>
        %select_n3A_1090 = arith.select %or3A_1088, %select_n3A_1055, %select_n3A_1048 : vector<16xi1>, vector<16xi32>
        %gt3A_1091 = arith.cmpf ogt, %select_n3A_1068, %select_n3A_1061 : vector<16xf32>
        %eq3A_1092 = arith.cmpf oeq, %select_n3A_1068, %select_n3A_1061 : vector<16xf32>
        %lt3A_1093 = arith.cmpi slt, %select_n3A_1069, %select_n3A_1062 : vector<16xi32>
        %and3A_1094 = arith.andi %eq3A_1092, %lt3A_1093 : vector<16xi1>
        %or3A_1095 = arith.ori %gt3A_1091, %and3A_1094 : vector<16xi1>
        %select_n3A_1096 = arith.select %or3A_1095, %select_n3A_1068, %select_n3A_1061 : vector<16xi1>, vector<16xf32>
        %select_n3A_1097 = arith.select %or3A_1095, %select_n3A_1069, %select_n3A_1062 : vector<16xi1>, vector<16xi32>
        %gt3A_1098 = arith.cmpf ogt, %select_n3A_1082, %select_n3A_1075 : vector<16xf32>
        %eq3A_1099 = arith.cmpf oeq, %select_n3A_1082, %select_n3A_1075 : vector<16xf32>
        %lt3A_1100 = arith.cmpi slt, %select_n3A_1083, %select_n3A_1076 : vector<16xi32>
        %and3A_1101 = arith.andi %eq3A_1099, %lt3A_1100 : vector<16xi1>
        %or3A_1102 = arith.ori %gt3A_1098, %and3A_1101 : vector<16xi1>
        %select_n3A_1103 = arith.select %or3A_1102, %select_n3A_1082, %select_n3A_1075 : vector<16xi1>, vector<16xf32>
        %select_n3A_1104 = arith.select %or3A_1102, %select_n3A_1083, %select_n3A_1076 : vector<16xi1>, vector<16xi32>
        %gt3A_1105 = arith.cmpf ogt, %select_n3A_1096, %select_n3A_1089 : vector<16xf32>
        %eq3A_1106 = arith.cmpf oeq, %select_n3A_1096, %select_n3A_1089 : vector<16xf32>
        %lt3A_1107 = arith.cmpi slt, %select_n3A_1097, %select_n3A_1090 : vector<16xi32>
        %and3A_1108 = arith.andi %eq3A_1106, %lt3A_1107 : vector<16xi1>
        %or3A_1109 = arith.ori %gt3A_1105, %and3A_1108 : vector<16xi1>
        %select_n3A_1110 = arith.select %or3A_1109, %select_n3A_1096, %select_n3A_1089 : vector<16xi1>, vector<16xf32>
        %select_n3A_1111 = arith.select %or3A_1109, %select_n3A_1097, %select_n3A_1090 : vector<16xi1>, vector<16xi32>
        %gt3A_1112 = arith.cmpf ogt, %select_n3A_1110, %select_n3A_1103 : vector<16xf32>
        %eq3A_1113 = arith.cmpf oeq, %select_n3A_1110, %select_n3A_1103 : vector<16xf32>
        %lt3A_1114 = arith.cmpi slt, %select_n3A_1111, %select_n3A_1104 : vector<16xi32>
        %and3A_1115 = arith.andi %eq3A_1113, %lt3A_1114 : vector<16xi1>
        %or3A_1116 = arith.ori %gt3A_1112, %and3A_1115 : vector<16xi1>
        %select_n3A_1117 = arith.select %or3A_1116, %select_n3A_1110, %select_n3A_1103 : vector<16xi1>, vector<16xf32>
        %select_n3A_1118 = arith.select %or3A_1116, %select_n3A_1111, %select_n3A_1104 : vector<16xi1>, vector<16xi32>
        %ge3A = arith.constant 32768 : i32
        %ge3A_1119 = vector.broadcast %ge3A : i32 to vector<16xi32>
        %ge3A_1120 = arith.cmpi sge, %select_n3A_1118, %ge3A_1119 : vector<16xi32>
        %jit3A = arith.constant -1 : i32
        %broadcast_in_dim3A_1121 = vector.broadcast %jit3A : i32 to vector<16xi32>
        %select_n3A_1122 = arith.select %ge3A_1120, %broadcast_in_dim3A_1121, %select_n3A_1118 : vector<16xi1>, vector<16xi32>
        %swap3A_1123 = arith.constant 0 : index
        %swap3A_1124 = tpu.vector_load %arg9[%swap3A_1123] {strides = array<i32>} : memref<16xi32, #tpu.memory_space<vmem>>, vector<16xi32>,
        tpu.vector_store %arg9[%swap3A_1123], %select_n3A_1122 {strides = array<i32>} : memref<16xi32, #tpu.memory_space<vmem>>, vector<16xi32>,
        "tpu.region"() ({
          %run_scoped3A = tpu.sem_alloc : memref<!tpu.dma_semaphore, #tpu.memory_space<semaphore_mem>>
          tpu.enqueue_dma source(%arg9 : memref<16xi32, #tpu.memory_space<vmem>>) target(%arg4 : memref<16xi32, #tpu.memory_space<hbm>>) target_semaphore(%run_scoped3A : memref<!tpu.dma_semaphore, #tpu.memory_space<semaphore_mem>>)
          tpu.wait_dma2 semaphore(%run_scoped3A : memref<!tpu.dma_semaphore, #tpu.memory_space<semaphore_mem>>) src(%arg9 : memref<16xi32, #tpu.memory_space<vmem>>) dst(%arg4 : memref<16xi32, #tpu.memory_space<hbm>>)
          tpu.yield
        }) : () -> ()
      } else {
      }
    } else {
    }
    return
  }
}

</mosaic_0001>

<sc_bundles>
// kernel: kernel.3.cloned.1.call-start
scs
__scs_entry_jumppad:
0x0: {  	(pc) =	sbr.rel $0x88, $3  }
0x1: {  	(tag) =	ssettag $0x0;
	lr =	simm.s32 $0x1  }
0x2: {  	[smem:$0x3F9F] =	sst lr;
	_ =	strace $0xD0000000  }
0x3: {  	_ = 	snop  }
0x4: {  	_ = 	snop  }
0x5: {  	_ = 	snop  }
0x6: {  	_ = 	snop  }
0x7: {  	_ = 	snop  }
__scs_overlays_trampoline_lowered:
0x8: {  	[smem:$0x3FAE] =	sst s0  }
0x9: {  	[smem:$0x3FAF] =	sst s1  }
0xa: {  	[smem:$0x3FB0] =	sst s2  }
0xb: {  	[smem:$0x3FB1] =	sst s3  }
0xc: {  	[smem:$0x3FB2] =	sst s4  }
0xd: {  	[smem:$0x3FB3] =	sst s5  }
0xe: {  	[smem:$0x3FB4] =	sst s6  }
0xf: {  	[smem:$0x3FB5] =	sst s7  }
0x10: {  	[smem:$0x3FB6] =	sst s8  }
0x11: {  	[smem:$0x3FB7] =	sst s9;
	s0 =	simm.s32 @!p0 $0x0  }
0x12: {  	s1 =	sld [smem:$0x3F9D];
	s0 =	simm.s32 @p0 $0x1  }
0x13: {  	[smem:$0x3FB8] =	sst s0;
	s0 =	simm.s32 @!p1 $0x0  }
0x14: {  	s2 =	sld [smem:$0x3F9C];
	s0 =	simm.s32 @p1 $0x1  }
0x15: {  	[smem:$0x3FB9] =	sst s0;
	s0 =	simm.s32 @!p2 $0x0  }
0x16: {  	s3 =	sld [smem:$0x3FDB];
	s0 =	simm.s32 @p2 $0x1  }
0x17: {  	s4 =	simm.s32 $0x1BF5;
	[smem:$0x3FBB] =	sst s0  }
0x18: {  	s0 =	sld [smem:$0x3F9E];
	_ =	swait.ge [sflag:s4], $0x0  }
0x19: {  	s7 =	sld [smem:$0x3F9F]  }
0x1a: {  	s8 =	sadd.s32 $0xFFFFE003, lr  }
0x1b: {  	s9 =	sadd.s32 $0xFFFFFEF7, lr;
	s5 =	simm.s32 $0xFFFFFFFF;
	p2 =	slt.u32 s8, $0xFFFFF086  }
0x1c: {  	p1 =	slt.u32 s9, $0xF7A;
	s5 =	simm.s32 @!p2 $0x0  }
0x1d: {  	s5 =	simm.s32 @p1 $0x1;
	p0 =	seq.s32 s7, s2  }
0x1e: {  	s7 =	smul.u32 @!p0 $0xF7A, s2;
	p2 =	seq.s32 @!p0 s5, $0x0  }
0x1f: {  	s9 =	smul.u32 $0xF7A, s1;
	s8 =	simm.s32 @!p0 $0x1BF5;
	p2 =	por !p2, p0  }
0x20: {  	[sflag:s8] =	ssyncset.s32 @!p0 $0xFFFFF086;
	s6 =	sadd.s32 @!p0 s3, s7;
	s7 =	simm.s32 @!p0 $0x108  }
0x21: {  	s3 =	sadd.s32 s3, s9;
	s6 =	sadd.s32 @!p0 $0x88, s6;
	s7 =	simm.s32 @p2 $0x1082  }
0x22: {  	[simem:s7], [sflag:s8] =	dma.local @!p0 [hbm:s6], $0xF7A  }
0x23: {  	s9 =	sor.u32 $0xD0000000, s2;
	s6 =	simm.s32 $0x108;
	_ =	swait.ge @!p0 [sflag:s8], $0x0  }
0x24: {  	s3 =	sadd.s32 $0x88, s3;
	s6 =	simm.s32 @!p1 $0x1082;
	[sflag:s4] =	ssyncset.s32 $0xFFFFF086  }
0x25: {  	[simem:s6], [sflag:s4] =	dma.local [hbm:s3], $0xF7A  }
0x26: {  	[smem:$0x3F9F] =	sst s1;
	(tag) =	ssettag s2;
	_ =	strace s9  }
0x27: {  	s1 =	sld [smem:$0x3FAF]  }
0x28: {  	s2 =	sld [smem:$0x3FB0]  }
0x29: {  	s4 =	sld [smem:$0x3FB2]  }
0x2a: {  	p0 =	seq.s32 s5, $0x0;
	s5 =	sld [smem:$0x3FB3]  }
0x2b: {  	s6 =	sld [smem:$0x3FB4]  }
0x2c: {  	s7 =	sld [smem:$0x3FB5]  }
0x2d: {  	s3 =	simm.s32 $0x108;
	s8 =	sld [smem:$0x3FB6]  }
0x2e: {  	s3 =	simm.s32 @!p0 $0x1082;
	s9 =	sld [smem:$0x3FB7]  }
0x2f: {  	lr =	sadd.s32 s0, s3;
	s0 =	sld [smem:$0x3FAE]  }
0x30: {  	s3 =	sld [smem:$0x3FB1]  }
0x31: {  	[smem:$0x3FBA] =	sst s10  }
0x32: {  	s10 =	sld [smem:$0x3FB8];
	_ =	sdelay $0x3  }
0x33: {  	p0 =	seq.s32 s10, $0x1;
	s10 =	sld [smem:$0x3FBA];
	_ =	sdelay $0x3  }
0x34: {  	[smem:$0x3FBA] =	sst s10  }
0x35: {  	s10 =	sld [smem:$0x3FB9];
	_ =	sdelay $0x3  }
0x36: {  	p1 =	seq.s32 s10, $0x1;
	s10 =	sld [smem:$0x3FBA];
	_ =	sdelay $0x3  }
0x37: {  	[smem:$0x3FBA] =	sst s10  }
0x38: {  	s10 =	sld [smem:$0x3FBB]  }
0x39: {  	_ = 	snop;
	(pc) =	sbr.ind lr, $3  }
0x3a: {  	_ = 	snop  }
0x3b: {  	_ = 	snop  }
0x3c: {  	p2 =	seq.s32 s10, $0x1;
	s10 =	sld [smem:$0x3FBA]  }
0x3d: {  	_ =	shalt  }
0x3e: {  	_ =	shalt  }
0x3f: {  	_ =	shalt  }
0x40: {  	_ =	shalt  }
0x41: {  	_ =	shalt  }
0x42: {  	_ =	shalt  }
0x43: {  	_ =	shalt  }
0x44: {  	_ =	shalt  }
0x45: {  	_ =	shalt  }
0x46: {  	_ =	shalt  }
0x47: {  	_ =	shalt  }
0x48: {  	_ =	shalt  }
0x49: {  	_ =	shalt  }
0x4a: {  	_ =	shalt  }
0x4b: {  	_ =	shalt  }
0x4c: {  	_ =	shalt  }
0x4d: {  	_ =	shalt  }
0x4e: {  	_ =	shalt  }
0x4f: {  	_ =	shalt  }
0x50: {  	_ =	shalt  }
0x51: {  	_ =	shalt  }
0x52: {  	_ =	shalt  }
0x53: {  	_ =	shalt  }
0x54: {  	_ =	shalt  }
0x55: {  	_ =	shalt  }
0x56: {  	_ =	shalt  }
0x57: {  	_ =	shalt  }
0x58: {  	_ =	shalt  }
0x59: {  	_ =	shalt  }
0x5a: {  	_ =	shalt  }
0x5b: {  	_ =	shalt  }
0x5c: {  	_ =	shalt  }
0x5d: {  	_ =	shalt  }
0x5e: {  	_ =	shalt  }
0x5f: {  	_ =	shalt  }
0x60: {  	_ =	shalt  }
0x61: {  	_ =	shalt  }
0x62: {  	_ =	shalt  }
0x63: {  	_ =	shalt  }
0x64: {  	_ =	shalt  }
0x65: {  	_ =	shalt  }
0x66: {  	_ =	shalt  }
0x67: {  	_ =	shalt  }
0x68: {  	_ =	shalt  }
0x69: {  	_ =	shalt  }
0x6a: {  	_ =	shalt  }
0x6b: {  	_ =	shalt  }
0x6c: {  	_ =	shalt  }
0x6d: {  	_ =	shalt  }
0x6e: {  	_ =	shalt  }
0x6f: {  	_ =	shalt  }
0x70: {  	_ =	shalt  }
0x71: {  	_ =	shalt  }
0x72: {  	_ =	shalt  }
0x73: {  	_ =	shalt  }
0x74: {  	_ =	shalt  }
0x75: {  	_ =	shalt  }
0x76: {  	_ =	shalt  }
0x77: {  	_ =	shalt  }
0x78: {  	_ =	shalt  }
0x79: {  	_ =	shalt  }
0x7a: {  	_ =	shalt  }
0x7b: {  	_ =	shalt  }
0x7c: {  	_ =	shalt  }
0x7d: {  	_ =	shalt  }
0x7e: {  	_ =	shalt  }
0x7f: {  	_ =	shalt  }
0x80: {  	_ =	shalt  }
0x81: {  	_ =	shalt  }
0x82: {  	_ =	shalt  }
0x83: {  	_ =	shalt  }
0x84: {  	_ =	shalt  }
0x85: {  	_ =	shalt  }
0x86: {  	_ =	shalt  }
0x87: {  	_ =	shalt  }
.Lfunc_end0:
.L_simem_size_0:
called_computation_lowered:
.L_overlay_start_0:
0x88: {  	s0 =	sld [smem:$0x3FD9]  }
0x89: {  	s1 =	sld [smem:$0x3FFE];
	_ =	sdelay $0x3  }
0x8a: {  	s0 =	sadd.s32 s1, s0  }
0x8b: {  	[smem:$0x3FC6] =	sst s0  }
0x8c: {  	_ = 	snop  }
0x8d: {  	s0 =	sld [smem:$0x3FC9]  }
0x8e: {  	s17 =	sld [smem:$0x3FC8]  }
0x8f: {  	s2 =	sld [smem:$0x3FD0];
	(tm) =	ssettm $0x1  }
0x90: {  	s3 =	sld [smem:$0x3FFB];
	_ =	sdelay $0x3  }
0x91: {  	_ =	strace s3  }
0x92: {  	s3 =	sld [smem:$0x3FFC];
	_ =	sdelay $0x3  }
0x93: {  	_ =	strace s3  }
0x94: {  	s3 =	sld [smem:$0x3FFD];
	_ =	sdelay $0x3  }
0x95: {  	_ =	strace s3  }
0x96: {  	_ =	strace $0x8FFFFFFF  }
0x97: {  	s18 =	sld [smem:$0x3FDB];
	_ =	sdelay $0x1  }
0x98: {  	s4 =	simm.s32 $_scs_section_size  }
0x99: {  	s5 =	simm.s32 $_size__tile_overlayer_lowered;
	s6 =	simm.s32 $_tile_overlayer_lowered  }
0x9a: {  	s21 =	simm.s32 $0x1BFF;
	s20 =	sshll.u32 s6, $0x1;
	s3 =	sadd.s32 s4, s18  }
0x9b: {  	s7 =	simm.s32 $0x0;
	s19 =	sshll.u32 s5, $0x1;
	s5 =	sadd.s32 s20, s3  }
0x9c: {  	[timem:s7], [sflag:s21] =	dma.local [hbm:s5], s19  }
0x9d: {  	_ =	swait.ge [sflag:s21], s19  }
0x9e: {  	s4 =	ssub.s32 $0x0, s19;
	[sflag:s21] =	ssyncset.done $0x0  }
0x9f: {  	[sflag:s21] =	ssyncadd.s32 s4;
	_ =	sdelay $0x1  }
0xa0: {  	s22 =	simm.s32 $0x1B8B  }
0xa1: {  	_ =	swait.ge [sflag:s22], $0x1  }
0xa2: {  	[sflag:s22] =	ssyncset.done $0x0  }
0xa3: {  	s23 =	simm.s32 $0x1B8E;
	[sflag:s22] =	ssyncadd.s32 $0xFFFFFFFF  }
0xa4: {  	s24 =	simm.s32 $execute0_lowered;
	[smem:$0x3FD2] =	sst s23  }
0xa5: {  	s4 =	sshll.u32 s24, $0x1;
	_ =	strace $0x80000046;
	[dreg:$0x1] =	wrdreg $0xFFFFFFFF  }
0xa6: {  	s25 =	simm.s32 $_size_execute0_lowered;
	s3 =	sadd.s32 s3, s4;
	[dreg:$0x0] =	wrdreg $0x0  }
0xa7: {  	s4 =	sshll.u32 s25, $0x1;
	[dreg:$0x2] =	wrdreg s3  }
0xa8: {  	[dreg:$0x3] =	wrdreg s4  }
0xa9: {  	[dreg:$0x4] =	wrdreg $0xC0  }
0xaa: {  	_ =	task [dreg:s7], $0x5FFFF  }
0xab: {  	[dreg:$0x1] =	wrdreg $0xFFFFFFFF  }
0xac: {  	[dreg:$0x0] =	wrdreg $0x60  }
0xad: {  	[dreg:$0x2] =	wrdreg s0  }
0xae: {  	[dreg:$0x3] =	wrdreg s17  }
0xaf: {  	[dreg:$0x4] =	wrdreg s2  }
0xb0: {  	[dreg:$0x5] =	wrdreg $0xE000  }
0xb1: {  	[dreg:$0x6] =	wrdreg $0x9  }
0xb2: {  	_ =	task.clear_ibuf [dreg:s7], $0x7FFFF;
	_ =	strace $0x90000046  }
0xb3: {  	s26 =	simm.s32 $0x9;
	_ =	strace $0x80000048  }
0xb4: {  	_ =	swait.ge [sflag:s26], $0x1  }
0xb5: {  	[sflag:s26] =	ssyncadd.s32 $0xFFFFFFFF  }
0xb6: {  	_ =	strace $0x90000048  }
0xb7: {  	_ =	sfence  }
0xb8: {  	s28 =	sld [smem:$0x0];
	_ =	sdelay $0x1  }
0xb9: {  	s29 =	srdreg.scid  }
0xba: {  	s30 =	sshll.u32 s29, $0xD;
	s31 =	sshrl.u32 s29, $0x2  }
0xbb: {  	s1 =	sand.u32 $0x1, s29;
	s2 =	sand.u32 $0x4000, s30;
	s0 =	sadd.s32 s31, s28  }
0xbc: {  	s1 =	sor.u32 s2, s1;
	s0 =	sshll.u32 s0, $0x11  }
0xbd: {  	s0 =	sor.u32 s0, s1  }
0xbe: {  	s0 =	sadd.s32 $0x8F2B, s0  }
0xbf: {  	[sflag:s0] =	ssyncadd.remote.s32 $0x1  }
0xc0: {  	_ =	sfence.sel $0xFFFF  }
0xc1: {  	[dreg:$0x0] =	wrdreg $0xFFFFFFFF;
	(pc) =	sbr.abs _section_cstart, $3  }
0xc2: {  	[dreg:$0x1] =	wrdreg $0xFFFFFFFF  }
0xc3: {  	_ =	task.clear_ibuf [dreg:s7], $0x2FFFF;
	_ =	strace $0x9FFFFFFF  }
0xc4: {  	(tm) =	ssettm $0x7FFFFFFF  }
0xc5: {  	_ =	shalt  }
tec
execute0_lowered:
.L_overlay_start_1:
0x0: {  	(tag) =	ssettag $0x1  }
0x1: {  	s4 =	rddreg [dreg:$0x0]  }
0x2: {  	s5 =	rddreg [dreg:$0x1]  }
0x3: {  	s1 =	rddreg [dreg:$0x2]  }
0x4: {  	s2 =	rddreg [dreg:$0x3];
	s9 =	simm.s32 $0x0;
	s3 =	stileid.u32  }
0x5: {  	[smem:$0x7FF] =	sst s9;
	s6 =	sshll.u32 s3, $0x8  }
0x6: {  	s0 =	rddreg [dreg:$0x4];
	_ =	strace $0x80000047;
	s4 =	sadd.s32 s4, s6  }
0x7: {  	[tilespmem:s9], [sflag:$0x1] =	stream.linear.gather [hbm4b:s4+s9], $0x800, $0x38;
	[tilespmem:$0xE20] =	vst v63  }
0x8: {  	s30 =	simm.s32 $0x880;
	s31 =	simm.s32 $0x2  }
0x9: {  	[tilespmem:s30], [sflag:$0x2] =	stream.linear.gather [hbm4b:s5+s9], $0x80, $0x38;
	[tilespmem:$0xE20] =	vst v63  }
0xa: {  	_ =	swait.ge [sflag:s31], $0x80  }
0xb: {  	[sflag:s31] =	ssyncset.done $0x0  }
0xc: {  	[sflag:s31] =	ssyncadd.s32 $0xFFFFFF80  }
0xd: {  	v0 =	vld [tilespmem:$0x880];
	_ =	sdelay $0x2  }
0xe: {  	s11 =	simm.s32 $0x1  }
0xf: {  	_ =	swait.ge [sflag:s11], $0x800  }
0x10: {  	(v2sf) =	vpush v0, $0x0;
	_ =	sdelay $0xd  }
0x11: {  	s5 =	sshll.u32 s3, $0xB  }
0x12: {  	s4 =	sadd.s32 $0x800, s5;
	s7 =	spop (v2sf)  }
0x13: {  	s10 =	smov.u32 s4;
	p0 =	slt.s32 s7, s4  }
0x14: {  	s10 =	smov.u32 @p0 s7  }
0x15: {  	s8 =	sadd.s32 $0xF, s10  }
0x16: {  	s6 =	sshll.u32 s3, $0x7;
	s8 =	sshrl.u32 s8, $0x4  }
0x17: {  	s8 =	ssub.s32 s8, s6  }
0x18: {  	p0 =	slt.s32 s8, $0x1  }
.Ltmp0:
0x19: {  	_ = 	snop;
	(pc) =	sbr.rel @p0 .LBB2_4-.Ltmp0, $3  }
0x1a: {  	_ =	sdelay $0x1  }
0x1b: {  	v2 =	vimm.s32 $0x8000;
	[sflag:s11] =	ssyncset.done $0x0  }
0x1c: {  	v1 =	vimm.f32 $-Inf;
	v3 =	vimm.f32 $-Inf;
	v4 =	vimm.s32 $0x8000;
	[sflag:s11] =	ssyncadd.s32 $0xFFFFF800  }
0x1d: {  	s8 =	sadd.s32 $0x1, s8  }
0x1e: {  	s12 =	sshrl.u32 s8, $0x1  }
0x1f: {  	s11 =	sadd.s32 $0x0, s5;
	p0 =	sne.s32 s12, $0x1  }
.Ltmp1:
0x20: {  	s29 =	sand.u32 $0xFFFFFFE0, s9;
	s8 =	sadd.s32 $0x10, s11;
	(pc) =	sbr.rel @!p0 .LBB2_3-.Ltmp1, $4  }
0x21: {  	s30 =	sand.u32 $0xFFFFFF80, s9;
	v7 =	vld [tilespmem:s29+$0x0];
	s13 =	sand.u32 $0x70, s8  }
0x22: {  	v3 =	vmov s10;
	v4 =	vlaneseq.u32;
	s31 =	sor.u32 s13, s30  }
0x23: {  	v6 =	vmov s5;
	v9 =	vimm.f32 $-Inf;
	v5 =	vor.u32 s11, v4;
	v8 =	vld [tilespmem:s31+$0x0]  }
0x24: {  	v10 =	vimm.s32 $0x8000;
	s10 =	simm.s32 $0x20;
	s9 =	sadd.s32 $0xFFFFFFFF, s12;
	vm0 =	vge.s32 v5, v6;
	vm1 =	vlt.s32 v5, v3  }
.LBB2_2:
0x25: {  	s11 =	sadd.s32 s10, s5;
	p0 =	sne.s32 s9, $0x1;
	s9 =	sadd.s32 $0xFFFFFFFF, s9;
	vm0 =	vmand vm0, vm1;
	v11 =	vor.u32 s8, v4  }
.Ltmp2:
0x26: {  	s12 =	sand.u32 $0xFFFFFFE0, s10;
	s8 =	sadd.s32 $0x10, s11;
	v12 =	vnsel vm0, $0xFF800000, v7;
	vm0 =	vge.s32 v11, v6;
	vm1 =	vlt.s32 v11, v3;
	(pc) =	sbr.rel @p0 .LBB2_2-.Ltmp2, $4  }
0x27: {  	s13 =	sand.u32 $0xFFFFFF80, s10;
	v13 =	vor.u32 s11, v4;
	v7 =	vld [tilespmem:s12+$0x0];
	s11 =	sand.u32 $0x70, s8;
	vm2 =	vgt.f32 v12, v9;
	vm0 =	vmand vm0, vm1  }
0x28: {  	s11 =	sor.u32 s11, s13;
	v9 =	vsel vm2, v12, v9;
	v10 =	vsel vm2, v5, v10;
	v12 =	vnsel vm0, $0xFF800000, v8;
	v5 =	vmovc v13  }
0x29: {  	vm0 =	vge.s32 v5, v6;
	v8 =	vld [tilespmem:s11+$0x0];
	vm2 =	vgt.f32 v12, v9  }
0x2a: {  	s10 =	sadd.s32 $0x20, s10;
	vm1 =	vlt.s32 v5, v3;
	v9 =	vsel vm2, v12, v9;
	v10 =	vsel vm2, v11, v10  }
.LBB2_3:
0x2b: {  	vm0 =	vmand vm0, vm1;
	v4 =	vor.u32 s8, v4  }
0x2c: {  	v7 =	vnsel vm0, $0xFF800000, v7;
	vm14 =	vge.s32 v4, v6;
	vm15 =	vlt.s32 v4, v3  }
0x2d: {  	vm2 =	vgt.f32 v7, v9;
	vm0 =	vmand vm14, vm15  }
0x2e: {  	v3 =	vsel vm2, v7, v9;
	v6 =	vnsel vm0, $0xFF800000, v8  }
0x2f: {  	v5 =	vsel vm2, v5, v10;
	vm0 =	vgt.f32 v6, v3  }
0x30: {  	v3 =	vsel vm0, v6, v3;
	v4 =	vsel vm0, v4, v5  }
.LBB2_4:
0x31: {  	(v2sf) =	vpush v0, $0x1;
	_ =	sdelay $0xe  }
0x32: {  	s8 =	spop (v2sf)  }
0x33: {  	s11 =	smov.u32 s4;
	p0 =	slt.s32 s8, s4  }
0x34: {  	p1 =	sgt.s32 s7, s5;
	s12 =	smov.u32 s5;
	s11 =	smov.u32 @p0 s8  }
0x35: {  	s12 =	smov.u32 @p1 s7;
	s31 =	sadd.s32 $0xF, s11  }
0x36: {  	s9 =	sshrl.u32 s12, $0x4;
	s7 =	sshrl.u32 s31, $0x4  }
0x37: {  	s7 =	ssub.s32 s7, s9  }
0x38: {  	p0 =	slt.s32 s7, $0x1  }
.Ltmp3:
0x39: {  	_ = 	snop;
	(pc) =	sbr.rel @p0 .LBB2_8-.Ltmp3, $3  }
0x3a: {  	_ =	sdelay $0x1  }
0x3b: {  	[tilespmem:$0xC00] =	vst v3  }
0x3c: {  	[tilespmem:$0xD00] =	vst v4  }
0x3d: {  	s7 =	sadd.s32 $0x1, s7  }
0x3e: {  	s9 =	sshrl.u32 s7, $0x1  }
0x3f: {  	s13 =	sand.u32 $0x7FFFFFF0, s12;
	s7 =	ssub.s32 $0x0, s5;
	s9 =	ssub.s32 $0x0, s9  }
0x40: {  	s16 =	sand.u32 $0x70, s13;
	s14 =	sadd.s32 s13, s7;
	s9 =	sadd.s32 $0x1, s9  }
0x41: {  	s10 =	sadd.s32 $0x10, s13;
	s15 =	sand.u32 $0xFFFFFF80, s14;
	p0 =	seq.s32 s9, $0x0  }
.Ltmp4:
0x42: {  	s14 =	sadd.s32 $0x10, s14;
	s29 =	sor.u32 s16, s15;
	(pc) =	sbr.rel @p0 .LBB2_7-.Ltmp4, $4  }
0x43: {  	s30 =	sand.u32 $0x70, s10;
	s14 =	sand.u32 $0xFFFFFF80, s14;
	v8 =	vld [tilespmem:s29+$0x0]  }
0x44: {  	v1 =	vmov s12;
	v2 =	vlaneseq.u32;
	s31 =	sor.u32 s30, s14  }
0x45: {  	v3 =	vmov s11;
	v5 =	vimm.f32 $-Inf;
	v4 =	vor.u32 s13, v2;
	v6 =	vld [tilespmem:s31+$0x0]  }
0x46: {  	v7 =	vimm.s32 $0x8000;
	s11 =	sadd.s32 $0x20, s13;
	vm0 =	vge.s32 v4, v1;
	vm1 =	vlt.s32 v4, v3  }
.LBB2_6:
0x47: {  	s12 =	sadd.s32 s11, s7;
	s9 =	sadd.s32 $0x1, s9;
	vm0 =	vmand vm0, vm1;
	v9 =	vor.u32 s10, v2;
	s13 =	sand.u32 $0x70, s11  }
0x48: {  	s10 =	sand.u32 $0xFFFFFF80, s12;
	p0 =	seq.s32 s9, $0x0;
	v10 =	vnsel vm0, $0xFF800000, v8;
	vm0 =	vge.s32 v9, v1;
	vm1 =	vlt.s32 v9, v3;
	s12 =	sadd.s32 $0x10, s12  }
.Ltmp5:
0x49: {  	s13 =	sor.u32 s13, s10;
	s10 =	sadd.s32 $0x10, s11;
	vm2 =	vgt.f32 v10, v5;
	vm0 =	vmand vm0, vm1;
	(pc) =	sbr.rel @!p0 .LBB2_6-.Ltmp5, $4  }
0x4a: {  	s12 =	sand.u32 $0xFFFFFF80, s12;
	v8 =	vld [tilespmem:s13+$0x0];
	s13 =	sand.u32 $0x70, s10;
	v5 =	vsel vm2, v10, v5;
	v7 =	vsel vm2, v4, v7;
	v10 =	vnsel vm0, $0xFF800000, v6  }
0x4b: {  	s12 =	sor.u32 s13, s12;
	vm0 =	vgt.f32 v10, v5  }
0x4c: {  	v4 =	vor.u32 s11, v2;
	v6 =	vld [tilespmem:s12+$0x0];
	v5 =	vsel vm0, v10, v5;
	v7 =	vsel vm0, v9, v7  }
0x4d: {  	s11 =	sadd.s32 $0x20, s11;
	vm1 =	vlt.s32 v4, v3;
	vm0 =	vge.s32 v4, v1  }
.LBB2_7:
0x4e: {  	vm0 =	vmand vm0, vm1;
	v2 =	vor.u32 s10, v2  }
0x4f: {  	v8 =	vnsel vm0, $0xFF800000, v8;
	vm14 =	vge.s32 v2, v1;
	vm15 =	vlt.s32 v2, v3  }
0x50: {  	vm2 =	vgt.f32 v8, v5;
	vm0 =	vmand vm14, vm15  }
0x51: {  	v1 =	vsel vm2, v8, v5;
	v3 =	vnsel vm0, $0xFF800000, v6  }
0x52: {  	v4 =	vsel vm2, v4, v7;
	vm0 =	vgt.f32 v3, v1  }
0x53: {  	v1 =	vsel vm0, v3, v1;
	v2 =	vsel vm0, v2, v4  }
.LBB2_8:
0x54: {  	(v2sf) =	vpush v0, $0x2;
	_ =	sdelay $0xe  }
0x55: {  	s7 =	spop (v2sf)  }
0x56: {  	s11 =	smov.u32 s4;
	p0 =	slt.s32 s7, s4  }
0x57: {  	s12 =	smov.u32 s5;
	s11 =	smov.u32 @p0 s7;
	p0 =	sgt.s32 s8, s5  }
0x58: {  	s12 =	smov.u32 @p0 s8;
	s31 =	sadd.s32 $0xF, s11  }
0x59: {  	s9 =	sshrl.u32 s12, $0x4;
	s8 =	sshrl.u32 s31, $0x4  }
0x5a: {  	s8 =	ssub.s32 s8, s9  }
0x5b: {  	p0 =	slt.s32 s8, $0x1  }
.Ltmp6:
0x5c: {  	_ = 	snop;
	(pc) =	sbr.rel @p0 .LBB2_12-.Ltmp6, $3  }
0x5d: {  	_ =	sdelay $0x1  }
0x5e: {  	[tilespmem:$0xC10] =	vst v1;
	v1 =	vimm.s32 $0x8000  }
0x5f: {  	[tilespmem:$0xD10] =	vst v2;
	v2 =	vimm.f32 $-Inf;
	v3 =	vimm.f32 $-Inf;
	v4 =	vimm.s32 $0x8000  }
0x60: {  	s8 =	sadd.s32 $0x1, s8  }
0x61: {  	s9 =	sshrl.u32 s8, $0x1  }
0x62: {  	s13 =	sand.u32 $0x7FFFFFF0, s12;
	s8 =	ssub.s32 $0x0, s5;
	s9 =	ssub.s32 $0x0, s9  }
0x63: {  	s16 =	sand.u32 $0x70, s13;
	s14 =	sadd.s32 s13, s8;
	s9 =	sadd.s32 $0x1, s9  }
0x64: {  	s10 =	sadd.s32 $0x10, s13;
	s15 =	sand.u32 $0xFFFFFF80, s14;
	p0 =	seq.s32 s9, $0x0  }
.Ltmp7:
0x65: {  	s14 =	sadd.s32 $0x10, s14;
	s29 =	sor.u32 s16, s15;
	(pc) =	sbr.rel @p0 .LBB2_11-.Ltmp7, $4  }
0x66: {  	s30 =	sand.u32 $0x70, s10;
	s14 =	sand.u32 $0xFFFFFF80, s14;
	v10 =	vld [tilespmem:s29+$0x0]  }
0x67: {  	v3 =	vmov s12;
	v4 =	vlaneseq.u32;
	s31 =	sor.u32 s30, s14  }
0x68: {  	v5 =	vmov s11;
	v7 =	vimm.f32 $-Inf;
	v6 =	vor.u32 s13, v4;
	v8 =	vld [tilespmem:s31+$0x0]  }
0x69: {  	v9 =	vimm.s32 $0x8000;
	s11 =	sadd.s32 $0x20, s13;
	vm0 =	vge.s32 v6, v3;
	vm1 =	vlt.s32 v6, v5  }
.LBB2_10:
0x6a: {  	s12 =	sadd.s32 s11, s8;
	s9 =	sadd.s32 $0x1, s9;
	vm0 =	vmand vm0, vm1;
	v11 =	vor.u32 s10, v4;
	s13 =	sand.u32 $0x70, s11  }
0x6b: {  	s10 =	sand.u32 $0xFFFFFF80, s12;
	p0 =	seq.s32 s9, $0x0;
	v12 =	vnsel vm0, $0xFF800000, v10;
	vm0 =	vge.s32 v11, v3;
	vm1 =	vlt.s32 v11, v5;
	s12 =	sadd.s32 $0x10, s12  }
.Ltmp8:
0x6c: {  	s13 =	sor.u32 s13, s10;
	s10 =	sadd.s32 $0x10, s11;
	vm2 =	vgt.f32 v12, v7;
	vm0 =	vmand vm0, vm1;
	(pc) =	sbr.rel @!p0 .LBB2_10-.Ltmp8, $4  }
0x6d: {  	s12 =	sand.u32 $0xFFFFFF80, s12;
	v10 =	vld [tilespmem:s13+$0x0];
	s13 =	sand.u32 $0x70, s10;
	v7 =	vsel vm2, v12, v7;
	v9 =	vsel vm2, v6, v9;
	v12 =	vnsel vm0, $0xFF800000, v8  }
0x6e: {  	s12 =	sor.u32 s13, s12;
	vm0 =	vgt.f32 v12, v7  }
0x6f: {  	v6 =	vor.u32 s11, v4;
	v8 =	vld [tilespmem:s12+$0x0];
	v7 =	vsel vm0, v12, v7;
	v9 =	vsel vm0, v11, v9  }
0x70: {  	s11 =	sadd.s32 $0x20, s11;
	vm1 =	vlt.s32 v6, v5;
	vm0 =	vge.s32 v6, v3  }
.LBB2_11:
0x71: {  	vm0 =	vmand vm0, vm1;
	v4 =	vor.u32 s10, v4  }
0x72: {  	v10 =	vnsel vm0, $0xFF800000, v10;
	vm14 =	vge.s32 v4, v3;
	vm15 =	vlt.s32 v4, v5  }
0x73: {  	vm2 =	vgt.f32 v10, v7;
	vm0 =	vmand vm14, vm15  }
0x74: {  	v3 =	vsel vm2, v10, v7;
	v5 =	vnsel vm0, $0xFF800000, v8  }
0x75: {  	v6 =	vsel vm2, v6, v9;
	vm0 =	vgt.f32 v5, v3  }
0x76: {  	v3 =	vsel vm0, v5, v3;
	v4 =	vsel vm0, v4, v6  }
.LBB2_12:
0x77: {  	(v2sf) =	vpush v0, $0x3;
	_ =	sdelay $0xe  }
0x78: {  	s8 =	spop (v2sf)  }
0x79: {  	s11 =	smov.u32 s4;
	p0 =	slt.s32 s8, s4  }
0x7a: {  	p1 =	sgt.s32 s7, s5;
	s12 =	smov.u32 s5;
	s11 =	smov.u32 @p0 s8  }
0x7b: {  	s12 =	smov.u32 @p1 s7;
	s31 =	sadd.s32 $0xF, s11  }
0x7c: {  	s9 =	sshrl.u32 s12, $0x4;
	s7 =	sshrl.u32 s31, $0x4  }
0x7d: {  	s7 =	ssub.s32 s7, s9  }
0x7e: {  	p0 =	slt.s32 s7, $0x1  }
.Ltmp9:
0x7f: {  	_ = 	snop;
	(pc) =	sbr.rel @p0 .LBB2_16-.Ltmp9, $3  }
0x80: {  	_ =	sdelay $0x1  }
0x81: {  	[tilespmem:$0xC20] =	vst v3  }
0x82: {  	[tilespmem:$0xD20] =	vst v4  }
0x83: {  	s7 =	sadd.s32 $0x1, s7  }
0x84: {  	s9 =	sshrl.u32 s7, $0x1  }
0x85: {  	s13 =	sand.u32 $0x7FFFFFF0, s12;
	s7 =	ssub.s32 $0x0, s5;
	s9 =	ssub.s32 $0x0, s9  }
0x86: {  	s16 =	sand.u32 $0x70, s13;
	s14 =	sadd.s32 s13, s7;
	s9 =	sadd.s32 $0x1, s9  }
0x87: {  	s10 =	sadd.s32 $0x10, s13;
	s15 =	sand.u32 $0xFFFFFF80, s14;
	p0 =	seq.s32 s9, $0x0  }
.Ltmp10:
0x88: {  	s14 =	sadd.s32 $0x10, s14;
	s29 =	sor.u32 s16, s15;
	(pc) =	sbr.rel @p0 .LBB2_15-.Ltmp10, $4  }
0x89: {  	s30 =	sand.u32 $0x70, s10;
	s14 =	sand.u32 $0xFFFFFF80, s14;
	v8 =	vld [tilespmem:s29+$0x0]  }
0x8a: {  	v1 =	vmov s12;
	v2 =	vlaneseq.u32;
	s31 =	sor.u32 s30, s14  }
0x8b: {  	v3 =	vmov s11;
	v5 =	vimm.f32 $-Inf;
	v4 =	vor.u32 s13, v2;
	v6 =	vld [tilespmem:s31+$0x0]  }
0x8c: {  	v7 =	vimm.s32 $0x8000;
	s11 =	sadd.s32 $0x20, s13;
	vm0 =	vge.s32 v4, v1;
	vm1 =	vlt.s32 v4, v3  }
.LBB2_14:
0x8d: {  	s12 =	sadd.s32 s11, s7;
	s9 =	sadd.s32 $0x1, s9;
	vm0 =	vmand vm0, vm1;
	v9 =	vor.u32 s10, v2;
	s13 =	sand.u32 $0x70, s11  }
0x8e: {  	s10 =	sand.u32 $0xFFFFFF80, s12;
	p0 =	seq.s32 s9, $0x0;
	v10 =	vnsel vm0, $0xFF800000, v8;
	vm0 =	vge.s32 v9, v1;
	vm1 =	vlt.s32 v9, v3;
	s12 =	sadd.s32 $0x10, s12  }
.Ltmp11:
0x8f: {  	s13 =	sor.u32 s13, s10;
	s10 =	sadd.s32 $0x10, s11;
	vm2 =	vgt.f32 v10, v5;
	vm0 =	vmand vm0, vm1;
	(pc) =	sbr.rel @!p0 .LBB2_14-.Ltmp11, $4  }
0x90: {  	s12 =	sand.u32 $0xFFFFFF80, s12;
	v8 =	vld [tilespmem:s13+$0x0];
	s13 =	sand.u32 $0x70, s10;
	v5 =	vsel vm2, v10, v5;
	v7 =	vsel vm2, v4, v7;
	v10 =	vnsel vm0, $0xFF800000, v6  }
0x91: {  	s12 =	sor.u32 s13, s12;
	vm0 =	vgt.f32 v10, v5  }
0x92: {  	v4 =	vor.u32 s11, v2;
	v6 =	vld [tilespmem:s12+$0x0];
	v5 =	vsel vm0, v10, v5;
	v7 =	vsel vm0, v9, v7  }
0x93: {  	s11 =	sadd.s32 $0x20, s11;
	vm1 =	vlt.s32 v4, v3;
	vm0 =	vge.s32 v4, v1  }
.LBB2_15:
0x94: {  	vm0 =	vmand vm0, vm1;
	v9 =	vor.u32 s10, v2  }
0x95: {  	v2 =	vnsel vm0, $0xFF800000, v8;
	vm14 =	vge.s32 v9, v1;
	vm15 =	vlt.s32 v9, v3  }
0x96: {  	vm2 =	vgt.f32 v2, v5;
	vm0 =	vmand vm14, vm15  }
0x97: {  	v1 =	vsel vm2, v2, v5;
	v2 =	vnsel vm0, $0xFF800000, v6  }
0x98: {  	v3 =	vsel vm2, v4, v7;
	vm0 =	vgt.f32 v2, v1  }
0x99: {  	v2 =	vsel vm0, v2, v1;
	v1 =	vsel vm0, v9, v3  }
.LBB2_16:
0x9a: {  	(v2sf) =	vpush v0, $0x4;
	_ =	sdelay $0xe  }
0x9b: {  	s7 =	spop (v2sf)  }
0x9c: {  	s11 =	smov.u32 s4;
	p0 =	slt.s32 s7, s4  }
0x9d: {  	s12 =	smov.u32 s5;
	s11 =	smov.u32 @p0 s7;
	p0 =	sgt.s32 s8, s5  }
0x9e: {  	s12 =	smov.u32 @p0 s8;
	s31 =	sadd.s32 $0xF, s11  }
0x9f: {  	s9 =	sshrl.u32 s12, $0x4;
	s8 =	sshrl.u32 s31, $0x4  }
0xa0: {  	s8 =	ssub.s32 s8, s9  }
0xa1: {  	p0 =	slt.s32 s8, $0x1  }
.Ltmp12:
0xa2: {  	_ = 	snop;
	(pc) =	sbr.rel @p0 .LBB2_20-.Ltmp12, $3  }
0xa3: {  	_ =	sdelay $0x1  }
0xa4: {  	[tilespmem:$0xC30] =	vst v2;
	v2 =	vimm.s32 $0x8000  }
0xa5: {  	[tilespmem:$0xD30] =	vst v1;
	v1 =	vimm.f32 $-Inf;
	v3 =	vimm.f32 $-Inf;
	v4 =	vimm.s32 $0x8000  }
0xa6: {  	s8 =	sadd.s32 $0x1, s8  }
0xa7: {  	s9 =	sshrl.u32 s8, $0x1  }
0xa8: {  	s13 =	sand.u32 $0x7FFFFFF0, s12;
	s8 =	ssub.s32 $0x0, s5;
	s9 =	ssub.s32 $0x0, s9  }
0xa9: {  	s16 =	sand.u32 $0x70, s13;
	s14 =	sadd.s32 s13, s8;
	s9 =	sadd.s32 $0x1, s9  }
0xaa: {  	s10 =	sadd.s32 $0x10, s13;
	s15 =	sand.u32 $0xFFFFFF80, s14;
	p0 =	seq.s32 s9, $0x0  }
.Ltmp13:
0xab: {  	s14 =	sadd.s32 $0x10, s14;
	s29 =	sor.u32 s16, s15;
	(pc) =	sbr.rel @p0 .LBB2_19-.Ltmp13, $4  }
0xac: {  	s30 =	sand.u32 $0x70, s10;
	s14 =	sand.u32 $0xFFFFFF80, s14;
	v10 =	vld [tilespmem:s29+$0x0]  }
0xad: {  	v3 =	vmov s12;
	v4 =	vlaneseq.u32;
	s31 =	sor.u32 s30, s14  }
0xae: {  	v5 =	vmov s11;
	v7 =	vimm.f32 $-Inf;
	v6 =	vor.u32 s13, v4;
	v8 =	vld [tilespmem:s31+$0x0]  }
0xaf: {  	v9 =	vimm.s32 $0x8000;
	s11 =	sadd.s32 $0x20, s13;
	vm0 =	vge.s32 v6, v3;
	vm1 =	vlt.s32 v6, v5  }
.LBB2_18:
0xb0: {  	s12 =	sadd.s32 s11, s8;
	s9 =	sadd.s32 $0x1, s9;
	vm0 =	vmand vm0, vm1;
	v11 =	vor.u32 s10, v4;
	s13 =	sand.u32 $0x70, s11  }
0xb1: {  	s10 =	sand.u32 $0xFFFFFF80, s12;
	p0 =	seq.s32 s9, $0x0;
	v12 =	vnsel vm0, $0xFF800000, v10;
	vm0 =	vge.s32 v11, v3;
	vm1 =	vlt.s32 v11, v5;
	s12 =	sadd.s32 $0x10, s12  }
.Ltmp14:
0xb2: {  	s13 =	sor.u32 s13, s10;
	s10 =	sadd.s32 $0x10, s11;
	vm2 =	vgt.f32 v12, v7;
	vm0 =	vmand vm0, vm1;
	(pc) =	sbr.rel @!p0 .LBB2_18-.Ltmp14, $4  }
0xb3: {  	s12 =	sand.u32 $0xFFFFFF80, s12;
	v10 =	vld [tilespmem:s13+$0x0];
	s13 =	sand.u32 $0x70, s10;
	v7 =	vsel vm2, v12, v7;
	v9 =	vsel vm2, v6, v9;
	v12 =	vnsel vm0, $0xFF800000, v8  }
0xb4: {  	s12 =	sor.u32 s13, s12;
	vm0 =	vgt.f32 v12, v7  }
0xb5: {  	v6 =	vor.u32 s11, v4;
	v8 =	vld [tilespmem:s12+$0x0];
	v7 =	vsel vm0, v12, v7;
	v9 =	vsel vm0, v11, v9  }
0xb6: {  	s11 =	sadd.s32 $0x20, s11;
	vm1 =	vlt.s32 v6, v5;
	vm0 =	vge.s32 v6, v3  }
.LBB2_19:
0xb7: {  	vm0 =	vmand vm0, vm1;
	v4 =	vor.u32 s10, v4  }
0xb8: {  	v10 =	vnsel vm0, $0xFF800000, v10;
	vm14 =	vge.s32 v4, v3;
	vm15 =	vlt.s32 v4, v5  }
0xb9: {  	vm2 =	vgt.f32 v10, v7;
	vm0 =	vmand vm14, vm15  }
0xba: {  	v3 =	vsel vm2, v10, v7;
	v5 =	vnsel vm0, $0xFF800000, v8  }
0xbb: {  	v6 =	vsel vm2, v6, v9;
	vm0 =	vgt.f32 v5, v3  }
0xbc: {  	v3 =	vsel vm0, v5, v3;
	v4 =	vsel vm0, v4, v6  }
.LBB2_20:
0xbd: {  	(v2sf) =	vpush v0, $0x5;
	_ =	sdelay $0xe  }
0xbe: {  	s8 =	spop (v2sf)  }
0xbf: {  	s11 =	smov.u32 s4;
	p0 =	slt.s32 s8, s4  }
0xc0: {  	p1 =	sgt.s32 s7, s5;
	s12 =	smov.u32 s5;
	s11 =	smov.u32 @p0 s8  }
0xc1: {  	s12 =	smov.u32 @p1 s7;
	s31 =	sadd.s32 $0xF, s11  }
0xc2: {  	s9 =	sshrl.u32 s12, $0x4;
	s7 =	sshrl.u32 s31, $0x4  }
0xc3: {  	s7 =	ssub.s32 s7, s9  }
0xc4: {  	p0 =	slt.s32 s7, $0x1  }
.Ltmp15:
0xc5: {  	_ = 	snop;
	(pc) =	sbr.rel @p0 .LBB2_24-.Ltmp15, $3  }
0xc6: {  	_ =	sdelay $0x1  }
0xc7: {  	[tilespmem:$0xC40] =	vst v3  }
0xc8: {  	[tilespmem:$0xD40] =	vst v4  }
0xc9: {  	s7 =	sadd.s32 $0x1, s7  }
0xca: {  	s9 =	sshrl.u32 s7, $0x1  }
0xcb: {  	s13 =	sand.u32 $0x7FFFFFF0, s12;
	s7 =	ssub.s32 $0x0, s5;
	s9 =	ssub.s32 $0x0, s9  }
0xcc: {  	s16 =	sand.u32 $0x70, s13;
	s14 =	sadd.s32 s13, s7;
	s9 =	sadd.s32 $0x1, s9  }
0xcd: {  	s10 =	sadd.s32 $0x10, s13;
	s15 =	sand.u32 $0xFFFFFF80, s14;
	p0 =	seq.s32 s9, $0x0  }
.Ltmp16:
0xce: {  	s14 =	sadd.s32 $0x10, s14;
	s29 =	sor.u32 s16, s15;
	(pc) =	sbr.rel @p0 .LBB2_23-.Ltmp16, $4  }
0xcf: {  	s30 =	sand.u32 $0x70, s10;
	s14 =	sand.u32 $0xFFFFFF80, s14;
	v8 =	vld [tilespmem:s29+$0x0]  }
0xd0: {  	v1 =	vmov s12;
	v2 =	vlaneseq.u32;
	s31 =	sor.u32 s30, s14  }
0xd1: {  	v3 =	vmov s11;
	v5 =	vimm.f32 $-Inf;
	v4 =	vor.u32 s13, v2;
	v6 =	vld [tilespmem:s31+$0x0]  }
0xd2: {  	v7 =	vimm.s32 $0x8000;
	s11 =	sadd.s32 $0x20, s13;
	vm0 =	vge.s32 v4, v1;
	vm1 =	vlt.s32 v4, v3  }
.LBB2_22:
0xd3: {  	s12 =	sadd.s32 s11, s7;
	s9 =	sadd.s32 $0x1, s9;
	vm0 =	vmand vm0, vm1;
	v9 =	vor.u32 s10, v2;
	s13 =	sand.u32 $0x70, s11  }
0xd4: {  	s10 =	sand.u32 $0xFFFFFF80, s12;
	p0 =	seq.s32 s9, $0x0;
	v10 =	vnsel vm0, $0xFF800000, v8;
	vm0 =	vge.s32 v9, v1;
	vm1 =	vlt.s32 v9, v3;
	s12 =	sadd.s32 $0x10, s12  }
.Ltmp17:
0xd5: {  	s13 =	sor.u32 s13, s10;
	s10 =	sadd.s32 $0x10, s11;
	vm2 =	vgt.f32 v10, v5;
	vm0 =	vmand vm0, vm1;
	(pc) =	sbr.rel @!p0 .LBB2_22-.Ltmp17, $4  }
0xd6: {  	s12 =	sand.u32 $0xFFFFFF80, s12;
	v8 =	vld [tilespmem:s13+$0x0];
	s13 =	sand.u32 $0x70, s10;
	v5 =	vsel vm2, v10, v5;
	v7 =	vsel vm2, v4, v7;
	v10 =	vnsel vm0, $0xFF800000, v6  }
0xd7: {  	s12 =	sor.u32 s13, s12;
	vm0 =	vgt.f32 v10, v5  }
0xd8: {  	v4 =	vor.u32 s11, v2;
	v6 =	vld [tilespmem:s12+$0x0];
	v5 =	vsel vm0, v10, v5;
	v7 =	vsel vm0, v9, v7  }
0xd9: {  	s11 =	sadd.s32 $0x20, s11;
	vm1 =	vlt.s32 v4, v3;
	vm0 =	vge.s32 v4, v1  }
.LBB2_23:
0xda: {  	vm0 =	vmand vm0, vm1;
	v2 =	vor.u32 s10, v2  }
0xdb: {  	v8 =	vnsel vm0, $0xFF800000, v8;
	vm14 =	vge.s32 v2, v1;
	vm15 =	vlt.s32 v2, v3  }
0xdc: {  	vm2 =	vgt.f32 v8, v5;
	vm0 =	vmand vm14, vm15  }
0xdd: {  	v1 =	vsel vm2, v8, v5;
	v3 =	vnsel vm0, $0xFF800000, v6  }
0xde: {  	v4 =	vsel vm2, v4, v7;
	vm0 =	vgt.f32 v3, v1  }
0xdf: {  	v1 =	vsel vm0, v3, v1;
	v2 =	vsel vm0, v2, v4  }
.LBB2_24:
0xe0: {  	(v2sf) =	vpush v0, $0x6;
	_ =	sdelay $0xe  }
0xe1: {  	s7 =	spop (v2sf)  }
0xe2: {  	s11 =	smov.u32 s4;
	p0 =	slt.s32 s7, s4  }
0xe3: {  	s12 =	smov.u32 s5;
	s11 =	smov.u32 @p0 s7;
	p0 =	sgt.s32 s8, s5  }
0xe4: {  	s12 =	smov.u32 @p0 s8;
	s31 =	sadd.s32 $0xF, s11  }
0xe5: {  	s9 =	sshrl.u32 s12, $0x4;
	s8 =	sshrl.u32 s31, $0x4  }
0xe6: {  	s8 =	ssub.s32 s8, s9  }
0xe7: {  	p0 =	slt.s32 s8, $0x1  }
.Ltmp18:
0xe8: {  	_ = 	snop;
	(pc) =	sbr.rel @p0 .LBB2_28-.Ltmp18, $3  }
0xe9: {  	_ =	sdelay $0x1  }
0xea: {  	[tilespmem:$0xC50] =	vst v1;
	v1 =	vimm.s32 $0x8000  }
0xeb: {  	[tilespmem:$0xD50] =	vst v2;
	v2 =	vimm.f32 $-Inf;
	v3 =	vimm.f32 $-Inf;
	v4 =	vimm.s32 $0x8000  }
0xec: {  	s8 =	sadd.s32 $0x1, s8  }
0xed: {  	s9 =	sshrl.u32 s8, $0x1  }
0xee: {  	s13 =	sand.u32 $0x7FFFFFF0, s12;
	s8 =	ssub.s32 $0x0, s5;
	s9 =	ssub.s32 $0x0, s9  }
0xef: {  	s16 =	sand.u32 $0x70, s13;
	s14 =	sadd.s32 s13, s8;
	s9 =	sadd.s32 $0x1, s9  }
0xf0: {  	s10 =	sadd.s32 $0x10, s13;
	s15 =	sand.u32 $0xFFFFFF80, s14;
	p0 =	seq.s32 s9, $0x0  }
.Ltmp19:
0xf1: {  	s14 =	sadd.s32 $0x10, s14;
	s29 =	sor.u32 s16, s15;
	(pc) =	sbr.rel @p0 .LBB2_27-.Ltmp19, $4  }
0xf2: {  	s30 =	sand.u32 $0x70, s10;
	s14 =	sand.u32 $0xFFFFFF80, s14;
	v10 =	vld [tilespmem:s29+$0x0]  }
0xf3: {  	v3 =	vmov s12;
	v4 =	vlaneseq.u32;
	s31 =	sor.u32 s30, s14  }
0xf4: {  	v5 =	vmov s11;
	v7 =	vimm.f32 $-Inf;
	v6 =	vor.u32 s13, v4;
	v8 =	vld [tilespmem:s31+$0x0]  }
0xf5: {  	v9 =	vimm.s32 $0x8000;
	s11 =	sadd.s32 $0x20, s13;
	vm0 =	vge.s32 v6, v3;
	vm1 =	vlt.s32 v6, v5  }
.LBB2_26:
0xf6: {  	s12 =	sadd.s32 s11, s8;
	s9 =	sadd.s32 $0x1, s9;
	vm0 =	vmand vm0, vm1;
	v11 =	vor.u32 s10, v4;
	s13 =	sand.u32 $0x70, s11  }
0xf7: {  	s10 =	sand.u32 $0xFFFFFF80, s12;
	p0 =	seq.s32 s9, $0x0;
	v12 =	vnsel vm0, $0xFF800000, v10;
	vm0 =	vge.s32 v11, v3;
	vm1 =	vlt.s32 v11, v5;
	s12 =	sadd.s32 $0x10, s12  }
.Ltmp20:
0xf8: {  	s13 =	sor.u32 s13, s10;
	s10 =	sadd.s32 $0x10, s11;
	vm2 =	vgt.f32 v12, v7;
	vm0 =	vmand vm0, vm1;
	(pc) =	sbr.rel @!p0 .LBB2_26-.Ltmp20, $4  }
0xf9: {  	s12 =	sand.u32 $0xFFFFFF80, s12;
	v10 =	vld [tilespmem:s13+$0x0];
	s13 =	sand.u32 $0x70, s10;
	v7 =	vsel vm2, v12, v7;
	v9 =	vsel vm2, v6, v9;
	v12 =	vnsel vm0, $0xFF800000, v8  }
0xfa: {  	s12 =	sor.u32 s13, s12;
	vm0 =	vgt.f32 v12, v7  }
0xfb: {  	v6 =	vor.u32 s11, v4;
	v8 =	vld [tilespmem:s12+$0x0];
	v7 =	vsel vm0, v12, v7;
	v9 =	vsel vm0, v11, v9  }
0xfc: {  	s11 =	sadd.s32 $0x20, s11;
	vm1 =	vlt.s32 v6, v5;
	vm0 =	vge.s32 v6, v3  }
.LBB2_27:
0xfd: {  	vm0 =	vmand vm0, vm1;
	v4 =	vor.u32 s10, v4  }
0xfe: {  	v10 =	vnsel vm0, $0xFF800000, v10;
	vm14 =	vge.s32 v4, v3;
	vm15 =	vlt.s32 v4, v5  }
0xff: {  	vm2 =	vgt.f32 v10, v7;
	vm0 =	vmand vm14, vm15  }
0x100: {  	v3 =	vsel vm2, v10, v7;
	v5 =	vnsel vm0, $0xFF800000, v8  }
0x101: {  	v6 =	vsel vm2, v6, v9;
	vm0 =	vgt.f32 v5, v3  }
0x102: {  	v3 =	vsel vm0, v5, v3;
	v4 =	vsel vm0, v4, v6  }
.LBB2_28:
0x103: {  	(v2sf) =	vpush v0, $0x7;
	_ =	sdelay $0xe  }
0x104: {  	s8 =	spop (v2sf)  }
0x105: {  	s11 =	smov.u32 s4;
	p0 =	slt.s32 s8, s4  }
0x106: {  	p1 =	sgt.s32 s7, s5;
	s12 =	smov.u32 s5;
	s11 =	smov.u32 @p0 s8  }
0x107: {  	s12 =	smov.u32 @p1 s7;
	s31 =	sadd.s32 $0xF, s11  }
0x108: {  	s9 =	sshrl.u32 s12, $0x4;
	s7 =	sshrl.u32 s31, $0x4  }
0x109: {  	s7 =	ssub.s32 s7, s9  }
0x10a: {  	p0 =	slt.s32 s7, $0x1  }
.Ltmp21:
0x10b: {  	_ = 	snop;
	(pc) =	sbr.rel @p0 .LBB2_32-.Ltmp21, $3  }
0x10c: {  	_ =	sdelay $0x1  }
0x10d: {  	[tilespmem:$0xC60] =	vst v3  }
0x10e: {  	[tilespmem:$0xD60] =	vst v4  }
0x10f: {  	s7 =	sadd.s32 $0x1, s7  }
0x110: {  	s9 =	sshrl.u32 s7, $0x1  }
0x111: {  	s13 =	sand.u32 $0x7FFFFFF0, s12;
	s7 =	ssub.s32 $0x0, s5;
	s9 =	ssub.s32 $0x0, s9  }
0x112: {  	s16 =	sand.u32 $0x70, s13;
	s14 =	sadd.s32 s13, s7;
	s9 =	sadd.s32 $0x1, s9  }
0x113: {  	s10 =	sadd.s32 $0x10, s13;
	s15 =	sand.u32 $0xFFFFFF80, s14;
	p0 =	seq.s32 s9, $0x0  }
.Ltmp22:
0x114: {  	s14 =	sadd.s32 $0x10, s14;
	s29 =	sor.u32 s16, s15;
	(pc) =	sbr.rel @p0 .LBB2_31-.Ltmp22, $4  }
0x115: {  	s30 =	sand.u32 $0x70, s10;
	s14 =	sand.u32 $0xFFFFFF80, s14;
	v8 =	vld [tilespmem:s29+$0x0]  }
0x116: {  	v1 =	vmov s12;
	v2 =	vlaneseq.u32;
	s31 =	sor.u32 s30, s14  }
0x117: {  	v3 =	vmov s11;
	v5 =	vimm.f32 $-Inf;
	v4 =	vor.u32 s13, v2;
	v6 =	vld [tilespmem:s31+$0x0]  }
0x118: {  	v7 =	vimm.s32 $0x8000;
	s11 =	sadd.s32 $0x20, s13;
	vm0 =	vge.s32 v4, v1;
	vm1 =	vlt.s32 v4, v3  }
.LBB2_30:
0x119: {  	s12 =	sadd.s32 s11, s7;
	s9 =	sadd.s32 $0x1, s9;
	vm0 =	vmand vm0, vm1;
	v9 =	vor.u32 s10, v2;
	s13 =	sand.u32 $0x70, s11  }
0x11a: {  	s10 =	sand.u32 $0xFFFFFF80, s12;
	p0 =	seq.s32 s9, $0x0;
	v10 =	vnsel vm0, $0xFF800000, v8;
	vm0 =	vge.s32 v9, v1;
	vm1 =	vlt.s32 v9, v3;
	s12 =	sadd.s32 $0x10, s12  }
.Ltmp23:
0x11b: {  	s13 =	sor.u32 s13, s10;
	s10 =	sadd.s32 $0x10, s11;
	vm2 =	vgt.f32 v10, v5;
	vm0 =	vmand vm0, vm1;
	(pc) =	sbr.rel @!p0 .LBB2_30-.Ltmp23, $4  }
0x11c: {  	s12 =	sand.u32 $0xFFFFFF80, s12;
	v8 =	vld [tilespmem:s13+$0x0];
	s13 =	sand.u32 $0x70, s10;
	v5 =	vsel vm2, v10, v5;
	v7 =	vsel vm2, v4, v7;
	v10 =	vnsel vm0, $0xFF800000, v6  }
0x11d: {  	s12 =	sor.u32 s13, s12;
	vm0 =	vgt.f32 v10, v5  }
0x11e: {  	v4 =	vor.u32 s11, v2;
	v6 =	vld [tilespmem:s12+$0x0];
	v5 =	vsel vm0, v10, v5;
	v7 =	vsel vm0, v9, v7  }
0x11f: {  	s11 =	sadd.s32 $0x20, s11;
	vm1 =	vlt.s32 v4, v3;
	vm0 =	vge.s32 v4, v1  }
.LBB2_31:
0x120: {  	vm0 =	vmand vm0, vm1;
	v9 =	vor.u32 s10, v2  }
0x121: {  	v2 =	vnsel vm0, $0xFF800000, v8;
	vm14 =	vge.s32 v9, v1;
	vm15 =	vlt.s32 v9, v3  }
0x122: {  	vm2 =	vgt.f32 v2, v5;
	vm0 =	vmand vm14, vm15  }
0x123: {  	v1 =	vsel vm2, v2, v5;
	v2 =	vnsel vm0, $0xFF800000, v6  }
0x124: {  	v3 =	vsel vm2, v4, v7;
	vm0 =	vgt.f32 v2, v1  }
0x125: {  	v2 =	vsel vm0, v2, v1;
	v1 =	vsel vm0, v9, v3  }
.LBB2_32:
0x126: {  	(v2sf) =	vpush v0, $0x8;
	_ =	sdelay $0xe  }
0x127: {  	s7 =	spop (v2sf)  }
0x128: {  	s11 =	smov.u32 s4;
	p0 =	slt.s32 s7, s4  }
0x129: {  	s12 =	smov.u32 s5;
	s11 =	smov.u32 @p0 s7;
	p0 =	sgt.s32 s8, s5  }
0x12a: {  	s12 =	smov.u32 @p0 s8;
	s31 =	sadd.s32 $0xF, s11  }
0x12b: {  	s9 =	sshrl.u32 s12, $0x4;
	s8 =	sshrl.u32 s31, $0x4  }
0x12c: {  	s8 =	ssub.s32 s8, s9  }
0x12d: {  	p0 =	slt.s32 s8, $0x1  }
.Ltmp24:
0x12e: {  	_ = 	snop;
	(pc) =	sbr.rel @p0 .LBB2_36-.Ltmp24, $3  }
0x12f: {  	_ =	sdelay $0x1  }
0x130: {  	[tilespmem:$0xC70] =	vst v2;
	v2 =	vimm.s32 $0x8000  }
0x131: {  	[tilespmem:$0xD70] =	vst v1;
	v1 =	vimm.f32 $-Inf;
	v3 =	vimm.f32 $-Inf;
	v4 =	vimm.s32 $0x8000  }
0x132: {  	s8 =	sadd.s32 $0x1, s8  }
0x133: {  	s9 =	sshrl.u32 s8, $0x1  }
0x134: {  	s13 =	sand.u32 $0x7FFFFFF0, s12;
	s8 =	ssub.s32 $0x0, s5;
	s9 =	ssub.s32 $0x0, s9  }
0x135: {  	s16 =	sand.u32 $0x70, s13;
	s14 =	sadd.s32 s13, s8;
	s9 =	sadd.s32 $0x1, s9  }
0x136: {  	s10 =	sadd.s32 $0x10, s13;
	s15 =	sand.u32 $0xFFFFFF80, s14;
	p0 =	seq.s32 s9, $0x0  }
.Ltmp25:
0x137: {  	s14 =	sadd.s32 $0x10, s14;
	s29 =	sor.u32 s16, s15;
	(pc) =	sbr.rel @p0 .LBB2_35-.Ltmp25, $4  }
0x138: {  	s30 =	sand.u32 $0x70, s10;
	s14 =	sand.u32 $0xFFFFFF80, s14;
	v10 =	vld [tilespmem:s29+$0x0]  }
0x139: {  	v3 =	vmov s12;
	v4 =	vlaneseq.u32;
	s31 =	sor.u32 s30, s14  }
0x13a: {  	v5 =	vmov s11;
	v7 =	vimm.f32 $-Inf;
	v6 =	vor.u32 s13, v4;
	v8 =	vld [tilespmem:s31+$0x0]  }
0x13b: {  	v9 =	vimm.s32 $0x8000;
	s11 =	sadd.s32 $0x20, s13;
	vm0 =	vge.s32 v6, v3;
	vm1 =	vlt.s32 v6, v5  }
.LBB2_34:
0x13c: {  	s12 =	sadd.s32 s11, s8;
	s9 =	sadd.s32 $0x1, s9;
	vm0 =	vmand vm0, vm1;
	v11 =	vor.u32 s10, v4;
	s13 =	sand.u32 $0x70, s11  }
0x13d: {  	s10 =	sand.u32 $0xFFFFFF80, s12;
	p0 =	seq.s32 s9, $0x0;
	v12 =	vnsel vm0, $0xFF800000, v10;
	vm0 =	vge.s32 v11, v3;
	vm1 =	vlt.s32 v11, v5;
	s12 =	sadd.s32 $0x10, s12  }
.Ltmp26:
0x13e: {  	s13 =	sor.u32 s13, s10;
	s10 =	sadd.s32 $0x10, s11;
	vm2 =	vgt.f32 v12, v7;
	vm0 =	vmand vm0, vm1;
	(pc) =	sbr.rel @!p0 .LBB2_34-.Ltmp26, $4  }
0x13f: {  	s12 =	sand.u32 $0xFFFFFF80, s12;
	v10 =	vld [tilespmem:s13+$0x0];
	s13 =	sand.u32 $0x70, s10;
	v7 =	vsel vm2, v12, v7;
	v9 =	vsel vm2, v6, v9;
	v12 =	vnsel vm0, $0xFF800000, v8  }
0x140: {  	s12 =	sor.u32 s13, s12;
	vm0 =	vgt.f32 v12, v7  }
0x141: {  	v6 =	vor.u32 s11, v4;
	v8 =	vld [tilespmem:s12+$0x0];
	v7 =	vsel vm0, v12, v7;
	v9 =	vsel vm0, v11, v9  }
0x142: {  	s11 =	sadd.s32 $0x20, s11;
	vm1 =	vlt.s32 v6, v5;
	vm0 =	vge.s32 v6, v3  }
.LBB2_35:
0x143: {  	vm0 =	vmand vm0, vm1;
	v4 =	vor.u32 s10, v4  }
0x144: {  	v10 =	vnsel vm0, $0xFF800000, v10;
	vm14 =	vge.s32 v4, v3;
	vm15 =	vlt.s32 v4, v5  }
0x145: {  	vm2 =	vgt.f32 v10, v7;
	vm0 =	vmand vm14, vm15  }
0x146: {  	v3 =	vsel vm2, v10, v7;
	v5 =	vnsel vm0, $0xFF800000, v8  }
0x147: {  	v6 =	vsel vm2, v6, v9;
	vm0 =	vgt.f32 v5, v3  }
0x148: {  	v3 =	vsel vm0, v5, v3;
	v4 =	vsel vm0, v4, v6  }
.LBB2_36:
0x149: {  	(v2sf) =	vpush v0, $0x9;
	_ =	sdelay $0xe  }
0x14a: {  	s8 =	spop (v2sf)  }
0x14b: {  	s11 =	smov.u32 s4;
	p0 =	slt.s32 s8, s4  }
0x14c: {  	p1 =	sgt.s32 s7, s5;
	s12 =	smov.u32 s5;
	s11 =	smov.u32 @p0 s8  }
0x14d: {  	s12 =	smov.u32 @p1 s7;
	s31 =	sadd.s32 $0xF, s11  }
0x14e: {  	s9 =	sshrl.u32 s12, $0x4;
	s7 =	sshrl.u32 s31, $0x4  }
0x14f: {  	s7 =	ssub.s32 s7, s9  }
0x150: {  	p0 =	slt.s32 s7, $0x1  }
.Ltmp27:
0x151: {  	_ = 	snop;
	(pc) =	sbr.rel @p0 .LBB2_40-.Ltmp27, $3  }
0x152: {  	_ =	sdelay $0x1  }
0x153: {  	[tilespmem:$0xC80] =	vst v3  }
0x154: {  	[tilespmem:$0xD80] =	vst v4  }
0x155: {  	s7 =	sadd.s32 $0x1, s7  }
0x156: {  	s9 =	sshrl.u32 s7, $0x1  }
0x157: {  	s13 =	sand.u32 $0x7FFFFFF0, s12;
	s7 =	ssub.s32 $0x0, s5;
	s9 =	ssub.s32 $0x0, s9  }
0x158: {  	s16 =	sand.u32 $0x70, s13;
	s14 =	sadd.s32 s13, s7;
	s9 =	sadd.s32 $0x1, s9  }
0x159: {  	s10 =	sadd.s32 $0x10, s13;
	s15 =	sand.u32 $0xFFFFFF80, s14;
	p0 =	seq.s32 s9, $0x0  }
.Ltmp28:
0x15a: {  	s14 =	sadd.s32 $0x10, s14;
	s29 =	sor.u32 s16, s15;
	(pc) =	sbr.rel @p0 .LBB2_39-.Ltmp28, $4  }
0x15b: {  	s30 =	sand.u32 $0x70, s10;
	s14 =	sand.u32 $0xFFFFFF80, s14;
	v8 =	vld [tilespmem:s29+$0x0]  }
0x15c: {  	v1 =	vmov s12;
	v2 =	vlaneseq.u32;
	s31 =	sor.u32 s30, s14  }
0x15d: {  	v3 =	vmov s11;
	v5 =	vimm.f32 $-Inf;
	v4 =	vor.u32 s13, v2;
	v6 =	vld [tilespmem:s31+$0x0]  }
0x15e: {  	v7 =	vimm.s32 $0x8000;
	s11 =	sadd.s32 $0x20, s13;
	vm0 =	vge.s32 v4, v1;
	vm1 =	vlt.s32 v4, v3  }
.LBB2_38:
0x15f: {  	s12 =	sadd.s32 s11, s7;
	s9 =	sadd.s32 $0x1, s9;
	vm0 =	vmand vm0, vm1;
	v9 =	vor.u32 s10, v2;
	s13 =	sand.u32 $0x70, s11  }
0x160: {  	s10 =	sand.u32 $0xFFFFFF80, s12;
	p0 =	seq.s32 s9, $0x0;
	v10 =	vnsel vm0, $0xFF800000, v8;
	vm0 =	vge.s32 v9, v1;
	vm1 =	vlt.s32 v9, v3;
	s12 =	sadd.s32 $0x10, s12  }
.Ltmp29:
0x161: {  	s13 =	sor.u32 s13, s10;
	s10 =	sadd.s32 $0x10, s11;
	vm2 =	vgt.f32 v10, v5;
	vm0 =	vmand vm0, vm1;
	(pc) =	sbr.rel @!p0 .LBB2_38-.Ltmp29, $4  }
0x162: {  	s12 =	sand.u32 $0xFFFFFF80, s12;
	v8 =	vld [tilespmem:s13+$0x0];
	s13 =	sand.u32 $0x70, s10;
	v5 =	vsel vm2, v10, v5;
	v7 =	vsel vm2, v4, v7;
	v10 =	vnsel vm0, $0xFF800000, v6  }
0x163: {  	s12 =	sor.u32 s13, s12;
	vm0 =	vgt.f32 v10, v5  }
0x164: {  	v4 =	vor.u32 s11, v2;
	v6 =	vld [tilespmem:s12+$0x0];
	v5 =	vsel vm0, v10, v5;
	v7 =	vsel vm0, v9, v7  }
0x165: {  	s11 =	sadd.s32 $0x20, s11;
	vm1 =	vlt.s32 v4, v3;
	vm0 =	vge.s32 v4, v1  }
.LBB2_39:
0x166: {  	vm0 =	vmand vm0, vm1;
	v2 =	vor.u32 s10, v2  }
0x167: {  	v8 =	vnsel vm0, $0xFF800000, v8;
	vm14 =	vge.s32 v2, v1;
	vm15 =	vlt.s32 v2, v3  }
0x168: {  	vm2 =	vgt.f32 v8, v5;
	vm0 =	vmand vm14, vm15  }
0x169: {  	v1 =	vsel vm2, v8, v5;
	v3 =	vnsel vm0, $0xFF800000, v6  }
0x16a: {  	v4 =	vsel vm2, v4, v7;
	vm0 =	vgt.f32 v3, v1  }
0x16b: {  	v1 =	vsel vm0, v3, v1;
	v2 =	vsel vm0, v2, v4  }
.LBB2_40:
0x16c: {  	(v2sf) =	vpush v0, $0xA;
	_ =	sdelay $0xe  }
0x16d: {  	s7 =	spop (v2sf)  }
0x16e: {  	s11 =	smov.u32 s4;
	p0 =	slt.s32 s7, s4  }
0x16f: {  	s12 =	smov.u32 s5;
	s11 =	smov.u32 @p0 s7;
	p0 =	sgt.s32 s8, s5  }
0x170: {  	s12 =	smov.u32 @p0 s8;
	s31 =	sadd.s32 $0xF, s11  }
0x171: {  	s9 =	sshrl.u32 s12, $0x4;
	s8 =	sshrl.u32 s31, $0x4  }
0x172: {  	s8 =	ssub.s32 s8, s9  }
0x173: {  	p0 =	slt.s32 s8, $0x1  }
.Ltmp30:
0x174: {  	_ = 	snop;
	(pc) =	sbr.rel @p0 .LBB2_44-.Ltmp30, $3  }
0x175: {  	_ =	sdelay $0x1  }
0x176: {  	[tilespmem:$0xC90] =	vst v1;
	v3 =	vimm.s32 $0x8000  }
0x177: {  	[tilespmem:$0xD90] =	vst v2;
	v1 =	vimm.f32 $-Inf;
	v2 =	vimm.f32 $-Inf;
	v4 =	vimm.s32 $0x8000  }
0x178: {  	s8 =	sadd.s32 $0x1, s8  }
0x179: {  	s9 =	sshrl.u32 s8, $0x1  }
0x17a: {  	s13 =	sand.u32 $0x7FFFFFF0, s12;
	s8 =	ssub.s32 $0x0, s5;
	s9 =	ssub.s32 $0x0, s9  }
0x17b: {  	s16 =	sand.u32 $0x70, s13;
	s14 =	sadd.s32 s13, s8;
	s9 =	sadd.s32 $0x1, s9  }
0x17c: {  	s10 =	sadd.s32 $0x10, s13;
	s15 =	sand.u32 $0xFFFFFF80, s14;
	p0 =	seq.s32 s9, $0x0  }
.Ltmp31:
0x17d: {  	s14 =	sadd.s32 $0x10, s14;
	s29 =	sor.u32 s16, s15;
	(pc) =	sbr.rel @p0 .LBB2_43-.Ltmp31, $4  }
0x17e: {  	s30 =	sand.u32 $0x70, s10;
	s14 =	sand.u32 $0xFFFFFF80, s14;
	v10 =	vld [tilespmem:s29+$0x0]  }
0x17f: {  	v2 =	vmov s12;
	v4 =	vlaneseq.u32;
	s31 =	sor.u32 s30, s14  }
0x180: {  	v5 =	vmov s11;
	v7 =	vimm.f32 $-Inf;
	v6 =	vor.u32 s13, v4;
	v8 =	vld [tilespmem:s31+$0x0]  }
0x181: {  	v9 =	vimm.s32 $0x8000;
	s11 =	sadd.s32 $0x20, s13;
	vm0 =	vge.s32 v6, v2;
	vm1 =	vlt.s32 v6, v5  }
.LBB2_42:
0x182: {  	s12 =	sadd.s32 s11, s8;
	s9 =	sadd.s32 $0x1, s9;
	vm0 =	vmand vm0, vm1;
	v11 =	vor.u32 s10, v4;
	s13 =	sand.u32 $0x70, s11  }
0x183: {  	s10 =	sand.u32 $0xFFFFFF80, s12;
	p0 =	seq.s32 s9, $0x0;
	v12 =	vnsel vm0, $0xFF800000, v10;
	vm0 =	vge.s32 v11, v2;
	vm1 =	vlt.s32 v11, v5;
	s12 =	sadd.s32 $0x10, s12  }
.Ltmp32:
0x184: {  	s13 =	sor.u32 s13, s10;
	s10 =	sadd.s32 $0x10, s11;
	vm2 =	vgt.f32 v12, v7;
	vm0 =	vmand vm0, vm1;
	(pc) =	sbr.rel @!p0 .LBB2_42-.Ltmp32, $4  }
0x185: {  	s12 =	sand.u32 $0xFFFFFF80, s12;
	v10 =	vld [tilespmem:s13+$0x0];
	s13 =	sand.u32 $0x70, s10;
	v7 =	vsel vm2, v12, v7;
	v9 =	vsel vm2, v6, v9;
	v12 =	vnsel vm0, $0xFF800000, v8  }
0x186: {  	s12 =	sor.u32 s13, s12;
	vm0 =	vgt.f32 v12, v7  }
0x187: {  	v6 =	vor.u32 s11, v4;
	v8 =	vld [tilespmem:s12+$0x0];
	v7 =	vsel vm0, v12, v7;
	v9 =	vsel vm0, v11, v9  }
0x188: {  	s11 =	sadd.s32 $0x20, s11;
	vm1 =	vlt.s32 v6, v5;
	vm0 =	vge.s32 v6, v2  }
.LBB2_43:
0x189: {  	vm0 =	vmand vm0, vm1;
	v4 =	vor.u32 s10, v4  }
0x18a: {  	v10 =	vnsel vm0, $0xFF800000, v10;
	vm14 =	vge.s32 v4, v2;
	vm15 =	vlt.s32 v4, v5  }
0x18b: {  	vm2 =	vgt.f32 v10, v7;
	vm0 =	vmand vm14, vm15  }
0x18c: {  	v2 =	vsel vm2, v10, v7;
	v5 =	vnsel vm0, $0xFF800000, v8  }
0x18d: {  	v6 =	vsel vm2, v6, v9;
	vm0 =	vgt.f32 v5, v2  }
0x18e: {  	v2 =	vsel vm0, v5, v2;
	v4 =	vsel vm0, v4, v6  }
.LBB2_44:
0x18f: {  	(v2sf) =	vpush v0, $0xB;
	_ =	sdelay $0xe  }
0x190: {  	s8 =	spop (v2sf)  }
0x191: {  	s11 =	smov.u32 s4;
	p0 =	slt.s32 s8, s4  }
0x192: {  	p1 =	sgt.s32 s7, s5;
	s12 =	smov.u32 s5;
	s11 =	smov.u32 @p0 s8  }
0x193: {  	s12 =	smov.u32 @p1 s7;
	s31 =	sadd.s32 $0xF, s11  }
0x194: {  	s9 =	sshrl.u32 s12, $0x4;
	s7 =	sshrl.u32 s31, $0x4  }
0x195: {  	s7 =	ssub.s32 s7, s9  }
0x196: {  	p0 =	slt.s32 s7, $0x1  }
.Ltmp33:
0x197: {  	_ = 	snop;
	(pc) =	sbr.rel @p0 .LBB2_48-.Ltmp33, $3  }
0x198: {  	_ =	sdelay $0x1  }
0x199: {  	[tilespmem:$0xCA0] =	vst v2  }
0x19a: {  	[tilespmem:$0xDA0] =	vst v4  }
0x19b: {  	s7 =	sadd.s32 $0x1, s7  }
0x19c: {  	s9 =	sshrl.u32 s7, $0x1  }
0x19d: {  	s13 =	sand.u32 $0x7FFFFFF0, s12;
	s7 =	ssub.s32 $0x0, s5;
	s9 =	ssub.s32 $0x0, s9  }
0x19e: {  	s16 =	sand.u32 $0x70, s13;
	s14 =	sadd.s32 s13, s7;
	s9 =	sadd.s32 $0x1, s9  }
0x19f: {  	s10 =	sadd.s32 $0x10, s13;
	s15 =	sand.u32 $0xFFFFFF80, s14;
	p0 =	seq.s32 s9, $0x0  }
.Ltmp34:
0x1a0: {  	s14 =	sadd.s32 $0x10, s14;
	s29 =	sor.u32 s16, s15;
	(pc) =	sbr.rel @p0 .LBB2_47-.Ltmp34, $4  }
0x1a1: {  	s30 =	sand.u32 $0x70, s10;
	s14 =	sand.u32 $0xFFFFFF80, s14;
	v8 =	vld [tilespmem:s29+$0x0]  }
0x1a2: {  	v1 =	vmov s12;
	v2 =	vlaneseq.u32;
	s31 =	sor.u32 s30, s14  }
0x1a3: {  	v3 =	vmov s11;
	v5 =	vimm.f32 $-Inf;
	v4 =	vor.u32 s13, v2;
	v6 =	vld [tilespmem:s31+$0x0]  }
0x1a4: {  	v7 =	vimm.s32 $0x8000;
	s11 =	sadd.s32 $0x20, s13;
	vm0 =	vge.s32 v4, v1;
	vm1 =	vlt.s32 v4, v3  }
.LBB2_46:
0x1a5: {  	s12 =	sadd.s32 s11, s7;
	s9 =	sadd.s32 $0x1, s9;
	vm0 =	vmand vm0, vm1;
	v9 =	vor.u32 s10, v2;
	s13 =	sand.u32 $0x70, s11  }
0x1a6: {  	s10 =	sand.u32 $0xFFFFFF80, s12;
	p0 =	seq.s32 s9, $0x0;
	v10 =	vnsel vm0, $0xFF800000, v8;
	vm0 =	vge.s32 v9, v1;
	vm1 =	vlt.s32 v9, v3;
	s12 =	sadd.s32 $0x10, s12  }
.Ltmp35:
0x1a7: {  	s13 =	sor.u32 s13, s10;
	s10 =	sadd.s32 $0x10, s11;
	vm2 =	vgt.f32 v10, v5;
	vm0 =	vmand vm0, vm1;
	(pc) =	sbr.rel @!p0 .LBB2_46-.Ltmp35, $4  }
0x1a8: {  	s12 =	sand.u32 $0xFFFFFF80, s12;
	v8 =	vld [tilespmem:s13+$0x0];
	s13 =	sand.u32 $0x70, s10;
	v5 =	vsel vm2, v10, v5;
	v7 =	vsel vm2, v4, v7;
	v10 =	vnsel vm0, $0xFF800000, v6  }
0x1a9: {  	s12 =	sor.u32 s13, s12;
	vm0 =	vgt.f32 v10, v5  }
0x1aa: {  	v4 =	vor.u32 s11, v2;
	v6 =	vld [tilespmem:s12+$0x0];
	v5 =	vsel vm0, v10, v5;
	v7 =	vsel vm0, v9, v7  }
0x1ab: {  	s11 =	sadd.s32 $0x20, s11;
	vm1 =	vlt.s32 v4, v3;
	vm0 =	vge.s32 v4, v1  }
.LBB2_47:
0x1ac: {  	vm0 =	vmand vm0, vm1;
	v2 =	vor.u32 s10, v2  }
0x1ad: {  	v8 =	vnsel vm0, $0xFF800000, v8;
	vm14 =	vge.s32 v2, v1;
	vm15 =	vlt.s32 v2, v3  }
0x1ae: {  	vm2 =	vgt.f32 v8, v5;
	vm0 =	vmand vm14, vm15  }
0x1af: {  	v1 =	vsel vm2, v8, v5;
	v3 =	vnsel vm0, $0xFF800000, v6  }
0x1b0: {  	v4 =	vsel vm2, v4, v7;
	vm0 =	vgt.f32 v3, v1  }
0x1b1: {  	v1 =	vsel vm0, v3, v1;
	v3 =	vsel vm0, v2, v4  }
.LBB2_48:
0x1b2: {  	(v2sf) =	vpush v0, $0xC;
	_ =	sdelay $0xe  }
0x1b3: {  	s7 =	spop (v2sf)  }
0x1b4: {  	s11 =	smov.u32 s4;
	p0 =	slt.s32 s7, s4  }
0x1b5: {  	s12 =	smov.u32 s5;
	s11 =	smov.u32 @p0 s7;
	p0 =	sgt.s32 s8, s5  }
0x1b6: {  	s12 =	smov.u32 @p0 s8;
	s31 =	sadd.s32 $0xF, s11  }
0x1b7: {  	s9 =	sshrl.u32 s12, $0x4;
	s8 =	sshrl.u32 s31, $0x4  }
0x1b8: {  	s8 =	ssub.s32 s8, s9  }
0x1b9: {  	p0 =	slt.s32 s8, $0x1  }
.Ltmp36:
0x1ba: {  	_ = 	snop;
	(pc) =	sbr.rel @p0 .LBB2_52-.Ltmp36, $3  }
0x1bb: {  	_ =	sdelay $0x1  }
0x1bc: {  	[tilespmem:$0xCB0] =	vst v1;
	v1 =	vimm.s32 $0x8000  }
0x1bd: {  	[tilespmem:$0xDB0] =	vst v3;
	v2 =	vimm.f32 $-Inf;
	v3 =	vimm.f32 $-Inf;
	v4 =	vimm.s32 $0x8000  }
0x1be: {  	s8 =	sadd.s32 $0x1, s8  }
0x1bf: {  	s9 =	sshrl.u32 s8, $0x1  }
0x1c0: {  	s13 =	sand.u32 $0x7FFFFFF0, s12;
	s8 =	ssub.s32 $0x0, s5;
	s9 =	ssub.s32 $0x0, s9  }
0x1c1: {  	s16 =	sand.u32 $0x70, s13;
	s14 =	sadd.s32 s13, s8;
	s9 =	sadd.s32 $0x1, s9  }
0x1c2: {  	s10 =	sadd.s32 $0x10, s13;
	s15 =	sand.u32 $0xFFFFFF80, s14;
	p0 =	seq.s32 s9, $0x0  }
.Ltmp37:
0x1c3: {  	s14 =	sadd.s32 $0x10, s14;
	s29 =	sor.u32 s16, s15;
	(pc) =	sbr.rel @p0 .LBB2_51-.Ltmp37, $4  }
0x1c4: {  	s30 =	sand.u32 $0x70, s10;
	s14 =	sand.u32 $0xFFFFFF80, s14;
	v10 =	vld [tilespmem:s29+$0x0]  }
0x1c5: {  	v3 =	vmov s12;
	v4 =	vlaneseq.u32;
	s31 =	sor.u32 s30, s14  }
0x1c6: {  	v5 =	vmov s11;
	v7 =	vimm.f32 $-Inf;
	v6 =	vor.u32 s13, v4;
	v8 =	vld [tilespmem:s31+$0x0]  }
0x1c7: {  	v9 =	vimm.s32 $0x8000;
	s11 =	sadd.s32 $0x20, s13;
	vm0 =	vge.s32 v6, v3;
	vm1 =	vlt.s32 v6, v5  }
.LBB2_50:
0x1c8: {  	s12 =	sadd.s32 s11, s8;
	s9 =	sadd.s32 $0x1, s9;
	vm0 =	vmand vm0, vm1;
	v11 =	vor.u32 s10, v4;
	s13 =	sand.u32 $0x70, s11  }
0x1c9: {  	s10 =	sand.u32 $0xFFFFFF80, s12;
	p0 =	seq.s32 s9, $0x0;
	v12 =	vnsel vm0, $0xFF800000, v10;
	vm0 =	vge.s32 v11, v3;
	vm1 =	vlt.s32 v11, v5;
	s12 =	sadd.s32 $0x10, s12  }
.Ltmp38:
0x1ca: {  	s13 =	sor.u32 s13, s10;
	s10 =	sadd.s32 $0x10, s11;
	vm2 =	vgt.f32 v12, v7;
	vm0 =	vmand vm0, vm1;
	(pc) =	sbr.rel @!p0 .LBB2_50-.Ltmp38, $4  }
0x1cb: {  	s12 =	sand.u32 $0xFFFFFF80, s12;
	v10 =	vld [tilespmem:s13+$0x0];
	s13 =	sand.u32 $0x70, s10;
	v7 =	vsel vm2, v12, v7;
	v9 =	vsel vm2, v6, v9;
	v12 =	vnsel vm0, $0xFF800000, v8  }
0x1cc: {  	s12 =	sor.u32 s13, s12;
	vm0 =	vgt.f32 v12, v7  }
0x1cd: {  	v6 =	vor.u32 s11, v4;
	v8 =	vld [tilespmem:s12+$0x0];
	v7 =	vsel vm0, v12, v7;
	v9 =	vsel vm0, v11, v9  }
0x1ce: {  	s11 =	sadd.s32 $0x20, s11;
	vm1 =	vlt.s32 v6, v5;
	vm0 =	vge.s32 v6, v3  }
.LBB2_51:
0x1cf: {  	vm0 =	vmand vm0, vm1;
	v4 =	vor.u32 s10, v4  }
0x1d0: {  	v10 =	vnsel vm0, $0xFF800000, v10;
	vm14 =	vge.s32 v4, v3;
	vm15 =	vlt.s32 v4, v5  }
0x1d1: {  	vm2 =	vgt.f32 v10, v7;
	vm0 =	vmand vm14, vm15  }
0x1d2: {  	v3 =	vsel vm2, v10, v7;
	v5 =	vnsel vm0, $0xFF800000, v8  }
0x1d3: {  	v6 =	vsel vm2, v6, v9;
	vm0 =	vgt.f32 v5, v3  }
0x1d4: {  	v3 =	vsel vm0, v5, v3;
	v4 =	vsel vm0, v4, v6  }
.LBB2_52:
0x1d5: {  	(v2sf) =	vpush v0, $0xD;
	_ =	sdelay $0xe  }
0x1d6: {  	s8 =	spop (v2sf)  }
0x1d7: {  	s11 =	smov.u32 s4;
	p0 =	slt.s32 s8, s4  }
0x1d8: {  	p1 =	sgt.s32 s7, s5;
	s12 =	smov.u32 s5;
	s11 =	smov.u32 @p0 s8  }
0x1d9: {  	s12 =	smov.u32 @p1 s7;
	s31 =	sadd.s32 $0xF, s11  }
0x1da: {  	s9 =	sshrl.u32 s12, $0x4;
	s7 =	sshrl.u32 s31, $0x4  }
0x1db: {  	s7 =	ssub.s32 s7, s9  }
0x1dc: {  	p0 =	slt.s32 s7, $0x1  }
.Ltmp39:
0x1dd: {  	_ = 	snop;
	(pc) =	sbr.rel @p0 .LBB2_56-.Ltmp39, $3  }
0x1de: {  	_ =	sdelay $0x1  }
0x1df: {  	[tilespmem:$0xCC0] =	vst v3  }
0x1e0: {  	[tilespmem:$0xDC0] =	vst v4  }
0x1e1: {  	s7 =	sadd.s32 $0x1, s7  }
0x1e2: {  	s9 =	sshrl.u32 s7, $0x1  }
0x1e3: {  	s13 =	sand.u32 $0x7FFFFFF0, s12;
	s7 =	ssub.s32 $0x0, s5;
	s9 =	ssub.s32 $0x0, s9  }
0x1e4: {  	s16 =	sand.u32 $0x70, s13;
	s14 =	sadd.s32 s13, s7;
	s9 =	sadd.s32 $0x1, s9  }
0x1e5: {  	s10 =	sadd.s32 $0x10, s13;
	s15 =	sand.u32 $0xFFFFFF80, s14;
	p0 =	seq.s32 s9, $0x0  }
.Ltmp40:
0x1e6: {  	s14 =	sadd.s32 $0x10, s14;
	s29 =	sor.u32 s16, s15;
	(pc) =	sbr.rel @p0 .LBB2_55-.Ltmp40, $4  }
0x1e7: {  	s30 =	sand.u32 $0x70, s10;
	s14 =	sand.u32 $0xFFFFFF80, s14;
	v8 =	vld [tilespmem:s29+$0x0]  }
0x1e8: {  	v1 =	vmov s12;
	v2 =	vlaneseq.u32;
	s31 =	sor.u32 s30, s14  }
0x1e9: {  	v3 =	vmov s11;
	v5 =	vimm.f32 $-Inf;
	v4 =	vor.u32 s13, v2;
	v6 =	vld [tilespmem:s31+$0x0]  }
0x1ea: {  	v7 =	vimm.s32 $0x8000;
	s11 =	sadd.s32 $0x20, s13;
	vm0 =	vge.s32 v4, v1;
	vm1 =	vlt.s32 v4, v3  }
.LBB2_54:
0x1eb: {  	s12 =	sadd.s32 s11, s7;
	s9 =	sadd.s32 $0x1, s9;
	vm0 =	vmand vm0, vm1;
	v9 =	vor.u32 s10, v2;
	s13 =	sand.u32 $0x70, s11  }
0x1ec: {  	s10 =	sand.u32 $0xFFFFFF80, s12;
	p0 =	seq.s32 s9, $0x0;
	v10 =	vnsel vm0, $0xFF800000, v8;
	vm0 =	vge.s32 v9, v1;
	vm1 =	vlt.s32 v9, v3;
	s12 =	sadd.s32 $0x10, s12  }
.Ltmp41:
0x1ed: {  	s13 =	sor.u32 s13, s10;
	s10 =	sadd.s32 $0x10, s11;
	vm2 =	vgt.f32 v10, v5;
	vm0 =	vmand vm0, vm1;
	(pc) =	sbr.rel @!p0 .LBB2_54-.Ltmp41, $4  }
0x1ee: {  	s12 =	sand.u32 $0xFFFFFF80, s12;
	v8 =	vld [tilespmem:s13+$0x0];
	s13 =	sand.u32 $0x70, s10;
	v5 =	vsel vm2, v10, v5;
	v7 =	vsel vm2, v4, v7;
	v10 =	vnsel vm0, $0xFF800000, v6  }
0x1ef: {  	s12 =	sor.u32 s13, s12;
	vm0 =	vgt.f32 v10, v5  }
0x1f0: {  	v4 =	vor.u32 s11, v2;
	v6 =	vld [tilespmem:s12+$0x0];
	v5 =	vsel vm0, v10, v5;
	v7 =	vsel vm0, v9, v7  }
0x1f1: {  	s11 =	sadd.s32 $0x20, s11;
	vm1 =	vlt.s32 v4, v3;
	vm0 =	vge.s32 v4, v1  }
.LBB2_55:
0x1f2: {  	vm0 =	vmand vm0, vm1;
	v9 =	vor.u32 s10, v2  }
0x1f3: {  	v2 =	vnsel vm0, $0xFF800000, v8;
	vm14 =	vge.s32 v9, v1;
	vm15 =	vlt.s32 v9, v3  }
0x1f4: {  	vm2 =	vgt.f32 v2, v5;
	vm0 =	vmand vm14, vm15  }
0x1f5: {  	v1 =	vsel vm2, v2, v5;
	v2 =	vnsel vm0, $0xFF800000, v6  }
0x1f6: {  	v3 =	vsel vm2, v4, v7;
	vm0 =	vgt.f32 v2, v1  }
0x1f7: {  	v2 =	vsel vm0, v2, v1;
	v1 =	vsel vm0, v9, v3  }
.LBB2_56:
0x1f8: {  	(v2sf) =	vpush v0, $0xE;
	_ =	sdelay $0xe  }
0x1f9: {  	s7 =	spop (v2sf)  }
0x1fa: {  	s11 =	smov.u32 s4;
	p0 =	slt.s32 s7, s4  }
0x1fb: {  	s12 =	smov.u32 s5;
	s11 =	smov.u32 @p0 s7;
	p0 =	sgt.s32 s8, s5  }
0x1fc: {  	s12 =	smov.u32 @p0 s8;
	s31 =	sadd.s32 $0xF, s11  }
0x1fd: {  	s9 =	sshrl.u32 s12, $0x4;
	s8 =	sshrl.u32 s31, $0x4  }
0x1fe: {  	s8 =	ssub.s32 s8, s9  }
0x1ff: {  	p0 =	slt.s32 s8, $0x1  }
.Ltmp42:
0x200: {  	_ = 	snop;
	(pc) =	sbr.rel @p0 .LBB2_60-.Ltmp42, $3  }
0x201: {  	_ =	sdelay $0x1  }
0x202: {  	[tilespmem:$0xCD0] =	vst v2;
	v2 =	vimm.s32 $0x8000  }
0x203: {  	s6 =	sshrl.u32 s6, $0x2;
	[tilespmem:$0xDD0] =	vst v1;
	v1 =	vimm.f32 $-Inf;
	v4 =	vimm.f32 $-Inf;
	v3 =	vimm.s32 $0x8000  }
0x204: {  	s8 =	sadd.s32 $0x1, s8  }
0x205: {  	s9 =	sshrl.u32 s8, $0x1  }
0x206: {  	s13 =	sand.u32 $0x7FFFFFF0, s12;
	s8 =	ssub.s32 $0x0, s5;
	s9 =	ssub.s32 $0x0, s9  }
0x207: {  	s16 =	sand.u32 $0x70, s13;
	s14 =	sadd.s32 s13, s8;
	s9 =	sadd.s32 $0x1, s9  }
0x208: {  	s10 =	sadd.s32 $0x10, s13;
	s15 =	sand.u32 $0xFFFFFF80, s14;
	p0 =	seq.s32 s9, $0x0  }
.Ltmp43:
0x209: {  	s14 =	sadd.s32 $0x10, s14;
	s29 =	sor.u32 s16, s15;
	(pc) =	sbr.rel @p0 .LBB2_59-.Ltmp43, $4  }
0x20a: {  	s30 =	sand.u32 $0x70, s10;
	s14 =	sand.u32 $0xFFFFFF80, s14;
	v10 =	vld [tilespmem:s29+$0x0]  }
0x20b: {  	v3 =	vmov s12;
	v4 =	vlaneseq.u32;
	s31 =	sor.u32 s30, s14  }
0x20c: {  	v5 =	vmov s11;
	v7 =	vimm.f32 $-Inf;
	v6 =	vor.u32 s13, v4;
	v8 =	vld [tilespmem:s31+$0x0]  }
0x20d: {  	v9 =	vimm.s32 $0x8000;
	s11 =	sadd.s32 $0x20, s13;
	vm0 =	vge.s32 v6, v3;
	vm1 =	vlt.s32 v6, v5  }
.LBB2_58:
0x20e: {  	s12 =	sadd.s32 s11, s8;
	s9 =	sadd.s32 $0x1, s9;
	vm0 =	vmand vm0, vm1;
	v11 =	vor.u32 s10, v4;
	s13 =	sand.u32 $0x70, s11  }
0x20f: {  	s10 =	sand.u32 $0xFFFFFF80, s12;
	p0 =	seq.s32 s9, $0x0;
	v12 =	vnsel vm0, $0xFF800000, v10;
	vm0 =	vge.s32 v11, v3;
	vm1 =	vlt.s32 v11, v5;
	s12 =	sadd.s32 $0x10, s12  }
.Ltmp44:
0x210: {  	s13 =	sor.u32 s13, s10;
	s10 =	sadd.s32 $0x10, s11;
	vm2 =	vgt.f32 v12, v7;
	vm0 =	vmand vm0, vm1;
	(pc) =	sbr.rel @!p0 .LBB2_58-.Ltmp44, $4  }
0x211: {  	s12 =	sand.u32 $0xFFFFFF80, s12;
	v10 =	vld [tilespmem:s13+$0x0];
	s13 =	sand.u32 $0x70, s10;
	v7 =	vsel vm2, v12, v7;
	v9 =	vsel vm2, v6, v9;
	v12 =	vnsel vm0, $0xFF800000, v8  }
0x212: {  	s12 =	sor.u32 s13, s12;
	vm0 =	vgt.f32 v12, v7  }
0x213: {  	v6 =	vor.u32 s11, v4;
	v8 =	vld [tilespmem:s12+$0x0];
	v7 =	vsel vm0, v12, v7;
	v9 =	vsel vm0, v11, v9  }
0x214: {  	s11 =	sadd.s32 $0x20, s11;
	vm1 =	vlt.s32 v6, v5;
	vm0 =	vge.s32 v6, v3  }
.LBB2_59:
0x215: {  	vm0 =	vmand vm0, vm1;
	v11 =	vor.u32 s10, v4  }
0x216: {  	v4 =	vnsel vm0, $0xFF800000, v10;
	vm14 =	vge.s32 v11, v3;
	vm15 =	vlt.s32 v11, v5  }
0x217: {  	vm2 =	vgt.f32 v4, v7;
	vm0 =	vmand vm14, vm15  }
0x218: {  	v3 =	vsel vm2, v4, v7;
	v4 =	vnsel vm0, $0xFF800000, v8  }
0x219: {  	v5 =	vsel vm2, v6, v9;
	vm0 =	vgt.f32 v4, v3  }
0x21a: {  	v4 =	vsel vm0, v4, v3;
	v3 =	vsel vm0, v11, v5  }
.LBB2_60:
0x21b: {  	(v2sf) =	vpush v0, $0xF;
	_ =	sdelay $0xe  }
0x21c: {  	s8 =	spop (v2sf)  }
0x21d: {  	p0 =	slt.s32 s8, s4  }
0x21e: {  	p1 =	sgt.s32 s7, s5;
	s9 =	smov.u32 s5;
	s4 =	smov.u32 @p0 s8  }
0x21f: {  	s9 =	smov.u32 @p1 s7;
	s30 =	sadd.s32 $0xF, s4  }
0x220: {  	s31 =	sshrl.u32 s9, $0x4;
	s7 =	sshrl.u32 s30, $0x4  }
0x221: {  	s7 =	ssub.s32 s7, s31  }
0x222: {  	p0 =	slt.s32 s7, $0x1  }
.Ltmp45:
0x223: {  	_ = 	snop;
	(pc) =	sbr.rel @p0 .LBB2_64-.Ltmp45, $3  }
0x224: {  	_ =	sdelay $0x1  }
0x225: {  	[tilespmem:$0xCE0] =	vst v4  }
0x226: {  	s6 =	sadd.s32 s6, s2;
	[tilespmem:$0xDE0] =	vst v3  }
0x227: {  	s7 =	sadd.s32 $0x1, s7  }
0x228: {  	s7 =	sshrl.u32 s7, $0x1  }
0x229: {  	s10 =	sand.u32 $0x7FFFFFF0, s9;
	s5 =	ssub.s32 $0x0, s5;
	s7 =	ssub.s32 $0x0, s7  }
0x22a: {  	s11 =	sadd.s32 s10, s5;
	s13 =	sand.u32 $0x70, s10;
	s7 =	sadd.s32 $0x1, s7  }
0x22b: {  	s8 =	sadd.s32 $0x10, s10;
	s12 =	sand.u32 $0xFFFFFF80, s11;
	p0 =	seq.s32 s7, $0x0  }
.Ltmp46:
0x22c: {  	s11 =	sadd.s32 $0x10, s11;
	s29 =	sor.u32 s13, s12;
	(pc) =	sbr.rel @p0 .LBB2_63-.Ltmp46, $4  }
0x22d: {  	s30 =	sand.u32 $0x70, s8;
	s11 =	sand.u32 $0xFFFFFF80, s11;
	v7 =	vld [tilespmem:s29+$0x0]  }
0x22e: {  	v0 =	vmov s9;
	v1 =	vlaneseq.u32;
	s31 =	sor.u32 s30, s11  }
0x22f: {  	v2 =	vmov s4;
	v4 =	vimm.f32 $-Inf;
	v3 =	vor.u32 s10, v1;
	v5 =	vld [tilespmem:s31+$0x0]  }
0x230: {  	v6 =	vimm.s32 $0x8000;
	s4 =	sadd.s32 $0x20, s10;
	vm0 =	vge.s32 v3, v0;
	vm1 =	vlt.s32 v3, v2  }
.LBB2_62:
0x231: {  	s9 =	sadd.s32 s4, s5;
	s7 =	sadd.s32 $0x1, s7;
	vm0 =	vmand vm0, vm1;
	v8 =	vor.u32 s8, v1;
	s10 =	sand.u32 $0x70, s4  }
0x232: {  	s8 =	sand.u32 $0xFFFFFF80, s9;
	p0 =	seq.s32 s7, $0x0;
	v9 =	vnsel vm0, $0xFF800000, v7;
	vm0 =	vge.s32 v8, v0;
	vm1 =	vlt.s32 v8, v2;
	s9 =	sadd.s32 $0x10, s9  }
.Ltmp47:
0x233: {  	s10 =	sor.u32 s10, s8;
	s8 =	sadd.s32 $0x10, s4;
	vm2 =	vgt.f32 v9, v4;
	vm0 =	vmand vm0, vm1;
	(pc) =	sbr.rel @!p0 .LBB2_62-.Ltmp47, $4  }
0x234: {  	s9 =	sand.u32 $0xFFFFFF80, s9;
	v7 =	vld [tilespmem:s10+$0x0];
	s10 =	sand.u32 $0x70, s8;
	v4 =	vsel vm2, v9, v4;
	v6 =	vsel vm2, v3, v6;
	v9 =	vnsel vm0, $0xFF800000, v5  }
0x235: {  	s9 =	sor.u32 s10, s9;
	vm0 =	vgt.f32 v9, v4  }
0x236: {  	v3 =	vor.u32 s4, v1;
	v5 =	vld [tilespmem:s9+$0x0];
	v4 =	vsel vm0, v9, v4;
	v6 =	vsel vm0, v8, v6  }
0x237: {  	s4 =	sadd.s32 $0x20, s4;
	vm1 =	vlt.s32 v3, v2;
	vm0 =	vge.s32 v3, v0  }
.LBB2_63:
0x238: {  	vm0 =	vmand vm0, vm1;
	v8 =	vor.u32 s8, v1  }
0x239: {  	v1 =	vnsel vm0, $0xFF800000, v7;
	vm14 =	vge.s32 v8, v0;
	vm15 =	vlt.s32 v8, v2  }
0x23a: {  	vm2 =	vgt.f32 v1, v4;
	vm0 =	vmand vm14, vm15  }
0x23b: {  	v0 =	vsel vm2, v1, v4;
	v1 =	vnsel vm0, $0xFF800000, v5  }
0x23c: {  	v2 =	vsel vm2, v3, v6;
	vm0 =	vgt.f32 v1, v0  }
0x23d: {  	v1 =	vsel vm0, v1, v0;
	v2 =	vsel vm0, v8, v2  }
.LBB2_64:
0x23e: {  	v0 =	vlaneseq.u32  }
0x23f: {  	v0 =	vmul.u32 $0x10, v0;
	_ =	sdelay $0x2  }
0x240: {  	v3 =	vor.u32 $0x1, v0  }
0x241: {  	[tilespmem:$0xCF0] =	vst v1  }
0x242: {  	[tilespmem:$0xDF0] =	vst v2;
	s5 =	simm.s32 $0xC00;
	v46 =	vor.u32 $0x2, v0  }
0x243: {  	s4 =	simm.s32 $0xD00;
	v2 =	vld.idx.msk [tilespmem:v0+s5+$0x0], $0xffff  }
0x244: {  	v5 =	vor.u32 $0x3, v0;
	v4 =	vld.idx.msk [tilespmem:v0+s4+$0x0], $0xffff  }
0x245: {  	v6 =	vld.idx.msk [tilespmem:v3+s5+$0x0], $0xffff  }
0x246: {  	v7 =	vor.u32 $0x4, v0;
	v3 =	vld.idx.msk [tilespmem:v3+s4+$0x0], $0xffff  }
0x247: {  	v8 =	vld.idx.msk [tilespmem:v46+s5+$0x0], $0xffff  }
0x248: {  	v9 =	vor.u32 $0x5, v0;
	v1 =	vld.idx.msk [tilespmem:v46+s4+$0x0], $0xffff  }
0x249: {  	v10 =	vld.idx.msk [tilespmem:v5+s5+$0x0], $0xffff  }
0x24a: {  	v11 =	vor.u32 $0x6, v0;
	v5 =	vld.idx.msk [tilespmem:v5+s4+$0x0], $0xffff  }
0x24b: {  	v12 =	vld.idx.msk [tilespmem:v7+s5+$0x0], $0xffff  }
0x24c: {  	v13 =	vor.u32 $0x7, v0;
	v7 =	vld.idx.msk [tilespmem:v7+s4+$0x0], $0xffff  }
0x24d: {  	v14 =	vld.idx.msk [tilespmem:v9+s5+$0x0], $0xffff  }
0x24e: {  	v15 =	vor.u32 $0x8, v0;
	v9 =	vld.idx.msk [tilespmem:v9+s4+$0x0], $0xffff  }
0x24f: {  	v16 =	vld.idx.msk [tilespmem:v11+s5+$0x0], $0xffff  }
0x250: {  	v17 =	vor.u32 $0x9, v0;
	v11 =	vld.idx.msk [tilespmem:v11+s4+$0x0], $0xffff  }
0x251: {  	v18 =	vld.idx.msk [tilespmem:v13+s5+$0x0], $0xffff  }
0x252: {  	v19 =	vor.u32 $0xA, v0;
	v13 =	vld.idx.msk [tilespmem:v13+s4+$0x0], $0xffff  }
0x253: {  	v20 =	vld.idx.msk [tilespmem:v15+s5+$0x0], $0xffff  }
0x254: {  	v21 =	vor.u32 $0xB, v0;
	v15 =	vld.idx.msk [tilespmem:v15+s4+$0x0], $0xffff  }
0x255: {  	v22 =	vld.idx.msk [tilespmem:v17+s5+$0x0], $0xffff  }
0x256: {  	v23 =	vor.u32 $0xC, v0;
	v17 =	vld.idx.msk [tilespmem:v17+s4+$0x0], $0xffff  }
0x257: {  	v25 =	vor.u32 $0xD, v0;
	v24 =	vld.idx.msk [tilespmem:v19+s5+$0x0], $0xffff  }
0x258: {  	v26 =	vor.u32 $0xE, v0;
	v19 =	vld.idx.msk [tilespmem:v19+s4+$0x0], $0xffff  }
0x259: {  	v0 =	vor.u32 $0xF, v0;
	v27 =	vld.idx.msk [tilespmem:v21+s5+$0x0], $0xffff  }
0x25a: {  	v21 =	vld.idx.msk [tilespmem:v21+s4+$0x0], $0xffff;
	vm0 =	vgt.f32 v6, v2;
	vm1 =	veq.f32 v6, v2;
	vm2 =	vlt.s32 v3, v4  }
0x25b: {  	v28 =	vld.idx.msk [tilespmem:v23+s5+$0x0], $0xffff;
	vm11 =	veq.f32 v10, v8;
	vm3 =	vlt.s32 v5, v1;
	vm12 =	vgt.f32 v10, v8  }
0x25c: {  	v29 =	vld.idx.msk [tilespmem:v25+s5+$0x0], $0xffff;
	vm13 =	veq.f32 v14, v12;
	vm14 =	vlt.s32 v9, v7;
	vm15 =	vgt.f32 v14, v12  }
0x25d: {  	v47 =	vld.idx.msk [tilespmem:v26+s5+$0x0], $0xffff;
	vm7 =	vgt.f32 v18, v16;
	vm8 =	veq.f32 v18, v16;
	vm9 =	vlt.s32 v13, v11  }
0x25e: {  	v51 =	vld.idx.msk [tilespmem:v23+s4+$0x0], $0xffff;
	vm10 =	veq.f32 v22, v20;
	vm1 =	vmand vm1, vm2;
	vm2 =	vmand vm11, vm3  }
0x25f: {  	v52 =	vld.idx.msk [tilespmem:v25+s4+$0x0], $0xffff;
	vm11 =	vlt.s32 v17, v15;
	vm0 =	vmor vm0, vm1;
	vm1 =	vmor vm12, vm2  }
0x260: {  	v53 =	vld.idx.msk [tilespmem:v26+s4+$0x0], $0xffff;
	vm2 =	vmand vm13, vm14;
	vm12 =	vgt.f32 v22, v20;
	vm13 =	veq.f32 v27, v24  }
0x261: {  	v49 =	vld.idx.msk [tilespmem:v0+s5+$0x0], $0xffff;
	vm14 =	vlt.s32 v21, v19;
	v2 =	vsel vm0, v6, v2;
	v3 =	vsel vm0, v3, v4  }
0x262: {  	v0 =	vld.idx.msk [tilespmem:v0+s4+$0x0], $0xffff;
	v48 =	vsel vm1, v10, v8;
	vm6 =	vmor vm15, vm2;
	v1 =	vsel vm1, v5, v1  }
0x263: {  	vm1 =	vmand vm8, vm9;
	vm2 =	vmand vm10, vm11;
	vm15 =	vgt.f32 v27, v24  }
0x264: {  	vm8 =	veq.f32 v29, v28;
	vm9 =	vlt.s32 v52, v51;
	v50 =	vsel vm6, v14, v12  }
0x265: {  	v7 =	vsel vm6, v9, v7;
	vm0 =	vmor vm7, vm1;
	vm1 =	vmor vm12, vm2  }
0x266: {  	vm2 =	vmand vm13, vm14;
	vm7 =	vgt.f32 v29, v28;
	vm10 =	veq.f32 v49, v47  }
0x267: {  	vm11 =	vlt.s32 v0, v53;
	vm12 =	vgt.f32 v49, v47;
	vm13 =	veq.f32 v48, v2  }
0x268: {  	vm14 =	vlt.s32 v1, v3;
	v54 =	vsel vm0, v18, v16;
	v11 =	vsel vm0, v13, v11  }
0x269: {  	v55 =	vsel vm1, v22, v20;
	vm6 =	vmor vm15, vm2;
	v15 =	vsel vm1, v17, v15  }
0x26a: {  	vm1 =	vmand vm8, vm9;
	vm2 =	vmand vm10, vm11;
	vm15 =	vgt.f32 v48, v2  }
0x26b: {  	v56 =	vsel vm6, v27, v24;
	v57 =	vsel vm6, v21, v19;
	vm0 =	vmor vm7, vm1  }
0x26c: {  	vm1 =	vmor vm12, vm2;
	vm2 =	vmand vm13, vm14;
	vm7 =	vgt.f32 v54, v50  }
0x26d: {  	vm8 =	veq.f32 v54, v50;
	vm9 =	vlt.s32 v11, v7;
	v58 =	vsel vm0, v29, v28  }
0x26e: {  	v9 =	vsel vm0, v52, v51;
	v6 =	vsel vm1, v49, v47;
	vm6 =	vmor vm15, vm2  }
0x26f: {  	v0 =	vsel vm1, v0, v53;
	vm1 =	vmand vm8, vm9;
	vm10 =	veq.f32 v56, v55  }
0x270: {  	vm11 =	vlt.s32 v57, v15;
	vm12 =	vgt.f32 v56, v55;
	v2 =	vsel vm6, v48, v2  }
0x271: {  	v1 =	vsel vm6, v1, v3;
	vm0 =	vmor vm7, vm1;
	vm2 =	vmand vm10, vm11  }
0x272: {  	vm13 =	veq.f32 v6, v58;
	vm14 =	vlt.s32 v0, v9;
	vm15 =	vgt.f32 v6, v58  }
0x273: {  	vm1 =	vmor vm12, vm2;
	v59 =	vsel vm0, v54, v50;
	vm2 =	vmand vm13, vm14  }
0x274: {  	v60 =	vsel vm0, v11, v7;
	v61 =	vsel vm1, v56, v55;
	vm6 =	vmor vm15, vm2  }
0x275: {  	v62 =	vsel vm1, v57, v15;
	vm7 =	vgt.f32 v59, v2;
	vm8 =	veq.f32 v59, v2  }
0x276: {  	vm9 =	vlt.s32 v60, v1;
	v6 =	vsel vm6, v6, v58;
	v0 =	vsel vm6, v0, v9  }
0x277: {  	vm1 =	vmand vm8, vm9;
	vm10 =	veq.f32 v6, v61;
	vm11 =	vlt.s32 v0, v62  }
0x278: {  	vm0 =	vmor vm7, vm1;
	vm13 =	vgt.f32 v6, v61;
	vm12 =	vmand vm10, vm11  }
0x279: {  	v2 =	vsel vm0, v59, v2;
	vm1 =	vmor vm13, vm12  }
0x27a: {  	v1 =	vsel vm0, v60, v1;
	v63 =	vsel vm1, v6, v61;
	v0 =	vsel vm1, v0, v62  }
0x27b: {  	vm14 =	veq.f32 v63, v2;
	vm1 =	vlt.s32 v0, v1  }
0x27c: {  	vm15 =	vgt.f32 v63, v2;
	vm0 =	vmand vm14, vm1  }
0x27d: {  	vm0 =	vmor vm15, vm0  }
0x27e: {  	v2 =	vsel vm0, v63, v2  }
0x27f: {  	v0 =	vsel vm0, v0, v1;
	[tilespmem:$0x900] =	vst v2  }
0x280: {  	s31 =	simm.s32 $0x900;
	s4 =	simm.s32 $0x3;
	[tilespmem:$0x910] =	vst v0  }
0x281: {  	[spmem:s6] =	stream.linear.scatter [tilespmem:s31], [sflag:$0x3], $0x20, $0x38;
	[tilespmem:$0xE20] =	vst v63  }
0x282: {  	_ =	swait.ge [sflag:s4], $0x20  }
0x283: {  	[sflag:s4] =	ssyncset.done $0x0  }
0x284: {  	[sflag:s4] =	ssyncadd.s32 $0xFFFFFFE0  }
0x285: {  	p0 =	sne.s32 s3, $0x0;
	[bflag:$0x0] =	sbarrier.arrive $0xFFFF  }
0x286: {  	_ =	sfence.sel @p0 $0x180000  }
0x287: {  	[bflag:$0x0] =	sbarrier.arrive @p0 $0xFFFF  }
0x288: {  	_ =	strace @p0 $0x90000047  }
0x289: {  	[bflag:$0x2] =	sbarrier.arrive @p0 $0xFFFF  }
0x28a: {  	_ =	shalt @p0  }
.LBB2_65:
0x28b: {  	s3 =	simm.s32 $0x980  }
0x28c: {  	[tilespmem:s3], [sflag:$0x3] =	stream.linear.gather [spmem:s2], $0x200, $0x38;
	[tilespmem:$0xE20] =	vst v63  }
0x28d: {  	_ =	swait.ge [sflag:s4], $0x200  }
0x28e: {  	[sflag:s4] =	ssyncset.done $0x0  }
0x28f: {  	[sflag:s4] =	ssyncadd.s32 $0xFFFFFE00  }
0x290: {  	v0 =	vld [tilespmem:$0x980]  }
0x291: {  	v1 =	vld [tilespmem:$0x990]  }
0x292: {  	v2 =	vld [tilespmem:$0x9A0]  }
0x293: {  	v3 =	vld [tilespmem:$0x9B0]  }
0x294: {  	v4 =	vld [tilespmem:$0x9C0]  }
0x295: {  	v5 =	vld [tilespmem:$0x9D0]  }
0x296: {  	v6 =	vld [tilespmem:$0x9E0]  }
0x297: {  	v7 =	vld [tilespmem:$0x9F0]  }
0x298: {  	v8 =	vld [tilespmem:$0xA00]  }
0x299: {  	v9 =	vld [tilespmem:$0xA10]  }
0x29a: {  	v10 =	vld [tilespmem:$0xA20]  }
0x29b: {  	v11 =	vld [tilespmem:$0xA30]  }
0x29c: {  	v12 =	vld [tilespmem:$0xA40]  }
0x29d: {  	v13 =	vld [tilespmem:$0xA50]  }
0x29e: {  	v14 =	vld [tilespmem:$0xA60]  }
0x29f: {  	v15 =	vld [tilespmem:$0xA70]  }
0x2a0: {  	v16 =	vld [tilespmem:$0xA80]  }
0x2a1: {  	v17 =	vld [tilespmem:$0xA90]  }
0x2a2: {  	v18 =	vld [tilespmem:$0xAA0]  }
0x2a3: {  	v19 =	vld [tilespmem:$0xAB0]  }
0x2a4: {  	v20 =	vld [tilespmem:$0xAC0]  }
0x2a5: {  	v21 =	vld [tilespmem:$0xAD0]  }
0x2a6: {  	v22 =	vld [tilespmem:$0xAE0]  }
0x2a7: {  	v23 =	vld [tilespmem:$0xAF0]  }
0x2a8: {  	v24 =	vld [tilespmem:$0xB00]  }
0x2a9: {  	v25 =	vld [tilespmem:$0xB10];
	vm0 =	vgt.f32 v2, v0;
	vm1 =	veq.f32 v2, v0;
	vm2 =	vlt.s32 v3, v1  }
0x2aa: {  	v45 =	vld [tilespmem:$0xB20];
	vm11 =	veq.f32 v6, v4;
	vm3 =	vlt.s32 v7, v5;
	vm12 =	vgt.f32 v6, v4  }
0x2ab: {  	v47 =	vld [tilespmem:$0xB30];
	vm13 =	veq.f32 v10, v8;
	vm14 =	vlt.s32 v11, v9;
	vm15 =	vgt.f32 v10, v8  }
0x2ac: {  	v50 =	vld [tilespmem:$0xB40];
	vm7 =	vgt.f32 v14, v12;
	vm8 =	veq.f32 v14, v12;
	vm9 =	vlt.s32 v15, v13  }
0x2ad: {  	v51 =	vld [tilespmem:$0xB50];
	vm10 =	veq.f32 v18, v16;
	vm1 =	vmand vm1, vm2;
	vm2 =	vmand vm11, vm3  }
0x2ae: {  	v52 =	vld [tilespmem:$0xB60];
	vm11 =	vlt.s32 v19, v17;
	vm0 =	vmor vm0, vm1;
	vm1 =	vmor vm12, vm2  }
0x2af: {  	v53 =	vld [tilespmem:$0xB70];
	vm2 =	vmand vm13, vm14;
	vm12 =	vgt.f32 v18, v16;
	vm13 =	veq.f32 v22, v20  }
0x2b0: {  	vm14 =	vlt.s32 v23, v21;
	v0 =	vsel vm0, v2, v0;
	v1 =	vsel vm0, v3, v1  }
0x2b1: {  	v46 =	vsel vm1, v6, v4;
	vm6 =	vmor vm15, vm2;
	v5 =	vsel vm1, v7, v5  }
0x2b2: {  	vm1 =	vmand vm8, vm9;
	vm2 =	vmand vm10, vm11;
	vm15 =	vgt.f32 v22, v20  }
0x2b3: {  	vm8 =	veq.f32 v45, v24;
	vm9 =	vlt.s32 v47, v25;
	vm10 =	veq.f32 v52, v50  }
0x2b4: {  	vm11 =	vlt.s32 v53, v51;
	v48 =	vsel vm6, v10, v8;
	v49 =	vsel vm6, v11, v9  }
0x2b5: {  	vm0 =	vmor vm7, vm1;
	vm1 =	vmor vm12, vm2;
	vm2 =	vmand vm13, vm14  }
0x2b6: {  	vm7 =	vgt.f32 v45, v24;
	vm12 =	vgt.f32 v52, v50;
	vm13 =	veq.f32 v46, v0  }
0x2b7: {  	vm14 =	vlt.s32 v5, v1;
	v12 =	vsel vm0, v14, v12;
	v13 =	vsel vm0, v15, v13  }
0x2b8: {  	v54 =	vsel vm1, v18, v16;
	vm6 =	vmor vm15, vm2;
	v55 =	vsel vm1, v19, v17  }
0x2b9: {  	vm1 =	vmand vm8, vm9;
	vm2 =	vmand vm10, vm11;
	vm15 =	vgt.f32 v46, v0  }
0x2ba: {  	v56 =	vsel vm6, v22, v20;
	v57 =	vsel vm6, v23, v21;
	vm0 =	vmor vm7, vm1  }
0x2bb: {  	vm1 =	vmor vm12, vm2;
	vm2 =	vmand vm13, vm14;
	vm7 =	vgt.f32 v12, v48  }
0x2bc: {  	vm8 =	veq.f32 v12, v48;
	vm9 =	vlt.s32 v13, v49;
	v2 =	vsel vm0, v45, v24  }
0x2bd: {  	v4 =	vsel vm0, v47, v25;
	v8 =	vsel vm1, v52, v50;
	vm6 =	vmor vm15, vm2  }
0x2be: {  	v9 =	vsel vm1, v53, v51;
	vm1 =	vmand vm8, vm9;
	vm10 =	veq.f32 v56, v54  }
0x2bf: {  	vm11 =	vlt.s32 v57, v55;
	vm12 =	vgt.f32 v56, v54;
	v0 =	vsel vm6, v46, v0  }
0x2c0: {  	v1 =	vsel vm6, v5, v1;
	vm0 =	vmor vm7, vm1;
	vm2 =	vmand vm10, vm11  }
0x2c1: {  	vm13 =	veq.f32 v8, v2;
	vm14 =	vlt.s32 v9, v4;
	vm15 =	vgt.f32 v8, v2  }
0x2c2: {  	vm1 =	vmor vm12, vm2;
	v58 =	vsel vm0, v12, v48;
	vm2 =	vmand vm13, vm14  }
0x2c3: {  	v59 =	vsel vm0, v13, v49;
	v60 =	vsel vm1, v56, v54;
	vm6 =	vmor vm15, vm2  }
0x2c4: {  	v61 =	vsel vm1, v57, v55;
	vm7 =	vgt.f32 v58, v0;
	vm8 =	veq.f32 v58, v0  }
0x2c5: {  	vm9 =	vlt.s32 v59, v1;
	v2 =	vsel vm6, v8, v2;
	v4 =	vsel vm6, v9, v4  }
0x2c6: {  	vm1 =	vmand vm8, vm9;
	vm10 =	veq.f32 v2, v60;
	vm11 =	vlt.s32 v4, v61  }
0x2c7: {  	vm0 =	vmor vm7, vm1;
	vm13 =	vgt.f32 v2, v60;
	vm12 =	vmand vm10, vm11  }
0x2c8: {  	v0 =	vsel vm0, v58, v0;
	vm1 =	vmor vm13, vm12  }
0x2c9: {  	v1 =	vsel vm0, v59, v1;
	v2 =	vsel vm1, v2, v60;
	v62 =	vsel vm1, v4, v61  }
0x2ca: {  	vm14 =	veq.f32 v2, v0;
	vm1 =	vlt.s32 v62, v1  }
0x2cb: {  	vm15 =	vgt.f32 v2, v0;
	vm0 =	vmand vm14, vm1  }
0x2cc: {  	vm0 =	vmor vm15, vm0  }
0x2cd: {  	v63 =	vsel vm0, v62, v1  }
0x2ce: {  	vm0 =	vgt.s32 v63, $0x7FFF  }
0x2cf: {  	v0 =	vsel vm0, $0xFFFFFFFF, v63  }
0x2d0: {  	s30 =	simm.s32 $0x0;
	s31 =	simm.s32 $0xB80;
	[tilespmem:$0xB80] =	vst v0  }
0x2d1: {  	[hbm4b:s1+s30] =	stream.linear.scatter [tilespmem:s31], [sflag:$0x3], $0x80, $0x38;
	[tilespmem:$0xE20] =	vst v63  }
0x2d2: {  	_ =	swait.ge [sflag:s4], $0x80  }
0x2d3: {  	[sflag:s4] =	ssyncset.done $0x0  }
0x2d4: {  	[sflag:s4] =	ssyncadd.s32 $0xFFFFFF80  }
0x2d5: {  	_ =	sfence.sel $0x180000  }
0x2d6: {  	[bflag:$0x0] =	sbarrier.arrive $0xFFFF  }
0x2d7: {  	_ =	strace $0x90000047  }
0x2d8: {  	s0 =	sadd.s32 $0x100000, s0;
	[bflag:$0x2] =	sbarrier.arrive $0xFFFF  }
0x2d9: {  	[sflag:s0] =	ssyncadd.tile.s32 $0x1;
	_ =	shalt  }
.Lfunc_end2:
_tile_overlayer_lowered:
.L_overlay_start_2:
0x2da: {  	(tag) =	ssettag $0x2  }
0x2db: {  	s0 =	rddreg [dreg:$0x0];
	s2 =	stileid.u32  }
0x2dc: {  	s1 =	rddreg [dreg:$0x1];
	p0 =	sne.s32 s2, $0x0  }
0x2dd: {  	s3 =	rddreg [dreg:$0x2];
	[bflag:$0x3] =	sbarrier.arrive $0xFFFF;
	s2 =	simm.s32 @!p0 $0x1C03  }
0x2de: {  	[timem:s3], [sflag:s2] =	dma.local @!p0 [hbm:s0], s1  }
0x2df: {  	s0 =	simm.s32 @!p0 $0x3  }
0x2e0: {  	_ =	swait.ge @!p0 [sflag:s0], s1  }
0x2e1: {  	s1 =	ssub.s32 @!p0 $0x0, s1;
	[sflag:s0] =	ssyncset.done @!p0 $0x0  }
0x2e2: {  	[sflag:s0] =	ssyncadd.s32 @!p0 s1  }
0x2e3: {  	[bflag:$0x3] =	sbarrier.arrive $0xFFFF  }
0x2e4: {  	_ =	shalt  }

</sc_bundles>
